<compile_context>
chip_gen: v7x
topology: tpu7x:2x2x1
jax: 0.10.2.dev20260603
libtpu: 0.0.44.dev20260713+nightly
codegen_flags: <defaults>
</compile_context>

<pallas_src>
import functools

import jax
import jax.numpy as jnp
import numpy as np
from jax import lax
from jax.experimental import pallas as pl
from jax.experimental.pallas import tpu as pltpu
from jax.experimental.pallas import tpu_sc as plsc

_VARIABLES = ["tp", "cp", "swl"]
_DATA_INDEX = np.array([3, 17, 42], dtype=np.int64)
_MIN_VAL = [0.0, 0.0, 0.0]
_NORMALIZER = ["mean-std", "min-max", "std"]
_STATS = {
    "mean": np.array([0.5, 0.2, 0.1], dtype=np.float32),
    "stdev": np.array([1.2, 0.8, 0.3], dtype=np.float32),
    "min": np.array([0.0, 0.0, 0.0], dtype=np.float32),
    "max": np.array([10.0, 5.0, 1.0], dtype=np.float32),
}
_NAME_TO_INDEX_STATS = {"tp": 0, "cp": 1, "swl": 2}


def _compute_norm_min_val() -> np.ndarray:
    nmv = np.zeros(len(_VARIABLES), dtype=np.float32)
    for ii, var in enumerate(_VARIABLES):
        si = _NAME_TO_INDEX_STATS[var]
        if _NORMALIZER[ii] == "mean-std":
            nmv[ii] = (_MIN_VAL[ii] - _STATS["mean"][si]) / _STATS["stdev"][si]
        elif _NORMALIZER[ii] == "min-max":
            nmv[ii] = (_MIN_VAL[ii] - _STATS["min"][si]) / (_STATS["max"][si] - _STATS["min"][si])
        elif _NORMALIZER[ii] == "max":
            nmv[ii] = _MIN_VAL[ii] / _STATS["max"][si]
        elif _NORMALIZER[ii] == "std":
            nmv[ii] = _MIN_VAL[ii] / _STATS["stdev"][si]
    return nmv


_NMV = _compute_norm_min_val()


def _sc_part(x1d, start_words, sc_words, nbuf=2, chunk=32768):
    info = plsc.get_sparse_core_info()
    nc, ns = info.num_cores, info.num_subcores
    nw = nc * ns
    per_w = sc_words // nw
    n_chunks = per_w // chunk
    mesh = plsc.VectorSubcoreMesh(core_axis_name="c", subcore_axis_name="s")

    @functools.partial(
        pl.kernel,
        mesh=mesh,
        out_type=jax.ShapeDtypeStruct((sc_words,), jnp.float32),
        scratch_types=(
            [pltpu.VMEM((chunk,), jnp.float32)] * nbuf
            + [pltpu.SemaphoreType.DMA] * (2 * nbuf)
        ),
    )
    def k(x_hbm, o_hbm, *refs):
        bufs = refs[:nbuf]
        sin = refs[nbuf:2 * nbuf]
        sout = refs[2 * nbuf:3 * nbuf]
        wid = lax.axis_index("s") * nc + lax.axis_index("c")
        base = wid * per_w
        lane = lax.iota(jnp.int32, 16)
        ninf = jnp.float32(-jnp.inf)
        floors = [
            (0, jnp.where(lane == 3, jnp.float32(_NMV[0]), ninf)),
            (16, jnp.where(lane == 1, jnp.float32(_NMV[1]), ninf)),
            (32, jnp.where(lane == 10, jnp.float32(_NMV[2]), ninf)),
        ]

        def fix_rows(buf):
            def fix_row(r, carry):
                row = r * 128
                for off, fl in floors:
                    sl = pl.ds(row + off, 16)
                    buf[sl] = jnp.maximum(buf[sl], fl)
                return carry

            lax.fori_loop(0, chunk // 128, fix_row, 0)

        def copy_in(g):
            b = g % nbuf
            return pltpu.make_async_copy(
                x_hbm.at[pl.ds(start_words + base + g * chunk, chunk)],
                bufs[b], sin[b])

        def copy_out(g):
            b = g % nbuf
            return pltpu.make_async_copy(
                bufs[b], o_hbm.at[pl.ds(base + g * chunk, chunk)], sout[b])

        waited = set()
        for g in range(min(nbuf - 1, n_chunks)):
            copy_in(g).start()
        for g in range(n_chunks):
            nxt = g + nbuf - 1
            if nxt < n_chunks:
                if nxt >= nbuf:
                    copy_out(nxt - nbuf).wait()
                    waited.add(nxt - nbuf)
                copy_in(nxt).start()
            copy_in(g).wait()
            fix_rows(bufs[g % nbuf])
            copy_out(g).start()
        for g in range(n_chunks):
            if g not in waited:
                copy_out(g).wait()

    return k(x1d)


@jax.jit
def _sc_bound(x1d):
    return _sc_part(x1d, 0, x1d.shape[0])


def kernel(x):
    shape = x.shape
    return _sc_bound(x.reshape(-1)).reshape(shape)

# --- scband reference (transcript-rebuilt; emitter-appended) ---
"""Pipeline reference for scband-normalized-relu-bounding-38190849196153 (READ-ONLY COPY).

The authoritative reference and input builder live on the scoring server;
editing this copy changes nothing except your own understanding.
"""

import jax, jax.numpy as jnp
import numpy as np

_VARIABLES = ["tp", "cp", "swl"]
_DATA_INDEX = np.array([3, 17, 42], dtype=np.int64)
_MIN_VAL = [0.0, 0.0, 0.0]
_NORMALIZER = ["mean-std", "min-max", "std"]
_STATS = {
    "mean": np.array([0.5, 0.2, 0.1], dtype=np.float32),
    "stdev": np.array([1.2, 0.8, 0.3], dtype=np.float32),
    "min": np.array([0.0, 0.0, 0.0], dtype=np.float32),
    "max": np.array([10.0, 5.0, 1.0], dtype=np.float32),
}
_NAME_TO_INDEX_STATS = {"tp": 0, "cp": 1, "swl": 2}


def _norm_min_val():
    nmv = np.zeros(len(_VARIABLES), dtype=np.float32)
    for ii, var in enumerate(_VARIABLES):
        si = _NAME_TO_INDEX_STATS[var]
        if _NORMALIZER[ii] == "mean-std":
            nmv[ii] = (_MIN_VAL[ii] - _STATS["mean"][si]) / _STATS["stdev"][si]
        elif _NORMALIZER[ii] == "min-max":
            nmv[ii] = (_MIN_VAL[ii] - _STATS["min"][si]) / (_STATS["max"][si] - _STATS["min"][si])
        elif _NORMALIZER[ii] == "max":
            nmv[ii] = _MIN_VAL[ii] / _STATS["max"][si]
        elif _NORMALIZER[ii] == "std":
            nmv[ii] = _MIN_VAL[ii] / _STATS["stdev"][si]
    return jnp.asarray(nmv)


def setup_inputs(seed: int = 0) -> dict:
    key = jax.random.key(seed)
    x = jax.random.normal(key, (1, 2, 131072, 128), dtype=jnp.float32)
    return {"x": x}


def reference(x):
    idx = jnp.asarray(_DATA_INDEX)
    nmv = _norm_min_val()
    sub = jnp.take(x, idx, axis=-1)
    bounded = jax.nn.relu(sub - nmv) + nmv
    out = x.at[..., idx].set(bounded)
    return out

if __name__ == "__main__":
    import jax
    _d = setup_inputs()
    print(jax.jit(kernel)(*tuple(_d.values())))

</pallas_src>

<mosaic_0001>
#map = affine_map<(d0, d1) -> (0)>
module attributes {stable_mosaic.version = 14 : i64} {
  func.func @k(%arg0: i32, %arg1: i32, %arg2: memref<33554432xf32, #tpu.memory_space<hbm>>, %arg3: memref<33554432xf32, #tpu.memory_space<hbm>>, %arg4: memref<32768xf32, #tpu.memory_space<vmem>>, %arg5: memref<32768xf32, #tpu.memory_space<vmem>>, %arg6: memref<!tpu.dma_semaphore, #tpu.memory_space<semaphore_mem>>, %arg7: memref<!tpu.dma_semaphore, #tpu.memory_space<semaphore_mem>>, %arg8: memref<!tpu.dma_semaphore, #tpu.memory_space<semaphore_mem>>, %arg9: memref<!tpu.dma_semaphore, #tpu.memory_space<semaphore_mem>>) attributes {dimension_semantics = [#tpu.dimension_semantics<core_parallel>, #tpu.dimension_semantics<subcore_parallel>], iteration_bounds = array<i64: 2, 16>, scalar_prefetch = 0 : i64, scratch_operands = 6 : i64, tpu.core_type = #tpu.core_type<sc_vector_subcore>, window_params = [{transform_indices = #map}, {transform_indices = #map}]} {
    %mul3A = arith.constant 2 : i32
    %mul3A_0 = arith.muli %arg1, %mul3A : i32
    %add3A = arith.addi %mul3A_0, %arg0 : i32
    %mul3A_1 = arith.constant 1048576 : i32
    %mul3A_2 = arith.muli %add3A, %mul3A_1 : i32
    %iota3A = tpu.iota {dimensions = array<i32: 0>} : vector<16xi32>
    %eq3A = arith.constant 3 : i32
    %eq3A_3 = vector.broadcast %eq3A : i32 to vector<16xi32>
    %eq3A_4 = arith.cmpi eq, %iota3A, %eq3A_3 : vector<16xi32>
    %jit3A = arith.constant -0.416666657 : f32
    %jit3A_5 = arith.constant 0xFF800000 : f32
    %broadcast_in_dim3A = vector.broadcast %jit3A : f32 to vector<16xf32>
    %broadcast_in_dim3A_6 = vector.broadcast %jit3A_5 : f32 to vector<16xf32>
    %select_n3A = arith.select %eq3A_4, %broadcast_in_dim3A, %broadcast_in_dim3A_6 : vector<16xi1>, vector<16xf32>
    %eq3A_7 = arith.constant 1 : i32
    %eq3A_8 = vector.broadcast %eq3A_7 : i32 to vector<16xi32>
    %eq3A_9 = arith.cmpi eq, %iota3A, %eq3A_8 : vector<16xi32>
    %jit3A_10 = arith.constant 0.000000e+00 : f32
    %jit3A_11 = arith.constant 0xFF800000 : f32
    %broadcast_in_dim3A_12 = vector.broadcast %jit3A_10 : f32 to vector<16xf32>
    %broadcast_in_dim3A_13 = vector.broadcast %jit3A_11 : f32 to vector<16xf32>
    %select_n3A_14 = arith.select %eq3A_9, %broadcast_in_dim3A_12, %broadcast_in_dim3A_13 : vector<16xi1>, vector<16xf32>
    %eq3A_15 = arith.constant 10 : i32
    %eq3A_16 = vector.broadcast %eq3A_15 : i32 to vector<16xi32>
    %eq3A_17 = arith.cmpi eq, %iota3A, %eq3A_16 : vector<16xi32>
    %jit3A_18 = arith.constant 0.000000e+00 : f32
    %jit3A_19 = arith.constant 0xFF800000 : f32
    %broadcast_in_dim3A_20 = vector.broadcast %jit3A_18 : f32 to vector<16xf32>
    %broadcast_in_dim3A_21 = vector.broadcast %jit3A_19 : f32 to vector<16xf32>
    %select_n3A_22 = arith.select %eq3A_17, %broadcast_in_dim3A_20, %broadcast_in_dim3A_21 : vector<16xi1>, vector<16xf32>
    %add3A_23 = arith.constant 0 : i32
    %add3A_24 = arith.addi %add3A_23, %mul3A_2 : i32
    %add3A_25 = arith.constant 0 : i32
    %add3A_26 = arith.addi %add3A_24, %add3A_25 : i32
    %dma_start3A = tpu.memref_slice %arg2[%add3A_26] : memref<33554432xf32, #tpu.memory_space<hbm>> -> memref<32768xf32, #tpu.memory_space<hbm>>
    %dma_start3A_27 = tpu.memref_slice %arg2[%add3A_26] : memref<33554432xf32, #tpu.memory_space<hbm>> -> memref<32768xf32, #tpu.memory_space<hbm>>
    tpu.enqueue_dma source(%dma_start3A_27 : memref<32768xf32, #tpu.memory_space<hbm>>) target(%arg4 : memref<32768xf32, #tpu.memory_space<vmem>>) target_semaphore(%arg6 : memref<!tpu.dma_semaphore, #tpu.memory_space<semaphore_mem>>)
    %add3A_28 = arith.constant 0 : i32
    %add3A_29 = arith.addi %add3A_28, %mul3A_2 : i32
    %add3A_30 = arith.constant 32768 : i32
    %add3A_31 = arith.addi %add3A_29, %add3A_30 : i32
    %dma_start3A_32 = tpu.memref_slice %arg2[%add3A_31] : memref<33554432xf32, #tpu.memory_space<hbm>> -> memref<32768xf32, #tpu.memory_space<hbm>>
    %dma_start3A_33 = tpu.memref_slice %arg2[%add3A_31] : memref<33554432xf32, #tpu.memory_space<hbm>> -> memref<32768xf32, #tpu.memory_space<hbm>>
    tpu.enqueue_dma source(%dma_start3A_33 : memref<32768xf32, #tpu.memory_space<hbm>>) target(%arg5 : memref<32768xf32, #tpu.memory_space<vmem>>) target_semaphore(%arg7 : memref<!tpu.dma_semaphore, #tpu.memory_space<semaphore_mem>>)
    %add3A_34 = arith.constant 0 : i32
    %add3A_35 = arith.addi %add3A_34, %mul3A_2 : i32
    %add3A_36 = arith.constant 0 : i32
    %add3A_37 = arith.addi %add3A_35, %add3A_36 : i32
    %dma_wait3A = tpu.memref_slice %arg2[%add3A_37] : memref<33554432xf32, #tpu.memory_space<hbm>> -> memref<32768xf32, #tpu.memory_space<hbm>>
    %dma_wait3A_38 = tpu.memref_slice %arg2[%add3A_37] : memref<33554432xf32, #tpu.memory_space<hbm>> -> memref<32768xf32, #tpu.memory_space<hbm>>
    tpu.wait_dma2 semaphore(%arg6 : memref<!tpu.dma_semaphore, #tpu.memory_space<semaphore_mem>>) src(%dma_wait3A_38 : memref<32768xf32, #tpu.memory_space<hbm>>) dst(%arg4 : memref<32768xf32, #tpu.memory_space<vmem>>)
    %scan3A = arith.constant 0 : i32
    %scan3A_39 = arith.constant 0 : i32
    %scan3A_40 = arith.constant 256 : i32
    %scan3A_41 = arith.addi %scan3A_39, %scan3A_40 : i32
    %scan3A_42 = arith.constant 1 : i32
    scf.for %scan3A_852 = %scan3A_39 to %scan3A_41 step %scan3A_42  : i32 {
      %mul3A_853 = arith.constant 128 : i32
      %mul3A_854 = arith.muli %scan3A_852, %mul3A_853 : i32
      %add3A_855 = arith.constant 0 : i32
      %add3A_856 = arith.addi %mul3A_854, %add3A_855 : i32
      %get3A = arith.index_cast %add3A_856 : i32 to index
      %get3A_857 = tpu.vector_load %arg4[%get3A] {strides = array<i32>} : memref<32768xf32, #tpu.memory_space<vmem>>, vector<16xf32>,
      %get3A_858 = vector.shape_cast %get3A_857 : vector<16xf32> to vector<16xf32>
      %max3A = arith.maximumf %get3A_858, %select_n3A : vector<16xf32>
      %swap3A = arith.index_cast %add3A_856 : i32 to index
      %swap3A_859 = tpu.vector_load %arg4[%swap3A] {strides = array<i32>} : memref<32768xf32, #tpu.memory_space<vmem>>, vector<16xf32>,
      %swap3A_860 = vector.shape_cast %swap3A_859 : vector<16xf32> to vector<16xf32>
      %swap3A_861 = vector.shape_cast %max3A : vector<16xf32> to vector<16xf32>
      tpu.vector_store %arg4[%swap3A], %swap3A_861 {strides = array<i32>} : memref<32768xf32, #tpu.memory_space<vmem>>, vector<16xf32>,
      %add3A_862 = arith.constant 16 : i32
      %add3A_863 = arith.addi %mul3A_854, %add3A_862 : i32
      %get3A_864 = arith.index_cast %add3A_863 : i32 to index
      %get3A_865 = tpu.vector_load %arg4[%get3A_864] {strides = array<i32>} : memref<32768xf32, #tpu.memory_space<vmem>>, vector<16xf32>,
      %get3A_866 = vector.shape_cast %get3A_865 : vector<16xf32> to vector<16xf32>
      %max3A_867 = arith.maximumf %get3A_866, %select_n3A_14 : vector<16xf32>
      %swap3A_868 = arith.index_cast %add3A_863 : i32 to index
      %swap3A_869 = tpu.vector_load %arg4[%swap3A_868] {strides = array<i32>} : memref<32768xf32, #tpu.memory_space<vmem>>, vector<16xf32>,
      %swap3A_870 = vector.shape_cast %swap3A_869 : vector<16xf32> to vector<16xf32>
      %swap3A_871 = vector.shape_cast %max3A_867 : vector<16xf32> to vector<16xf32>
      tpu.vector_store %arg4[%swap3A_868], %swap3A_871 {strides = array<i32>} : memref<32768xf32, #tpu.memory_space<vmem>>, vector<16xf32>,
      %add3A_872 = arith.constant 32 : i32
      %add3A_873 = arith.addi %mul3A_854, %add3A_872 : i32
      %get3A_874 = arith.index_cast %add3A_873 : i32 to index
      %get3A_875 = tpu.vector_load %arg4[%get3A_874] {strides = array<i32>} : memref<32768xf32, #tpu.memory_space<vmem>>, vector<16xf32>,
      %get3A_876 = vector.shape_cast %get3A_875 : vector<16xf32> to vector<16xf32>
      %max3A_877 = arith.maximumf %get3A_876, %select_n3A_22 : vector<16xf32>
      %swap3A_878 = arith.index_cast %add3A_873 : i32 to index
      %swap3A_879 = tpu.vector_load %arg4[%swap3A_878] {strides = array<i32>} : memref<32768xf32, #tpu.memory_space<vmem>>, vector<16xf32>,
      %swap3A_880 = vector.shape_cast %swap3A_879 : vector<16xf32> to vector<16xf32>
      %swap3A_881 = vector.shape_cast %max3A_877 : vector<16xf32> to vector<16xf32>
      tpu.vector_store %arg4[%swap3A_878], %swap3A_881 {strides = array<i32>} : memref<32768xf32, #tpu.memory_space<vmem>>, vector<16xf32>,
    }
    %scan3A_43 = arith.constant 256 : i32
    %add3A_44 = arith.constant 0 : i32
    %add3A_45 = arith.addi %mul3A_2, %add3A_44 : i32
    %dma_start3A_46 = tpu.memref_slice %arg3[%add3A_45] : memref<33554432xf32, #tpu.memory_space<hbm>> -> memref<32768xf32, #tpu.memory_space<hbm>>
    %dma_start3A_47 = tpu.memref_slice %arg3[%add3A_45] : memref<33554432xf32, #tpu.memory_space<hbm>> -> memref<32768xf32, #tpu.memory_space<hbm>>
    tpu.enqueue_dma source(%arg4 : memref<32768xf32, #tpu.memory_space<vmem>>) target(%dma_start3A_47 : memref<32768xf32, #tpu.memory_space<hbm>>) target_semaphore(%arg8 : memref<!tpu.dma_semaphore, #tpu.memory_space<semaphore_mem>>)
    %add3A_48 = arith.constant 0 : i32
    %add3A_49 = arith.addi %mul3A_2, %add3A_48 : i32
    %dma_wait3A_50 = tpu.memref_slice %arg3[%add3A_49] : memref<33554432xf32, #tpu.memory_space<hbm>> -> memref<32768xf32, #tpu.memory_space<hbm>>
    %dma_wait3A_51 = tpu.memref_slice %arg3[%add3A_49] : memref<33554432xf32, #tpu.memory_space<hbm>> -> memref<32768xf32, #tpu.memory_space<hbm>>
    tpu.wait_dma2 semaphore(%arg8 : memref<!tpu.dma_semaphore, #tpu.memory_space<semaphore_mem>>) src(%arg4 : memref<32768xf32, #tpu.memory_space<vmem>>) dst(%dma_wait3A_51 : memref<32768xf32, #tpu.memory_space<hbm>>)
    %add3A_52 = arith.constant 0 : i32
    %add3A_53 = arith.addi %add3A_52, %mul3A_2 : i32
    %add3A_54 = arith.constant 65536 : i32
    %add3A_55 = arith.addi %add3A_53, %add3A_54 : i32
    %dma_start3A_56 = tpu.memref_slice %arg2[%add3A_55] : memref<33554432xf32, #tpu.memory_space<hbm>> -> memref<32768xf32, #tpu.memory_space<hbm>>
    %dma_start3A_57 = tpu.memref_slice %arg2[%add3A_55] : memref<33554432xf32, #tpu.memory_space<hbm>> -> memref<32768xf32, #tpu.memory_space<hbm>>
    tpu.enqueue_dma source(%dma_start3A_57 : memref<32768xf32, #tpu.memory_space<hbm>>) target(%arg4 : memref<32768xf32, #tpu.memory_space<vmem>>) target_semaphore(%arg6 : memref<!tpu.dma_semaphore, #tpu.memory_space<semaphore_mem>>)
    %add3A_58 = arith.constant 0 : i32
    %add3A_59 = arith.addi %add3A_58, %mul3A_2 : i32
    %add3A_60 = arith.constant 32768 : i32
    %add3A_61 = arith.addi %add3A_59, %add3A_60 : i32
    %dma_wait3A_62 = tpu.memref_slice %arg2[%add3A_61] : memref<33554432xf32, #tpu.memory_space<hbm>> -> memref<32768xf32, #tpu.memory_space<hbm>>
    %dma_wait3A_63 = tpu.memref_slice %arg2[%add3A_61] : memref<33554432xf32, #tpu.memory_space<hbm>> -> memref<32768xf32, #tpu.memory_space<hbm>>
    tpu.wait_dma2 semaphore(%arg7 : memref<!tpu.dma_semaphore, #tpu.memory_space<semaphore_mem>>) src(%dma_wait3A_63 : memref<32768xf32, #tpu.memory_space<hbm>>) dst(%arg5 : memref<32768xf32, #tpu.memory_space<vmem>>)
    %scan3A_64 = arith.constant 0 : i32
    %scan3A_65 = arith.constant 0 : i32
    %scan3A_66 = arith.constant 256 : i32
    %scan3A_67 = arith.addi %scan3A_65, %scan3A_66 : i32
    %scan3A_68 = arith.constant 1 : i32
    scf.for %scan3A_852 = %scan3A_65 to %scan3A_67 step %scan3A_68  : i32 {
      %mul3A_853 = arith.constant 128 : i32
      %mul3A_854 = arith.muli %scan3A_852, %mul3A_853 : i32
      %add3A_855 = arith.constant 0 : i32
      %add3A_856 = arith.addi %mul3A_854, %add3A_855 : i32
      %get3A = arith.index_cast %add3A_856 : i32 to index
      %get3A_857 = tpu.vector_load %arg5[%get3A] {strides = array<i32>} : memref<32768xf32, #tpu.memory_space<vmem>>, vector<16xf32>,
      %get3A_858 = vector.shape_cast %get3A_857 : vector<16xf32> to vector<16xf32>
      %max3A = arith.maximumf %get3A_858, %select_n3A : vector<16xf32>
      %swap3A = arith.index_cast %add3A_856 : i32 to index
      %swap3A_859 = tpu.vector_load %arg5[%swap3A] {strides = array<i32>} : memref<32768xf32, #tpu.memory_space<vmem>>, vector<16xf32>,
      %swap3A_860 = vector.shape_cast %swap3A_859 : vector<16xf32> to vector<16xf32>
      %swap3A_861 = vector.shape_cast %max3A : vector<16xf32> to vector<16xf32>
      tpu.vector_store %arg5[%swap3A], %swap3A_861 {strides = array<i32>} : memref<32768xf32, #tpu.memory_space<vmem>>, vector<16xf32>,
      %add3A_862 = arith.constant 16 : i32
      %add3A_863 = arith.addi %mul3A_854, %add3A_862 : i32
      %get3A_864 = arith.index_cast %add3A_863 : i32 to index
      %get3A_865 = tpu.vector_load %arg5[%get3A_864] {strides = array<i32>} : memref<32768xf32, #tpu.memory_space<vmem>>, vector<16xf32>,
      %get3A_866 = vector.shape_cast %get3A_865 : vector<16xf32> to vector<16xf32>
      %max3A_867 = arith.maximumf %get3A_866, %select_n3A_14 : vector<16xf32>
      %swap3A_868 = arith.index_cast %add3A_863 : i32 to index
      %swap3A_869 = tpu.vector_load %arg5[%swap3A_868] {strides = array<i32>} : memref<32768xf32, #tpu.memory_space<vmem>>, vector<16xf32>,
      %swap3A_870 = vector.shape_cast %swap3A_869 : vector<16xf32> to vector<16xf32>
      %swap3A_871 = vector.shape_cast %max3A_867 : vector<16xf32> to vector<16xf32>
      tpu.vector_store %arg5[%swap3A_868], %swap3A_871 {strides = array<i32>} : memref<32768xf32, #tpu.memory_space<vmem>>, vector<16xf32>,
      %add3A_872 = arith.constant 32 : i32
      %add3A_873 = arith.addi %mul3A_854, %add3A_872 : i32
      %get3A_874 = arith.index_cast %add3A_873 : i32 to index
      %get3A_875 = tpu.vector_load %arg5[%get3A_874] {strides = array<i32>} : memref<32768xf32, #tpu.memory_space<vmem>>, vector<16xf32>,
      %get3A_876 = vector.shape_cast %get3A_875 : vector<16xf32> to vector<16xf32>
      %max3A_877 = arith.maximumf %get3A_876, %select_n3A_22 : vector<16xf32>
      %swap3A_878 = arith.index_cast %add3A_873 : i32 to index
      %swap3A_879 = tpu.vector_load %arg5[%swap3A_878] {strides = array<i32>} : memref<32768xf32, #tpu.memory_space<vmem>>, vector<16xf32>,
      %swap3A_880 = vector.shape_cast %swap3A_879 : vector<16xf32> to vector<16xf32>
      %swap3A_881 = vector.shape_cast %max3A_877 : vector<16xf32> to vector<16xf32>
      tpu.vector_store %arg5[%swap3A_878], %swap3A_881 {strides = array<i32>} : memref<32768xf32, #tpu.memory_space<vmem>>, vector<16xf32>,
    }
    %scan3A_69 = arith.constant 256 : i32
    %add3A_70 = arith.constant 32768 : i32
    %add3A_71 = arith.addi %mul3A_2, %add3A_70 : i32
    %dma_start3A_72 = tpu.memref_slice %arg3[%add3A_71] : memref<33554432xf32, #tpu.memory_space<hbm>> -> memref<32768xf32, #tpu.memory_space<hbm>>
    %dma_start3A_73 = tpu.memref_slice %arg3[%add3A_71] : memref<33554432xf32, #tpu.memory_space<hbm>> -> memref<32768xf32, #tpu.memory_space<hbm>>
    tpu.enqueue_dma source(%arg5 : memref<32768xf32, #tpu.memory_space<vmem>>) target(%dma_start3A_73 : memref<32768xf32, #tpu.memory_space<hbm>>) target_semaphore(%arg9 : memref<!tpu.dma_semaphore, #tpu.memory_space<semaphore_mem>>)
    %add3A_74 = arith.constant 32768 : i32
    %add3A_75 = arith.addi %mul3A_2, %add3A_74 : i32
    %dma_wait3A_76 = tpu.memref_slice %arg3[%add3A_75] : memref<33554432xf32, #tpu.memory_space<hbm>> -> memref<32768xf32, #tpu.memory_space<hbm>>
    %dma_wait3A_77 = tpu.memref_slice %arg3[%add3A_75] : memref<33554432xf32, #tpu.memory_space<hbm>> -> memref<32768xf32, #tpu.memory_space<hbm>>
    tpu.wait_dma2 semaphore(%arg9 : memref<!tpu.dma_semaphore, #tpu.memory_space<semaphore_mem>>) src(%arg5 : memref<32768xf32, #tpu.memory_space<vmem>>) dst(%dma_wait3A_77 : memref<32768xf32, #tpu.memory_space<hbm>>)
    %add3A_78 = arith.constant 0 : i32
    %add3A_79 = arith.addi %add3A_78, %mul3A_2 : i32
    %add3A_80 = arith.constant 98304 : i32
    %add3A_81 = arith.addi %add3A_79, %add3A_80 : i32
    %dma_start3A_82 = tpu.memref_slice %arg2[%add3A_81] : memref<33554432xf32, #tpu.memory_space<hbm>> -> memref<32768xf32, #tpu.memory_space<hbm>>
    %dma_start3A_83 = tpu.memref_slice %arg2[%add3A_81] : memref<33554432xf32, #tpu.memory_space<hbm>> -> memref<32768xf32, #tpu.memory_space<hbm>>
    tpu.enqueue_dma source(%dma_start3A_83 : memref<32768xf32, #tpu.memory_space<hbm>>) target(%arg5 : memref<32768xf32, #tpu.memory_space<vmem>>) target_semaphore(%arg7 : memref<!tpu.dma_semaphore, #tpu.memory_space<semaphore_mem>>)
    %add3A_84 = arith.constant 0 : i32
    %add3A_85 = arith.addi %add3A_84, %mul3A_2 : i32
    %add3A_86 = arith.constant 65536 : i32
    %add3A_87 = arith.addi %add3A_85, %add3A_86 : i32
    %dma_wait3A_88 = tpu.memref_slice %arg2[%add3A_87] : memref<33554432xf32, #tpu.memory_space<hbm>> -> memref<32768xf32, #tpu.memory_space<hbm>>
    %dma_wait3A_89 = tpu.memref_slice %arg2[%add3A_87] : memref<33554432xf32, #tpu.memory_space<hbm>> -> memref<32768xf32, #tpu.memory_space<hbm>>
    tpu.wait_dma2 semaphore(%arg6 : memref<!tpu.dma_semaphore, #tpu.memory_space<semaphore_mem>>) src(%dma_wait3A_89 : memref<32768xf32, #tpu.memory_space<hbm>>) dst(%arg4 : memref<32768xf32, #tpu.memory_space<vmem>>)
    %scan3A_90 = arith.constant 0 : i32
    %scan3A_91 = arith.constant 0 : i32
    %scan3A_92 = arith.constant 256 : i32
    %scan3A_93 = arith.addi %scan3A_91, %scan3A_92 : i32
    %scan3A_94 = arith.constant 1 : i32
    scf.for %scan3A_852 = %scan3A_91 to %scan3A_93 step %scan3A_94  : i32 {
      %mul3A_853 = arith.constant 128 : i32
      %mul3A_854 = arith.muli %scan3A_852, %mul3A_853 : i32
      %add3A_855 = arith.constant 0 : i32
      %add3A_856 = arith.addi %mul3A_854, %add3A_855 : i32
      %get3A = arith.index_cast %add3A_856 : i32 to index
      %get3A_857 = tpu.vector_load %arg4[%get3A] {strides = array<i32>} : memref<32768xf32, #tpu.memory_space<vmem>>, vector<16xf32>,
      %get3A_858 = vector.shape_cast %get3A_857 : vector<16xf32> to vector<16xf32>
      %max3A = arith.maximumf %get3A_858, %select_n3A : vector<16xf32>
      %swap3A = arith.index_cast %add3A_856 : i32 to index
      %swap3A_859 = tpu.vector_load %arg4[%swap3A] {strides = array<i32>} : memref<32768xf32, #tpu.memory_space<vmem>>, vector<16xf32>,
      %swap3A_860 = vector.shape_cast %swap3A_859 : vector<16xf32> to vector<16xf32>
      %swap3A_861 = vector.shape_cast %max3A : vector<16xf32> to vector<16xf32>
      tpu.vector_store %arg4[%swap3A], %swap3A_861 {strides = array<i32>} : memref<32768xf32, #tpu.memory_space<vmem>>, vector<16xf32>,
      %add3A_862 = arith.constant 16 : i32
      %add3A_863 = arith.addi %mul3A_854, %add3A_862 : i32
      %get3A_864 = arith.index_cast %add3A_863 : i32 to index
      %get3A_865 = tpu.vector_load %arg4[%get3A_864] {strides = array<i32>} : memref<32768xf32, #tpu.memory_space<vmem>>, vector<16xf32>,
      %get3A_866 = vector.shape_cast %get3A_865 : vector<16xf32> to vector<16xf32>
      %max3A_867 = arith.maximumf %get3A_866, %select_n3A_14 : vector<16xf32>
      %swap3A_868 = arith.index_cast %add3A_863 : i32 to index
      %swap3A_869 = tpu.vector_load %arg4[%swap3A_868] {strides = array<i32>} : memref<32768xf32, #tpu.memory_space<vmem>>, vector<16xf32>,
      %swap3A_870 = vector.shape_cast %swap3A_869 : vector<16xf32> to vector<16xf32>
      %swap3A_871 = vector.shape_cast %max3A_867 : vector<16xf32> to vector<16xf32>
      tpu.vector_store %arg4[%swap3A_868], %swap3A_871 {strides = array<i32>} : memref<32768xf32, #tpu.memory_space<vmem>>, vector<16xf32>,
      %add3A_872 = arith.constant 32 : i32
      %add3A_873 = arith.addi %mul3A_854, %add3A_872 : i32
      %get3A_874 = arith.index_cast %add3A_873 : i32 to index
      %get3A_875 = tpu.vector_load %arg4[%get3A_874] {strides = array<i32>} : memref<32768xf32, #tpu.memory_space<vmem>>, vector<16xf32>,
      %get3A_876 = vector.shape_cast %get3A_875 : vector<16xf32> to vector<16xf32>
      %max3A_877 = arith.maximumf %get3A_876, %select_n3A_22 : vector<16xf32>
      %swap3A_878 = arith.index_cast %add3A_873 : i32 to index
      %swap3A_879 = tpu.vector_load %arg4[%swap3A_878] {strides = array<i32>} : memref<32768xf32, #tpu.memory_space<vmem>>, vector<16xf32>,
      %swap3A_880 = vector.shape_cast %swap3A_879 : vector<16xf32> to vector<16xf32>
      %swap3A_881 = vector.shape_cast %max3A_877 : vector<16xf32> to vector<16xf32>
      tpu.vector_store %arg4[%swap3A_878], %swap3A_881 {strides = array<i32>} : memref<32768xf32, #tpu.memory_space<vmem>>, vector<16xf32>,
    }
    %scan3A_95 = arith.constant 256 : i32
    %add3A_96 = arith.constant 65536 : i32
    %add3A_97 = arith.addi %mul3A_2, %add3A_96 : i32
    %dma_start3A_98 = tpu.memref_slice %arg3[%add3A_97] : memref<33554432xf32, #tpu.memory_space<hbm>> -> memref<32768xf32, #tpu.memory_space<hbm>>
    %dma_start3A_99 = tpu.memref_slice %arg3[%add3A_97] : memref<33554432xf32, #tpu.memory_space<hbm>> -> memref<32768xf32, #tpu.memory_space<hbm>>
    tpu.enqueue_dma source(%arg4 : memref<32768xf32, #tpu.memory_space<vmem>>) target(%dma_start3A_99 : memref<32768xf32, #tpu.memory_space<hbm>>) target_semaphore(%arg8 : memref<!tpu.dma_semaphore, #tpu.memory_space<semaphore_mem>>)
    %add3A_100 = arith.constant 65536 : i32
    %add3A_101 = arith.addi %mul3A_2, %add3A_100 : i32
    %dma_wait3A_102 = tpu.memref_slice %arg3[%add3A_101] : memref<33554432xf32, #tpu.memory_space<hbm>> -> memref<32768xf32, #tpu.memory_space<hbm>>
    %dma_wait3A_103 = tpu.memref_slice %arg3[%add3A_101] : memref<33554432xf32, #tpu.memory_space<hbm>> -> memref<32768xf32, #tpu.memory_space<hbm>>
    tpu.wait_dma2 semaphore(%arg8 : memref<!tpu.dma_semaphore, #tpu.memory_space<semaphore_mem>>) src(%arg4 : memref<32768xf32, #tpu.memory_space<vmem>>) dst(%dma_wait3A_103 : memref<32768xf32, #tpu.memory_space<hbm>>)
    %add3A_104 = arith.constant 0 : i32
    %add3A_105 = arith.addi %add3A_104, %mul3A_2 : i32
    %add3A_106 = arith.constant 131072 : i32
    %add3A_107 = arith.addi %add3A_105, %add3A_106 : i32
    %dma_start3A_108 = tpu.memref_slice %arg2[%add3A_107] : memref<33554432xf32, #tpu.memory_space<hbm>> -> memref<32768xf32, #tpu.memory_space<hbm>>
    %dma_start3A_109 = tpu.memref_slice %arg2[%add3A_107] : memref<33554432xf32, #tpu.memory_space<hbm>> -> memref<32768xf32, #tpu.memory_space<hbm>>
    tpu.enqueue_dma source(%dma_start3A_109 : memref<32768xf32, #tpu.memory_space<hbm>>) target(%arg4 : memref<32768xf32, #tpu.memory_space<vmem>>) target_semaphore(%arg6 : memref<!tpu.dma_semaphore, #tpu.memory_space<semaphore_mem>>)
    %add3A_110 = arith.constant 0 : i32
    %add3A_111 = arith.addi %add3A_110, %mul3A_2 : i32
    %add3A_112 = arith.constant 98304 : i32
    %add3A_113 = arith.addi %add3A_111, %add3A_112 : i32
    %dma_wait3A_114 = tpu.memref_slice %arg2[%add3A_113] : memref<33554432xf32, #tpu.memory_space<hbm>> -> memref<32768xf32, #tpu.memory_space<hbm>>
    %dma_wait3A_115 = tpu.memref_slice %arg2[%add3A_113] : memref<33554432xf32, #tpu.memory_space<hbm>> -> memref<32768xf32, #tpu.memory_space<hbm>>
    tpu.wait_dma2 semaphore(%arg7 : memref<!tpu.dma_semaphore, #tpu.memory_space<semaphore_mem>>) src(%dma_wait3A_115 : memref<32768xf32, #tpu.memory_space<hbm>>) dst(%arg5 : memref<32768xf32, #tpu.memory_space<vmem>>)
    %scan3A_116 = arith.constant 0 : i32
    %scan3A_117 = arith.constant 0 : i32
    %scan3A_118 = arith.constant 256 : i32
    %scan3A_119 = arith.addi %scan3A_117, %scan3A_118 : i32
    %scan3A_120 = arith.constant 1 : i32
    scf.for %scan3A_852 = %scan3A_117 to %scan3A_119 step %scan3A_120  : i32 {
      %mul3A_853 = arith.constant 128 : i32
      %mul3A_854 = arith.muli %scan3A_852, %mul3A_853 : i32
      %add3A_855 = arith.constant 0 : i32
      %add3A_856 = arith.addi %mul3A_854, %add3A_855 : i32
      %get3A = arith.index_cast %add3A_856 : i32 to index
      %get3A_857 = tpu.vector_load %arg5[%get3A] {strides = array<i32>} : memref<32768xf32, #tpu.memory_space<vmem>>, vector<16xf32>,
      %get3A_858 = vector.shape_cast %get3A_857 : vector<16xf32> to vector<16xf32>
      %max3A = arith.maximumf %get3A_858, %select_n3A : vector<16xf32>
      %swap3A = arith.index_cast %add3A_856 : i32 to index
      %swap3A_859 = tpu.vector_load %arg5[%swap3A] {strides = array<i32>} : memref<32768xf32, #tpu.memory_space<vmem>>, vector<16xf32>,
      %swap3A_860 = vector.shape_cast %swap3A_859 : vector<16xf32> to vector<16xf32>
      %swap3A_861 = vector.shape_cast %max3A : vector<16xf32> to vector<16xf32>
      tpu.vector_store %arg5[%swap3A], %swap3A_861 {strides = array<i32>} : memref<32768xf32, #tpu.memory_space<vmem>>, vector<16xf32>,
      %add3A_862 = arith.constant 16 : i32
      %add3A_863 = arith.addi %mul3A_854, %add3A_862 : i32
      %get3A_864 = arith.index_cast %add3A_863 : i32 to index
      %get3A_865 = tpu.vector_load %arg5[%get3A_864] {strides = array<i32>} : memref<32768xf32, #tpu.memory_space<vmem>>, vector<16xf32>,
      %get3A_866 = vector.shape_cast %get3A_865 : vector<16xf32> to vector<16xf32>
      %max3A_867 = arith.maximumf %get3A_866, %select_n3A_14 : vector<16xf32>
      %swap3A_868 = arith.index_cast %add3A_863 : i32 to index
      %swap3A_869 = tpu.vector_load %arg5[%swap3A_868] {strides = array<i32>} : memref<32768xf32, #tpu.memory_space<vmem>>, vector<16xf32>,
      %swap3A_870 = vector.shape_cast %swap3A_869 : vector<16xf32> to vector<16xf32>
      %swap3A_871 = vector.shape_cast %max3A_867 : vector<16xf32> to vector<16xf32>
      tpu.vector_store %arg5[%swap3A_868], %swap3A_871 {strides = array<i32>} : memref<32768xf32, #tpu.memory_space<vmem>>, vector<16xf32>,
      %add3A_872 = arith.constant 32 : i32
      %add3A_873 = arith.addi %mul3A_854, %add3A_872 : i32
      %get3A_874 = arith.index_cast %add3A_873 : i32 to index
      %get3A_875 = tpu.vector_load %arg5[%get3A_874] {strides = array<i32>} : memref<32768xf32, #tpu.memory_space<vmem>>, vector<16xf32>,
      %get3A_876 = vector.shape_cast %get3A_875 : vector<16xf32> to vector<16xf32>
      %max3A_877 = arith.maximumf %get3A_876, %select_n3A_22 : vector<16xf32>
      %swap3A_878 = arith.index_cast %add3A_873 : i32 to index
      %swap3A_879 = tpu.vector_load %arg5[%swap3A_878] {strides = array<i32>} : memref<32768xf32, #tpu.memory_space<vmem>>, vector<16xf32>,
      %swap3A_880 = vector.shape_cast %swap3A_879 : vector<16xf32> to vector<16xf32>
      %swap3A_881 = vector.shape_cast %max3A_877 : vector<16xf32> to vector<16xf32>
      tpu.vector_store %arg5[%swap3A_878], %swap3A_881 {strides = array<i32>} : memref<32768xf32, #tpu.memory_space<vmem>>, vector<16xf32>,
    }
    %scan3A_121 = arith.constant 256 : i32
    %add3A_122 = arith.constant 98304 : i32
    %add3A_123 = arith.addi %mul3A_2, %add3A_122 : i32
    %dma_start3A_124 = tpu.memref_slice %arg3[%add3A_123] : memref<33554432xf32, #tpu.memory_space<hbm>> -> memref<32768xf32, #tpu.memory_space<hbm>>
    %dma_start3A_125 = tpu.memref_slice %arg3[%add3A_123] : memref<33554432xf32, #tpu.memory_space<hbm>> -> memref<32768xf32, #tpu.memory_space<hbm>>
    tpu.enqueue_dma source(%arg5 : memref<32768xf32, #tpu.memory_space<vmem>>) target(%dma_start3A_125 : memref<32768xf32, #tpu.memory_space<hbm>>) target_semaphore(%arg9 : memref<!tpu.dma_semaphore, #tpu.memory_space<semaphore_mem>>)
    %add3A_126 = arith.constant 98304 : i32
    %add3A_127 = arith.addi %mul3A_2, %add3A_126 : i32
    %dma_wait3A_128 = tpu.memref_slice %arg3[%add3A_127] : memref<33554432xf32, #tpu.memory_space<hbm>> -> memref<32768xf32, #tpu.memory_space<hbm>>
    %dma_wait3A_129 = tpu.memref_slice %arg3[%add3A_127] : memref<33554432xf32, #tpu.memory_space<hbm>> -> memref<32768xf32, #tpu.memory_space<hbm>>
    tpu.wait_dma2 semaphore(%arg9 : memref<!tpu.dma_semaphore, #tpu.memory_space<semaphore_mem>>) src(%arg5 : memref<32768xf32, #tpu.memory_space<vmem>>) dst(%dma_wait3A_129 : memref<32768xf32, #tpu.memory_space<hbm>>)
    %add3A_130 = arith.constant 0 : i32
    %add3A_131 = arith.addi %add3A_130, %mul3A_2 : i32
    %add3A_132 = arith.constant 163840 : i32
    %add3A_133 = arith.addi %add3A_131, %add3A_132 : i32
    %dma_start3A_134 = tpu.memref_slice %arg2[%add3A_133] : memref<33554432xf32, #tpu.memory_space<hbm>> -> memref<32768xf32, #tpu.memory_space<hbm>>
    %dma_start3A_135 = tpu.memref_slice %arg2[%add3A_133] : memref<33554432xf32, #tpu.memory_space<hbm>> -> memref<32768xf32, #tpu.memory_space<hbm>>
    tpu.enqueue_dma source(%dma_start3A_135 : memref<32768xf32, #tpu.memory_space<hbm>>) target(%arg5 : memref<32768xf32, #tpu.memory_space<vmem>>) target_semaphore(%arg7 : memref<!tpu.dma_semaphore, #tpu.memory_space<semaphore_mem>>)
    %add3A_136 = arith.constant 0 : i32
    %add3A_137 = arith.addi %add3A_136, %mul3A_2 : i32
    %add3A_138 = arith.constant 131072 : i32
    %add3A_139 = arith.addi %add3A_137, %add3A_138 : i32
    %dma_wait3A_140 = tpu.memref_slice %arg2[%add3A_139] : memref<33554432xf32, #tpu.memory_space<hbm>> -> memref<32768xf32, #tpu.memory_space<hbm>>
    %dma_wait3A_141 = tpu.memref_slice %arg2[%add3A_139] : memref<33554432xf32, #tpu.memory_space<hbm>> -> memref<32768xf32, #tpu.memory_space<hbm>>
    tpu.wait_dma2 semaphore(%arg6 : memref<!tpu.dma_semaphore, #tpu.memory_space<semaphore_mem>>) src(%dma_wait3A_141 : memref<32768xf32, #tpu.memory_space<hbm>>) dst(%arg4 : memref<32768xf32, #tpu.memory_space<vmem>>)
    %scan3A_142 = arith.constant 0 : i32
    %scan3A_143 = arith.constant 0 : i32
    %scan3A_144 = arith.constant 256 : i32
    %scan3A_145 = arith.addi %scan3A_143, %scan3A_144 : i32
    %scan3A_146 = arith.constant 1 : i32
    scf.for %scan3A_852 = %scan3A_143 to %scan3A_145 step %scan3A_146  : i32 {
      %mul3A_853 = arith.constant 128 : i32
      %mul3A_854 = arith.muli %scan3A_852, %mul3A_853 : i32
      %add3A_855 = arith.constant 0 : i32
      %add3A_856 = arith.addi %mul3A_854, %add3A_855 : i32
      %get3A = arith.index_cast %add3A_856 : i32 to index
      %get3A_857 = tpu.vector_load %arg4[%get3A] {strides = array<i32>} : memref<32768xf32, #tpu.memory_space<vmem>>, vector<16xf32>,
      %get3A_858 = vector.shape_cast %get3A_857 : vector<16xf32> to vector<16xf32>
      %max3A = arith.maximumf %get3A_858, %select_n3A : vector<16xf32>
      %swap3A = arith.index_cast %add3A_856 : i32 to index
      %swap3A_859 = tpu.vector_load %arg4[%swap3A] {strides = array<i32>} : memref<32768xf32, #tpu.memory_space<vmem>>, vector<16xf32>,
      %swap3A_860 = vector.shape_cast %swap3A_859 : vector<16xf32> to vector<16xf32>
      %swap3A_861 = vector.shape_cast %max3A : vector<16xf32> to vector<16xf32>
      tpu.vector_store %arg4[%swap3A], %swap3A_861 {strides = array<i32>} : memref<32768xf32, #tpu.memory_space<vmem>>, vector<16xf32>,
      %add3A_862 = arith.constant 16 : i32
      %add3A_863 = arith.addi %mul3A_854, %add3A_862 : i32
      %get3A_864 = arith.index_cast %add3A_863 : i32 to index
      %get3A_865 = tpu.vector_load %arg4[%get3A_864] {strides = array<i32>} : memref<32768xf32, #tpu.memory_space<vmem>>, vector<16xf32>,
      %get3A_866 = vector.shape_cast %get3A_865 : vector<16xf32> to vector<16xf32>
      %max3A_867 = arith.maximumf %get3A_866, %select_n3A_14 : vector<16xf32>
      %swap3A_868 = arith.index_cast %add3A_863 : i32 to index
      %swap3A_869 = tpu.vector_load %arg4[%swap3A_868] {strides = array<i32>} : memref<32768xf32, #tpu.memory_space<vmem>>, vector<16xf32>,
      %swap3A_870 = vector.shape_cast %swap3A_869 : vector<16xf32> to vector<16xf32>
      %swap3A_871 = vector.shape_cast %max3A_867 : vector<16xf32> to vector<16xf32>
      tpu.vector_store %arg4[%swap3A_868], %swap3A_871 {strides = array<i32>} : memref<32768xf32, #tpu.memory_space<vmem>>, vector<16xf32>,
      %add3A_872 = arith.constant 32 : i32
      %add3A_873 = arith.addi %mul3A_854, %add3A_872 : i32
      %get3A_874 = arith.index_cast %add3A_873 : i32 to index
      %get3A_875 = tpu.vector_load %arg4[%get3A_874] {strides = array<i32>} : memref<32768xf32, #tpu.memory_space<vmem>>, vector<16xf32>,
      %get3A_876 = vector.shape_cast %get3A_875 : vector<16xf32> to vector<16xf32>
      %max3A_877 = arith.maximumf %get3A_876, %select_n3A_22 : vector<16xf32>
      %swap3A_878 = arith.index_cast %add3A_873 : i32 to index
      %swap3A_879 = tpu.vector_load %arg4[%swap3A_878] {strides = array<i32>} : memref<32768xf32, #tpu.memory_space<vmem>>, vector<16xf32>,
      %swap3A_880 = vector.shape_cast %swap3A_879 : vector<16xf32> to vector<16xf32>
      %swap3A_881 = vector.shape_cast %max3A_877 : vector<16xf32> to vector<16xf32>
      tpu.vector_store %arg4[%swap3A_878], %swap3A_881 {strides = array<i32>} : memref<32768xf32, #tpu.memory_space<vmem>>, vector<16xf32>,
    }
    %scan3A_147 = arith.constant 256 : i32
    %add3A_148 = arith.constant 131072 : i32
    %add3A_149 = arith.addi %mul3A_2, %add3A_148 : i32
    %dma_start3A_150 = tpu.memref_slice %arg3[%add3A_149] : memref<33554432xf32, #tpu.memory_space<hbm>> -> memref<32768xf32, #tpu.memory_space<hbm>>
    %dma_start3A_151 = tpu.memref_slice %arg3[%add3A_149] : memref<33554432xf32, #tpu.memory_space<hbm>> -> memref<32768xf32, #tpu.memory_space<hbm>>
    tpu.enqueue_dma source(%arg4 : memref<32768xf32, #tpu.memory_space<vmem>>) target(%dma_start3A_151 : memref<32768xf32, #tpu.memory_space<hbm>>) target_semaphore(%arg8 : memref<!tpu.dma_semaphore, #tpu.memory_space<semaphore_mem>>)
    %add3A_152 = arith.constant 131072 : i32
    %add3A_153 = arith.addi %mul3A_2, %add3A_152 : i32
    %dma_wait3A_154 = tpu.memref_slice %arg3[%add3A_153] : memref<33554432xf32, #tpu.memory_space<hbm>> -> memref<32768xf32, #tpu.memory_space<hbm>>
    %dma_wait3A_155 = tpu.memref_slice %arg3[%add3A_153] : memref<33554432xf32, #tpu.memory_space<hbm>> -> memref<32768xf32, #tpu.memory_space<hbm>>
    tpu.wait_dma2 semaphore(%arg8 : memref<!tpu.dma_semaphore, #tpu.memory_space<semaphore_mem>>) src(%arg4 : memref<32768xf32, #tpu.memory_space<vmem>>) dst(%dma_wait3A_155 : memref<32768xf32, #tpu.memory_space<hbm>>)
    %add3A_156 = arith.constant 0 : i32
    %add3A_157 = arith.addi %add3A_156, %mul3A_2 : i32
    %add3A_158 = arith.constant 196608 : i32
    %add3A_159 = arith.addi %add3A_157, %add3A_158 : i32
    %dma_start3A_160 = tpu.memref_slice %arg2[%add3A_159] : memref<33554432xf32, #tpu.memory_space<hbm>> -> memref<32768xf32, #tpu.memory_space<hbm>>
    %dma_start3A_161 = tpu.memref_slice %arg2[%add3A_159] : memref<33554432xf32, #tpu.memory_space<hbm>> -> memref<32768xf32, #tpu.memory_space<hbm>>
    tpu.enqueue_dma source(%dma_start3A_161 : memref<32768xf32, #tpu.memory_space<hbm>>) target(%arg4 : memref<32768xf32, #tpu.memory_space<vmem>>) target_semaphore(%arg6 : memref<!tpu.dma_semaphore, #tpu.memory_space<semaphore_mem>>)
    %add3A_162 = arith.constant 0 : i32
    %add3A_163 = arith.addi %add3A_162, %mul3A_2 : i32
    %add3A_164 = arith.constant 163840 : i32
    %add3A_165 = arith.addi %add3A_163, %add3A_164 : i32
    %dma_wait3A_166 = tpu.memref_slice %arg2[%add3A_165] : memref<33554432xf32, #tpu.memory_space<hbm>> -> memref<32768xf32, #tpu.memory_space<hbm>>
    %dma_wait3A_167 = tpu.memref_slice %arg2[%add3A_165] : memref<33554432xf32, #tpu.memory_space<hbm>> -> memref<32768xf32, #tpu.memory_space<hbm>>
    tpu.wait_dma2 semaphore(%arg7 : memref<!tpu.dma_semaphore, #tpu.memory_space<semaphore_mem>>) src(%dma_wait3A_167 : memref<32768xf32, #tpu.memory_space<hbm>>) dst(%arg5 : memref<32768xf32, #tpu.memory_space<vmem>>)
    %scan3A_168 = arith.constant 0 : i32
    %scan3A_169 = arith.constant 0 : i32
    %scan3A_170 = arith.constant 256 : i32
    %scan3A_171 = arith.addi %scan3A_169, %scan3A_170 : i32
    %scan3A_172 = arith.constant 1 : i32
    scf.for %scan3A_852 = %scan3A_169 to %scan3A_171 step %scan3A_172  : i32 {
      %mul3A_853 = arith.constant 128 : i32
      %mul3A_854 = arith.muli %scan3A_852, %mul3A_853 : i32
      %add3A_855 = arith.constant 0 : i32
      %add3A_856 = arith.addi %mul3A_854, %add3A_855 : i32
      %get3A = arith.index_cast %add3A_856 : i32 to index
      %get3A_857 = tpu.vector_load %arg5[%get3A] {strides = array<i32>} : memref<32768xf32, #tpu.memory_space<vmem>>, vector<16xf32>,
      %get3A_858 = vector.shape_cast %get3A_857 : vector<16xf32> to vector<16xf32>
      %max3A = arith.maximumf %get3A_858, %select_n3A : vector<16xf32>
      %swap3A = arith.index_cast %add3A_856 : i32 to index
      %swap3A_859 = tpu.vector_load %arg5[%swap3A] {strides = array<i32>} : memref<32768xf32, #tpu.memory_space<vmem>>, vector<16xf32>,
      %swap3A_860 = vector.shape_cast %swap3A_859 : vector<16xf32> to vector<16xf32>
      %swap3A_861 = vector.shape_cast %max3A : vector<16xf32> to vector<16xf32>
      tpu.vector_store %arg5[%swap3A], %swap3A_861 {strides = array<i32>} : memref<32768xf32, #tpu.memory_space<vmem>>, vector<16xf32>,
      %add3A_862 = arith.constant 16 : i32
      %add3A_863 = arith.addi %mul3A_854, %add3A_862 : i32
      %get3A_864 = arith.index_cast %add3A_863 : i32 to index
      %get3A_865 = tpu.vector_load %arg5[%get3A_864] {strides = array<i32>} : memref<32768xf32, #tpu.memory_space<vmem>>, vector<16xf32>,
      %get3A_866 = vector.shape_cast %get3A_865 : vector<16xf32> to vector<16xf32>
      %max3A_867 = arith.maximumf %get3A_866, %select_n3A_14 : vector<16xf32>
      %swap3A_868 = arith.index_cast %add3A_863 : i32 to index
      %swap3A_869 = tpu.vector_load %arg5[%swap3A_868] {strides = array<i32>} : memref<32768xf32, #tpu.memory_space<vmem>>, vector<16xf32>,
      %swap3A_870 = vector.shape_cast %swap3A_869 : vector<16xf32> to vector<16xf32>
      %swap3A_871 = vector.shape_cast %max3A_867 : vector<16xf32> to vector<16xf32>
      tpu.vector_store %arg5[%swap3A_868], %swap3A_871 {strides = array<i32>} : memref<32768xf32, #tpu.memory_space<vmem>>, vector<16xf32>,
      %add3A_872 = arith.constant 32 : i32
      %add3A_873 = arith.addi %mul3A_854, %add3A_872 : i32
      %get3A_874 = arith.index_cast %add3A_873 : i32 to index
      %get3A_875 = tpu.vector_load %arg5[%get3A_874] {strides = array<i32>} : memref<32768xf32, #tpu.memory_space<vmem>>, vector<16xf32>,
      %get3A_876 = vector.shape_cast %get3A_875 : vector<16xf32> to vector<16xf32>
      %max3A_877 = arith.maximumf %get3A_876, %select_n3A_22 : vector<16xf32>
      %swap3A_878 = arith.index_cast %add3A_873 : i32 to index
      %swap3A_879 = tpu.vector_load %arg5[%swap3A_878] {strides = array<i32>} : memref<32768xf32, #tpu.memory_space<vmem>>, vector<16xf32>,
      %swap3A_880 = vector.shape_cast %swap3A_879 : vector<16xf32> to vector<16xf32>
      %swap3A_881 = vector.shape_cast %max3A_877 : vector<16xf32> to vector<16xf32>
      tpu.vector_store %arg5[%swap3A_878], %swap3A_881 {strides = array<i32>} : memref<32768xf32, #tpu.memory_space<vmem>>, vector<16xf32>,
    }
    %scan3A_173 = arith.constant 256 : i32
    %add3A_174 = arith.constant 163840 : i32
    %add3A_175 = arith.addi %mul3A_2, %add3A_174 : i32
    %dma_start3A_176 = tpu.memref_slice %arg3[%add3A_175] : memref<33554432xf32, #tpu.memory_space<hbm>> -> memref<32768xf32, #tpu.memory_space<hbm>>
    %dma_start3A_177 = tpu.memref_slice %arg3[%add3A_175] : memref<33554432xf32, #tpu.memory_space<hbm>> -> memref<32768xf32, #tpu.memory_space<hbm>>
    tpu.enqueue_dma source(%arg5 : memref<32768xf32, #tpu.memory_space<vmem>>) target(%dma_start3A_177 : memref<32768xf32, #tpu.memory_space<hbm>>) target_semaphore(%arg9 : memref<!tpu.dma_semaphore, #tpu.memory_space<semaphore_mem>>)
    %add3A_178 = arith.constant 163840 : i32
    %add3A_179 = arith.addi %mul3A_2, %add3A_178 : i32
    %dma_wait3A_180 = tpu.memref_slice %arg3[%add3A_179] : memref<33554432xf32, #tpu.memory_space<hbm>> -> memref<32768xf32, #tpu.memory_space<hbm>>
    %dma_wait3A_181 = tpu.memref_slice %arg3[%add3A_179] : memref<33554432xf32, #tpu.memory_space<hbm>> -> memref<32768xf32, #tpu.memory_space<hbm>>
    tpu.wait_dma2 semaphore(%arg9 : memref<!tpu.dma_semaphore, #tpu.memory_space<semaphore_mem>>) src(%arg5 : memref<32768xf32, #tpu.memory_space<vmem>>) dst(%dma_wait3A_181 : memref<32768xf32, #tpu.memory_space<hbm>>)
    %add3A_182 = arith.constant 0 : i32
    %add3A_183 = arith.addi %add3A_182, %mul3A_2 : i32
    %add3A_184 = arith.constant 229376 : i32
    %add3A_185 = arith.addi %add3A_183, %add3A_184 : i32
    %dma_start3A_186 = tpu.memref_slice %arg2[%add3A_185] : memref<33554432xf32, #tpu.memory_space<hbm>> -> memref<32768xf32, #tpu.memory_space<hbm>>
    %dma_start3A_187 = tpu.memref_slice %arg2[%add3A_185] : memref<33554432xf32, #tpu.memory_space<hbm>> -> memref<32768xf32, #tpu.memory_space<hbm>>
    tpu.enqueue_dma source(%dma_start3A_187 : memref<32768xf32, #tpu.memory_space<hbm>>) target(%arg5 : memref<32768xf32, #tpu.memory_space<vmem>>) target_semaphore(%arg7 : memref<!tpu.dma_semaphore, #tpu.memory_space<semaphore_mem>>)
    %add3A_188 = arith.constant 0 : i32
    %add3A_189 = arith.addi %add3A_188, %mul3A_2 : i32
    %add3A_190 = arith.constant 196608 : i32
    %add3A_191 = arith.addi %add3A_189, %add3A_190 : i32
    %dma_wait3A_192 = tpu.memref_slice %arg2[%add3A_191] : memref<33554432xf32, #tpu.memory_space<hbm>> -> memref<32768xf32, #tpu.memory_space<hbm>>
    %dma_wait3A_193 = tpu.memref_slice %arg2[%add3A_191] : memref<33554432xf32, #tpu.memory_space<hbm>> -> memref<32768xf32, #tpu.memory_space<hbm>>
    tpu.wait_dma2 semaphore(%arg6 : memref<!tpu.dma_semaphore, #tpu.memory_space<semaphore_mem>>) src(%dma_wait3A_193 : memref<32768xf32, #tpu.memory_space<hbm>>) dst(%arg4 : memref<32768xf32, #tpu.memory_space<vmem>>)
    %scan3A_194 = arith.constant 0 : i32
    %scan3A_195 = arith.constant 0 : i32
    %scan3A_196 = arith.constant 256 : i32
    %scan3A_197 = arith.addi %scan3A_195, %scan3A_196 : i32
    %scan3A_198 = arith.constant 1 : i32
    scf.for %scan3A_852 = %scan3A_195 to %scan3A_197 step %scan3A_198  : i32 {
      %mul3A_853 = arith.constant 128 : i32
      %mul3A_854 = arith.muli %scan3A_852, %mul3A_853 : i32
      %add3A_855 = arith.constant 0 : i32
      %add3A_856 = arith.addi %mul3A_854, %add3A_855 : i32
      %get3A = arith.index_cast %add3A_856 : i32 to index
      %get3A_857 = tpu.vector_load %arg4[%get3A] {strides = array<i32>} : memref<32768xf32, #tpu.memory_space<vmem>>, vector<16xf32>,
      %get3A_858 = vector.shape_cast %get3A_857 : vector<16xf32> to vector<16xf32>
      %max3A = arith.maximumf %get3A_858, %select_n3A : vector<16xf32>
      %swap3A = arith.index_cast %add3A_856 : i32 to index
      %swap3A_859 = tpu.vector_load %arg4[%swap3A] {strides = array<i32>} : memref<32768xf32, #tpu.memory_space<vmem>>, vector<16xf32>,
      %swap3A_860 = vector.shape_cast %swap3A_859 : vector<16xf32> to vector<16xf32>
      %swap3A_861 = vector.shape_cast %max3A : vector<16xf32> to vector<16xf32>
      tpu.vector_store %arg4[%swap3A], %swap3A_861 {strides = array<i32>} : memref<32768xf32, #tpu.memory_space<vmem>>, vector<16xf32>,
      %add3A_862 = arith.constant 16 : i32
      %add3A_863 = arith.addi %mul3A_854, %add3A_862 : i32
      %get3A_864 = arith.index_cast %add3A_863 : i32 to index
      %get3A_865 = tpu.vector_load %arg4[%get3A_864] {strides = array<i32>} : memref<32768xf32, #tpu.memory_space<vmem>>, vector<16xf32>,
      %get3A_866 = vector.shape_cast %get3A_865 : vector<16xf32> to vector<16xf32>
      %max3A_867 = arith.maximumf %get3A_866, %select_n3A_14 : vector<16xf32>
      %swap3A_868 = arith.index_cast %add3A_863 : i32 to index
      %swap3A_869 = tpu.vector_load %arg4[%swap3A_868] {strides = array<i32>} : memref<32768xf32, #tpu.memory_space<vmem>>, vector<16xf32>,
      %swap3A_870 = vector.shape_cast %swap3A_869 : vector<16xf32> to vector<16xf32>
      %swap3A_871 = vector.shape_cast %max3A_867 : vector<16xf32> to vector<16xf32>
      tpu.vector_store %arg4[%swap3A_868], %swap3A_871 {strides = array<i32>} : memref<32768xf32, #tpu.memory_space<vmem>>, vector<16xf32>,
      %add3A_872 = arith.constant 32 : i32
      %add3A_873 = arith.addi %mul3A_854, %add3A_872 : i32
      %get3A_874 = arith.index_cast %add3A_873 : i32 to index
      %get3A_875 = tpu.vector_load %arg4[%get3A_874] {strides = array<i32>} : memref<32768xf32, #tpu.memory_space<vmem>>, vector<16xf32>,
      %get3A_876 = vector.shape_cast %get3A_875 : vector<16xf32> to vector<16xf32>
      %max3A_877 = arith.maximumf %get3A_876, %select_n3A_22 : vector<16xf32>
      %swap3A_878 = arith.index_cast %add3A_873 : i32 to index
      %swap3A_879 = tpu.vector_load %arg4[%swap3A_878] {strides = array<i32>} : memref<32768xf32, #tpu.memory_space<vmem>>, vector<16xf32>,
      %swap3A_880 = vector.shape_cast %swap3A_879 : vector<16xf32> to vector<16xf32>
      %swap3A_881 = vector.shape_cast %max3A_877 : vector<16xf32> to vector<16xf32>
      tpu.vector_store %arg4[%swap3A_878], %swap3A_881 {strides = array<i32>} : memref<32768xf32, #tpu.memory_space<vmem>>, vector<16xf32>,
    }
    %scan3A_199 = arith.constant 256 : i32
    %add3A_200 = arith.constant 196608 : i32
    %add3A_201 = arith.addi %mul3A_2, %add3A_200 : i32
    %dma_start3A_202 = tpu.memref_slice %arg3[%add3A_201] : memref<33554432xf32, #tpu.memory_space<hbm>> -> memref<32768xf32, #tpu.memory_space<hbm>>
    %dma_start3A_203 = tpu.memref_slice %arg3[%add3A_201] : memref<33554432xf32, #tpu.memory_space<hbm>> -> memref<32768xf32, #tpu.memory_space<hbm>>
    tpu.enqueue_dma source(%arg4 : memref<32768xf32, #tpu.memory_space<vmem>>) target(%dma_start3A_203 : memref<32768xf32, #tpu.memory_space<hbm>>) target_semaphore(%arg8 : memref<!tpu.dma_semaphore, #tpu.memory_space<semaphore_mem>>)
    %add3A_204 = arith.constant 196608 : i32
    %add3A_205 = arith.addi %mul3A_2, %add3A_204 : i32
    %dma_wait3A_206 = tpu.memref_slice %arg3[%add3A_205] : memref<33554432xf32, #tpu.memory_space<hbm>> -> memref<32768xf32, #tpu.memory_space<hbm>>
    %dma_wait3A_207 = tpu.memref_slice %arg3[%add3A_205] : memref<33554432xf32, #tpu.memory_space<hbm>> -> memref<32768xf32, #tpu.memory_space<hbm>>
    tpu.wait_dma2 semaphore(%arg8 : memref<!tpu.dma_semaphore, #tpu.memory_space<semaphore_mem>>) src(%arg4 : memref<32768xf32, #tpu.memory_space<vmem>>) dst(%dma_wait3A_207 : memref<32768xf32, #tpu.memory_space<hbm>>)
    %add3A_208 = arith.constant 0 : i32
    %add3A_209 = arith.addi %add3A_208, %mul3A_2 : i32
    %add3A_210 = arith.constant 262144 : i32
    %add3A_211 = arith.addi %add3A_209, %add3A_210 : i32
    %dma_start3A_212 = tpu.memref_slice %arg2[%add3A_211] : memref<33554432xf32, #tpu.memory_space<hbm>> -> memref<32768xf32, #tpu.memory_space<hbm>>
    %dma_start3A_213 = tpu.memref_slice %arg2[%add3A_211] : memref<33554432xf32, #tpu.memory_space<hbm>> -> memref<32768xf32, #tpu.memory_space<hbm>>
    tpu.enqueue_dma source(%dma_start3A_213 : memref<32768xf32, #tpu.memory_space<hbm>>) target(%arg4 : memref<32768xf32, #tpu.memory_space<vmem>>) target_semaphore(%arg6 : memref<!tpu.dma_semaphore, #tpu.memory_space<semaphore_mem>>)
    %add3A_214 = arith.constant 0 : i32
    %add3A_215 = arith.addi %add3A_214, %mul3A_2 : i32
    %add3A_216 = arith.constant 229376 : i32
    %add3A_217 = arith.addi %add3A_215, %add3A_216 : i32
    %dma_wait3A_218 = tpu.memref_slice %arg2[%add3A_217] : memref<33554432xf32, #tpu.memory_space<hbm>> -> memref<32768xf32, #tpu.memory_space<hbm>>
    %dma_wait3A_219 = tpu.memref_slice %arg2[%add3A_217] : memref<33554432xf32, #tpu.memory_space<hbm>> -> memref<32768xf32, #tpu.memory_space<hbm>>
    tpu.wait_dma2 semaphore(%arg7 : memref<!tpu.dma_semaphore, #tpu.memory_space<semaphore_mem>>) src(%dma_wait3A_219 : memref<32768xf32, #tpu.memory_space<hbm>>) dst(%arg5 : memref<32768xf32, #tpu.memory_space<vmem>>)
    %scan3A_220 = arith.constant 0 : i32
    %scan3A_221 = arith.constant 0 : i32
    %scan3A_222 = arith.constant 256 : i32
    %scan3A_223 = arith.addi %scan3A_221, %scan3A_222 : i32
    %scan3A_224 = arith.constant 1 : i32
    scf.for %scan3A_852 = %scan3A_221 to %scan3A_223 step %scan3A_224  : i32 {
      %mul3A_853 = arith.constant 128 : i32
      %mul3A_854 = arith.muli %scan3A_852, %mul3A_853 : i32
      %add3A_855 = arith.constant 0 : i32
      %add3A_856 = arith.addi %mul3A_854, %add3A_855 : i32
      %get3A = arith.index_cast %add3A_856 : i32 to index
      %get3A_857 = tpu.vector_load %arg5[%get3A] {strides = array<i32>} : memref<32768xf32, #tpu.memory_space<vmem>>, vector<16xf32>,
      %get3A_858 = vector.shape_cast %get3A_857 : vector<16xf32> to vector<16xf32>
      %max3A = arith.maximumf %get3A_858, %select_n3A : vector<16xf32>
      %swap3A = arith.index_cast %add3A_856 : i32 to index
      %swap3A_859 = tpu.vector_load %arg5[%swap3A] {strides = array<i32>} : memref<32768xf32, #tpu.memory_space<vmem>>, vector<16xf32>,
      %swap3A_860 = vector.shape_cast %swap3A_859 : vector<16xf32> to vector<16xf32>
      %swap3A_861 = vector.shape_cast %max3A : vector<16xf32> to vector<16xf32>
      tpu.vector_store %arg5[%swap3A], %swap3A_861 {strides = array<i32>} : memref<32768xf32, #tpu.memory_space<vmem>>, vector<16xf32>,
      %add3A_862 = arith.constant 16 : i32
      %add3A_863 = arith.addi %mul3A_854, %add3A_862 : i32
      %get3A_864 = arith.index_cast %add3A_863 : i32 to index
      %get3A_865 = tpu.vector_load %arg5[%get3A_864] {strides = array<i32>} : memref<32768xf32, #tpu.memory_space<vmem>>, vector<16xf32>,
      %get3A_866 = vector.shape_cast %get3A_865 : vector<16xf32> to vector<16xf32>
      %max3A_867 = arith.maximumf %get3A_866, %select_n3A_14 : vector<16xf32>
      %swap3A_868 = arith.index_cast %add3A_863 : i32 to index
      %swap3A_869 = tpu.vector_load %arg5[%swap3A_868] {strides = array<i32>} : memref<32768xf32, #tpu.memory_space<vmem>>, vector<16xf32>,
      %swap3A_870 = vector.shape_cast %swap3A_869 : vector<16xf32> to vector<16xf32>
      %swap3A_871 = vector.shape_cast %max3A_867 : vector<16xf32> to vector<16xf32>
      tpu.vector_store %arg5[%swap3A_868], %swap3A_871 {strides = array<i32>} : memref<32768xf32, #tpu.memory_space<vmem>>, vector<16xf32>,
      %add3A_872 = arith.constant 32 : i32
      %add3A_873 = arith.addi %mul3A_854, %add3A_872 : i32
      %get3A_874 = arith.index_cast %add3A_873 : i32 to index
      %get3A_875 = tpu.vector_load %arg5[%get3A_874] {strides = array<i32>} : memref<32768xf32, #tpu.memory_space<vmem>>, vector<16xf32>,
      %get3A_876 = vector.shape_cast %get3A_875 : vector<16xf32> to vector<16xf32>
      %max3A_877 = arith.maximumf %get3A_876, %select_n3A_22 : vector<16xf32>
      %swap3A_878 = arith.index_cast %add3A_873 : i32 to index
      %swap3A_879 = tpu.vector_load %arg5[%swap3A_878] {strides = array<i32>} : memref<32768xf32, #tpu.memory_space<vmem>>, vector<16xf32>,
      %swap3A_880 = vector.shape_cast %swap3A_879 : vector<16xf32> to vector<16xf32>
      %swap3A_881 = vector.shape_cast %max3A_877 : vector<16xf32> to vector<16xf32>
      tpu.vector_store %arg5[%swap3A_878], %swap3A_881 {strides = array<i32>} : memref<32768xf32, #tpu.memory_space<vmem>>, vector<16xf32>,
    }
    %scan3A_225 = arith.constant 256 : i32
    %add3A_226 = arith.constant 229376 : i32
    %add3A_227 = arith.addi %mul3A_2, %add3A_226 : i32
    %dma_start3A_228 = tpu.memref_slice %arg3[%add3A_227] : memref<33554432xf32, #tpu.memory_space<hbm>> -> memref<32768xf32, #tpu.memory_space<hbm>>
    %dma_start3A_229 = tpu.memref_slice %arg3[%add3A_227] : memref<33554432xf32, #tpu.memory_space<hbm>> -> memref<32768xf32, #tpu.memory_space<hbm>>
    tpu.enqueue_dma source(%arg5 : memref<32768xf32, #tpu.memory_space<vmem>>) target(%dma_start3A_229 : memref<32768xf32, #tpu.memory_space<hbm>>) target_semaphore(%arg9 : memref<!tpu.dma_semaphore, #tpu.memory_space<semaphore_mem>>)
    %add3A_230 = arith.constant 229376 : i32
    %add3A_231 = arith.addi %mul3A_2, %add3A_230 : i32
    %dma_wait3A_232 = tpu.memref_slice %arg3[%add3A_231] : memref<33554432xf32, #tpu.memory_space<hbm>> -> memref<32768xf32, #tpu.memory_space<hbm>>
    %dma_wait3A_233 = tpu.memref_slice %arg3[%add3A_231] : memref<33554432xf32, #tpu.memory_space<hbm>> -> memref<32768xf32, #tpu.memory_space<hbm>>
    tpu.wait_dma2 semaphore(%arg9 : memref<!tpu.dma_semaphore, #tpu.memory_space<semaphore_mem>>) src(%arg5 : memref<32768xf32, #tpu.memory_space<vmem>>) dst(%dma_wait3A_233 : memref<32768xf32, #tpu.memory_space<hbm>>)
    %add3A_234 = arith.constant 0 : i32
    %add3A_235 = arith.addi %add3A_234, %mul3A_2 : i32
    %add3A_236 = arith.constant 294912 : i32
    %add3A_237 = arith.addi %add3A_235, %add3A_236 : i32
    %dma_start3A_238 = tpu.memref_slice %arg2[%add3A_237] : memref<33554432xf32, #tpu.memory_space<hbm>> -> memref<32768xf32, #tpu.memory_space<hbm>>
    %dma_start3A_239 = tpu.memref_slice %arg2[%add3A_237] : memref<33554432xf32, #tpu.memory_space<hbm>> -> memref<32768xf32, #tpu.memory_space<hbm>>
    tpu.enqueue_dma source(%dma_start3A_239 : memref<32768xf32, #tpu.memory_space<hbm>>) target(%arg5 : memref<32768xf32, #tpu.memory_space<vmem>>) target_semaphore(%arg7 : memref<!tpu.dma_semaphore, #tpu.memory_space<semaphore_mem>>)
    %add3A_240 = arith.constant 0 : i32
    %add3A_241 = arith.addi %add3A_240, %mul3A_2 : i32
    %add3A_242 = arith.constant 262144 : i32
    %add3A_243 = arith.addi %add3A_241, %add3A_242 : i32
    %dma_wait3A_244 = tpu.memref_slice %arg2[%add3A_243] : memref<33554432xf32, #tpu.memory_space<hbm>> -> memref<32768xf32, #tpu.memory_space<hbm>>
    %dma_wait3A_245 = tpu.memref_slice %arg2[%add3A_243] : memref<33554432xf32, #tpu.memory_space<hbm>> -> memref<32768xf32, #tpu.memory_space<hbm>>
    tpu.wait_dma2 semaphore(%arg6 : memref<!tpu.dma_semaphore, #tpu.memory_space<semaphore_mem>>) src(%dma_wait3A_245 : memref<32768xf32, #tpu.memory_space<hbm>>) dst(%arg4 : memref<32768xf32, #tpu.memory_space<vmem>>)
    %scan3A_246 = arith.constant 0 : i32
    %scan3A_247 = arith.constant 0 : i32
    %scan3A_248 = arith.constant 256 : i32
    %scan3A_249 = arith.addi %scan3A_247, %scan3A_248 : i32
    %scan3A_250 = arith.constant 1 : i32
    scf.for %scan3A_852 = %scan3A_247 to %scan3A_249 step %scan3A_250  : i32 {
      %mul3A_853 = arith.constant 128 : i32
      %mul3A_854 = arith.muli %scan3A_852, %mul3A_853 : i32
      %add3A_855 = arith.constant 0 : i32
      %add3A_856 = arith.addi %mul3A_854, %add3A_855 : i32
      %get3A = arith.index_cast %add3A_856 : i32 to index
      %get3A_857 = tpu.vector_load %arg4[%get3A] {strides = array<i32>} : memref<32768xf32, #tpu.memory_space<vmem>>, vector<16xf32>,
      %get3A_858 = vector.shape_cast %get3A_857 : vector<16xf32> to vector<16xf32>
      %max3A = arith.maximumf %get3A_858, %select_n3A : vector<16xf32>
      %swap3A = arith.index_cast %add3A_856 : i32 to index
      %swap3A_859 = tpu.vector_load %arg4[%swap3A] {strides = array<i32>} : memref<32768xf32, #tpu.memory_space<vmem>>, vector<16xf32>,
      %swap3A_860 = vector.shape_cast %swap3A_859 : vector<16xf32> to vector<16xf32>
      %swap3A_861 = vector.shape_cast %max3A : vector<16xf32> to vector<16xf32>
      tpu.vector_store %arg4[%swap3A], %swap3A_861 {strides = array<i32>} : memref<32768xf32, #tpu.memory_space<vmem>>, vector<16xf32>,
      %add3A_862 = arith.constant 16 : i32
      %add3A_863 = arith.addi %mul3A_854, %add3A_862 : i32
      %get3A_864 = arith.index_cast %add3A_863 : i32 to index
      %get3A_865 = tpu.vector_load %arg4[%get3A_864] {strides = array<i32>} : memref<32768xf32, #tpu.memory_space<vmem>>, vector<16xf32>,
      %get3A_866 = vector.shape_cast %get3A_865 : vector<16xf32> to vector<16xf32>
      %max3A_867 = arith.maximumf %get3A_866, %select_n3A_14 : vector<16xf32>
      %swap3A_868 = arith.index_cast %add3A_863 : i32 to index
      %swap3A_869 = tpu.vector_load %arg4[%swap3A_868] {strides = array<i32>} : memref<32768xf32, #tpu.memory_space<vmem>>, vector<16xf32>,
      %swap3A_870 = vector.shape_cast %swap3A_869 : vector<16xf32> to vector<16xf32>
      %swap3A_871 = vector.shape_cast %max3A_867 : vector<16xf32> to vector<16xf32>
      tpu.vector_store %arg4[%swap3A_868], %swap3A_871 {strides = array<i32>} : memref<32768xf32, #tpu.memory_space<vmem>>, vector<16xf32>,
      %add3A_872 = arith.constant 32 : i32
      %add3A_873 = arith.addi %mul3A_854, %add3A_872 : i32
      %get3A_874 = arith.index_cast %add3A_873 : i32 to index
      %get3A_875 = tpu.vector_load %arg4[%get3A_874] {strides = array<i32>} : memref<32768xf32, #tpu.memory_space<vmem>>, vector<16xf32>,
      %get3A_876 = vector.shape_cast %get3A_875 : vector<16xf32> to vector<16xf32>
      %max3A_877 = arith.maximumf %get3A_876, %select_n3A_22 : vector<16xf32>
      %swap3A_878 = arith.index_cast %add3A_873 : i32 to index
      %swap3A_879 = tpu.vector_load %arg4[%swap3A_878] {strides = array<i32>} : memref<32768xf32, #tpu.memory_space<vmem>>, vector<16xf32>,
      %swap3A_880 = vector.shape_cast %swap3A_879 : vector<16xf32> to vector<16xf32>
      %swap3A_881 = vector.shape_cast %max3A_877 : vector<16xf32> to vector<16xf32>
      tpu.vector_store %arg4[%swap3A_878], %swap3A_881 {strides = array<i32>} : memref<32768xf32, #tpu.memory_space<vmem>>, vector<16xf32>,
    }
    %scan3A_251 = arith.constant 256 : i32
    %add3A_252 = arith.constant 262144 : i32
    %add3A_253 = arith.addi %mul3A_2, %add3A_252 : i32
    %dma_start3A_254 = tpu.memref_slice %arg3[%add3A_253] : memref<33554432xf32, #tpu.memory_space<hbm>> -> memref<32768xf32, #tpu.memory_space<hbm>>
    %dma_start3A_255 = tpu.memref_slice %arg3[%add3A_253] : memref<33554432xf32, #tpu.memory_space<hbm>> -> memref<32768xf32, #tpu.memory_space<hbm>>
    tpu.enqueue_dma source(%arg4 : memref<32768xf32, #tpu.memory_space<vmem>>) target(%dma_start3A_255 : memref<32768xf32, #tpu.memory_space<hbm>>) target_semaphore(%arg8 : memref<!tpu.dma_semaphore, #tpu.memory_space<semaphore_mem>>)
    %add3A_256 = arith.constant 262144 : i32
    %add3A_257 = arith.addi %mul3A_2, %add3A_256 : i32
    %dma_wait3A_258 = tpu.memref_slice %arg3[%add3A_257] : memref<33554432xf32, #tpu.memory_space<hbm>> -> memref<32768xf32, #tpu.memory_space<hbm>>
    %dma_wait3A_259 = tpu.memref_slice %arg3[%add3A_257] : memref<33554432xf32, #tpu.memory_space<hbm>> -> memref<32768xf32, #tpu.memory_space<hbm>>
    tpu.wait_dma2 semaphore(%arg8 : memref<!tpu.dma_semaphore, #tpu.memory_space<semaphore_mem>>) src(%arg4 : memref<32768xf32, #tpu.memory_space<vmem>>) dst(%dma_wait3A_259 : memref<32768xf32, #tpu.memory_space<hbm>>)
    %add3A_260 = arith.constant 0 : i32
    %add3A_261 = arith.addi %add3A_260, %mul3A_2 : i32
    %add3A_262 = arith.constant 327680 : i32
    %add3A_263 = arith.addi %add3A_261, %add3A_262 : i32
    %dma_start3A_264 = tpu.memref_slice %arg2[%add3A_263] : memref<33554432xf32, #tpu.memory_space<hbm>> -> memref<32768xf32, #tpu.memory_space<hbm>>
    %dma_start3A_265 = tpu.memref_slice %arg2[%add3A_263] : memref<33554432xf32, #tpu.memory_space<hbm>> -> memref<32768xf32, #tpu.memory_space<hbm>>
    tpu.enqueue_dma source(%dma_start3A_265 : memref<32768xf32, #tpu.memory_space<hbm>>) target(%arg4 : memref<32768xf32, #tpu.memory_space<vmem>>) target_semaphore(%arg6 : memref<!tpu.dma_semaphore, #tpu.memory_space<semaphore_mem>>)
    %add3A_266 = arith.constant 0 : i32
    %add3A_267 = arith.addi %add3A_266, %mul3A_2 : i32
    %add3A_268 = arith.constant 294912 : i32
    %add3A_269 = arith.addi %add3A_267, %add3A_268 : i32
    %dma_wait3A_270 = tpu.memref_slice %arg2[%add3A_269] : memref<33554432xf32, #tpu.memory_space<hbm>> -> memref<32768xf32, #tpu.memory_space<hbm>>
    %dma_wait3A_271 = tpu.memref_slice %arg2[%add3A_269] : memref<33554432xf32, #tpu.memory_space<hbm>> -> memref<32768xf32, #tpu.memory_space<hbm>>
    tpu.wait_dma2 semaphore(%arg7 : memref<!tpu.dma_semaphore, #tpu.memory_space<semaphore_mem>>) src(%dma_wait3A_271 : memref<32768xf32, #tpu.memory_space<hbm>>) dst(%arg5 : memref<32768xf32, #tpu.memory_space<vmem>>)
    %scan3A_272 = arith.constant 0 : i32
    %scan3A_273 = arith.constant 0 : i32
    %scan3A_274 = arith.constant 256 : i32
    %scan3A_275 = arith.addi %scan3A_273, %scan3A_274 : i32
    %scan3A_276 = arith.constant 1 : i32
    scf.for %scan3A_852 = %scan3A_273 to %scan3A_275 step %scan3A_276  : i32 {
      %mul3A_853 = arith.constant 128 : i32
      %mul3A_854 = arith.muli %scan3A_852, %mul3A_853 : i32
      %add3A_855 = arith.constant 0 : i32
      %add3A_856 = arith.addi %mul3A_854, %add3A_855 : i32
      %get3A = arith.index_cast %add3A_856 : i32 to index
      %get3A_857 = tpu.vector_load %arg5[%get3A] {strides = array<i32>} : memref<32768xf32, #tpu.memory_space<vmem>>, vector<16xf32>,
      %get3A_858 = vector.shape_cast %get3A_857 : vector<16xf32> to vector<16xf32>
      %max3A = arith.maximumf %get3A_858, %select_n3A : vector<16xf32>
      %swap3A = arith.index_cast %add3A_856 : i32 to index
      %swap3A_859 = tpu.vector_load %arg5[%swap3A] {strides = array<i32>} : memref<32768xf32, #tpu.memory_space<vmem>>, vector<16xf32>,
      %swap3A_860 = vector.shape_cast %swap3A_859 : vector<16xf32> to vector<16xf32>
      %swap3A_861 = vector.shape_cast %max3A : vector<16xf32> to vector<16xf32>
      tpu.vector_store %arg5[%swap3A], %swap3A_861 {strides = array<i32>} : memref<32768xf32, #tpu.memory_space<vmem>>, vector<16xf32>,
      %add3A_862 = arith.constant 16 : i32
      %add3A_863 = arith.addi %mul3A_854, %add3A_862 : i32
      %get3A_864 = arith.index_cast %add3A_863 : i32 to index
      %get3A_865 = tpu.vector_load %arg5[%get3A_864] {strides = array<i32>} : memref<32768xf32, #tpu.memory_space<vmem>>, vector<16xf32>,
      %get3A_866 = vector.shape_cast %get3A_865 : vector<16xf32> to vector<16xf32>
      %max3A_867 = arith.maximumf %get3A_866, %select_n3A_14 : vector<16xf32>
      %swap3A_868 = arith.index_cast %add3A_863 : i32 to index
      %swap3A_869 = tpu.vector_load %arg5[%swap3A_868] {strides = array<i32>} : memref<32768xf32, #tpu.memory_space<vmem>>, vector<16xf32>,
      %swap3A_870 = vector.shape_cast %swap3A_869 : vector<16xf32> to vector<16xf32>
      %swap3A_871 = vector.shape_cast %max3A_867 : vector<16xf32> to vector<16xf32>
      tpu.vector_store %arg5[%swap3A_868], %swap3A_871 {strides = array<i32>} : memref<32768xf32, #tpu.memory_space<vmem>>, vector<16xf32>,
      %add3A_872 = arith.constant 32 : i32
      %add3A_873 = arith.addi %mul3A_854, %add3A_872 : i32
      %get3A_874 = arith.index_cast %add3A_873 : i32 to index
      %get3A_875 = tpu.vector_load %arg5[%get3A_874] {strides = array<i32>} : memref<32768xf32, #tpu.memory_space<vmem>>, vector<16xf32>,
      %get3A_876 = vector.shape_cast %get3A_875 : vector<16xf32> to vector<16xf32>
      %max3A_877 = arith.maximumf %get3A_876, %select_n3A_22 : vector<16xf32>
      %swap3A_878 = arith.index_cast %add3A_873 : i32 to index
      %swap3A_879 = tpu.vector_load %arg5[%swap3A_878] {strides = array<i32>} : memref<32768xf32, #tpu.memory_space<vmem>>, vector<16xf32>,
      %swap3A_880 = vector.shape_cast %swap3A_879 : vector<16xf32> to vector<16xf32>
      %swap3A_881 = vector.shape_cast %max3A_877 : vector<16xf32> to vector<16xf32>
      tpu.vector_store %arg5[%swap3A_878], %swap3A_881 {strides = array<i32>} : memref<32768xf32, #tpu.memory_space<vmem>>, vector<16xf32>,
    }
    %scan3A_277 = arith.constant 256 : i32
    %add3A_278 = arith.constant 294912 : i32
    %add3A_279 = arith.addi %mul3A_2, %add3A_278 : i32
    %dma_start3A_280 = tpu.memref_slice %arg3[%add3A_279] : memref<33554432xf32, #tpu.memory_space<hbm>> -> memref<32768xf32, #tpu.memory_space<hbm>>
    %dma_start3A_281 = tpu.memref_slice %arg3[%add3A_279] : memref<33554432xf32, #tpu.memory_space<hbm>> -> memref<32768xf32, #tpu.memory_space<hbm>>
    tpu.enqueue_dma source(%arg5 : memref<32768xf32, #tpu.memory_space<vmem>>) target(%dma_start3A_281 : memref<32768xf32, #tpu.memory_space<hbm>>) target_semaphore(%arg9 : memref<!tpu.dma_semaphore, #tpu.memory_space<semaphore_mem>>)
    %add3A_282 = arith.constant 294912 : i32
    %add3A_283 = arith.addi %mul3A_2, %add3A_282 : i32
    %dma_wait3A_284 = tpu.memref_slice %arg3[%add3A_283] : memref<33554432xf32, #tpu.memory_space<hbm>> -> memref<32768xf32, #tpu.memory_space<hbm>>
    %dma_wait3A_285 = tpu.memref_slice %arg3[%add3A_283] : memref<33554432xf32, #tpu.memory_space<hbm>> -> memref<32768xf32, #tpu.memory_space<hbm>>
    tpu.wait_dma2 semaphore(%arg9 : memref<!tpu.dma_semaphore, #tpu.memory_space<semaphore_mem>>) src(%arg5 : memref<32768xf32, #tpu.memory_space<vmem>>) dst(%dma_wait3A_285 : memref<32768xf32, #tpu.memory_space<hbm>>)
    %add3A_286 = arith.constant 0 : i32
    %add3A_287 = arith.addi %add3A_286, %mul3A_2 : i32
    %add3A_288 = arith.constant 360448 : i32
    %add3A_289 = arith.addi %add3A_287, %add3A_288 : i32
    %dma_start3A_290 = tpu.memref_slice %arg2[%add3A_289] : memref<33554432xf32, #tpu.memory_space<hbm>> -> memref<32768xf32, #tpu.memory_space<hbm>>
    %dma_start3A_291 = tpu.memref_slice %arg2[%add3A_289] : memref<33554432xf32, #tpu.memory_space<hbm>> -> memref<32768xf32, #tpu.memory_space<hbm>>
    tpu.enqueue_dma source(%dma_start3A_291 : memref<32768xf32, #tpu.memory_space<hbm>>) target(%arg5 : memref<32768xf32, #tpu.memory_space<vmem>>) target_semaphore(%arg7 : memref<!tpu.dma_semaphore, #tpu.memory_space<semaphore_mem>>)
    %add3A_292 = arith.constant 0 : i32
    %add3A_293 = arith.addi %add3A_292, %mul3A_2 : i32
    %add3A_294 = arith.constant 327680 : i32
    %add3A_295 = arith.addi %add3A_293, %add3A_294 : i32
    %dma_wait3A_296 = tpu.memref_slice %arg2[%add3A_295] : memref<33554432xf32, #tpu.memory_space<hbm>> -> memref<32768xf32, #tpu.memory_space<hbm>>
    %dma_wait3A_297 = tpu.memref_slice %arg2[%add3A_295] : memref<33554432xf32, #tpu.memory_space<hbm>> -> memref<32768xf32, #tpu.memory_space<hbm>>
    tpu.wait_dma2 semaphore(%arg6 : memref<!tpu.dma_semaphore, #tpu.memory_space<semaphore_mem>>) src(%dma_wait3A_297 : memref<32768xf32, #tpu.memory_space<hbm>>) dst(%arg4 : memref<32768xf32, #tpu.memory_space<vmem>>)
    %scan3A_298 = arith.constant 0 : i32
    %scan3A_299 = arith.constant 0 : i32
    %scan3A_300 = arith.constant 256 : i32
    %scan3A_301 = arith.addi %scan3A_299, %scan3A_300 : i32
    %scan3A_302 = arith.constant 1 : i32
    scf.for %scan3A_852 = %scan3A_299 to %scan3A_301 step %scan3A_302  : i32 {
      %mul3A_853 = arith.constant 128 : i32
      %mul3A_854 = arith.muli %scan3A_852, %mul3A_853 : i32
      %add3A_855 = arith.constant 0 : i32
      %add3A_856 = arith.addi %mul3A_854, %add3A_855 : i32
      %get3A = arith.index_cast %add3A_856 : i32 to index
      %get3A_857 = tpu.vector_load %arg4[%get3A] {strides = array<i32>} : memref<32768xf32, #tpu.memory_space<vmem>>, vector<16xf32>,
      %get3A_858 = vector.shape_cast %get3A_857 : vector<16xf32> to vector<16xf32>
      %max3A = arith.maximumf %get3A_858, %select_n3A : vector<16xf32>
      %swap3A = arith.index_cast %add3A_856 : i32 to index
      %swap3A_859 = tpu.vector_load %arg4[%swap3A] {strides = array<i32>} : memref<32768xf32, #tpu.memory_space<vmem>>, vector<16xf32>,
      %swap3A_860 = vector.shape_cast %swap3A_859 : vector<16xf32> to vector<16xf32>
      %swap3A_861 = vector.shape_cast %max3A : vector<16xf32> to vector<16xf32>
      tpu.vector_store %arg4[%swap3A], %swap3A_861 {strides = array<i32>} : memref<32768xf32, #tpu.memory_space<vmem>>, vector<16xf32>,
      %add3A_862 = arith.constant 16 : i32
      %add3A_863 = arith.addi %mul3A_854, %add3A_862 : i32
      %get3A_864 = arith.index_cast %add3A_863 : i32 to index
      %get3A_865 = tpu.vector_load %arg4[%get3A_864] {strides = array<i32>} : memref<32768xf32, #tpu.memory_space<vmem>>, vector<16xf32>,
      %get3A_866 = vector.shape_cast %get3A_865 : vector<16xf32> to vector<16xf32>
      %max3A_867 = arith.maximumf %get3A_866, %select_n3A_14 : vector<16xf32>
      %swap3A_868 = arith.index_cast %add3A_863 : i32 to index
      %swap3A_869 = tpu.vector_load %arg4[%swap3A_868] {strides = array<i32>} : memref<32768xf32, #tpu.memory_space<vmem>>, vector<16xf32>,
      %swap3A_870 = vector.shape_cast %swap3A_869 : vector<16xf32> to vector<16xf32>
      %swap3A_871 = vector.shape_cast %max3A_867 : vector<16xf32> to vector<16xf32>
      tpu.vector_store %arg4[%swap3A_868], %swap3A_871 {strides = array<i32>} : memref<32768xf32, #tpu.memory_space<vmem>>, vector<16xf32>,
      %add3A_872 = arith.constant 32 : i32
      %add3A_873 = arith.addi %mul3A_854, %add3A_872 : i32
      %get3A_874 = arith.index_cast %add3A_873 : i32 to index
      %get3A_875 = tpu.vector_load %arg4[%get3A_874] {strides = array<i32>} : memref<32768xf32, #tpu.memory_space<vmem>>, vector<16xf32>,
      %get3A_876 = vector.shape_cast %get3A_875 : vector<16xf32> to vector<16xf32>
      %max3A_877 = arith.maximumf %get3A_876, %select_n3A_22 : vector<16xf32>
      %swap3A_878 = arith.index_cast %add3A_873 : i32 to index
      %swap3A_879 = tpu.vector_load %arg4[%swap3A_878] {strides = array<i32>} : memref<32768xf32, #tpu.memory_space<vmem>>, vector<16xf32>,
      %swap3A_880 = vector.shape_cast %swap3A_879 : vector<16xf32> to vector<16xf32>
      %swap3A_881 = vector.shape_cast %max3A_877 : vector<16xf32> to vector<16xf32>
      tpu.vector_store %arg4[%swap3A_878], %swap3A_881 {strides = array<i32>} : memref<32768xf32, #tpu.memory_space<vmem>>, vector<16xf32>,
    }
    %scan3A_303 = arith.constant 256 : i32
    %add3A_304 = arith.constant 327680 : i32
    %add3A_305 = arith.addi %mul3A_2, %add3A_304 : i32
    %dma_start3A_306 = tpu.memref_slice %arg3[%add3A_305] : memref<33554432xf32, #tpu.memory_space<hbm>> -> memref<32768xf32, #tpu.memory_space<hbm>>
    %dma_start3A_307 = tpu.memref_slice %arg3[%add3A_305] : memref<33554432xf32, #tpu.memory_space<hbm>> -> memref<32768xf32, #tpu.memory_space<hbm>>
    tpu.enqueue_dma source(%arg4 : memref<32768xf32, #tpu.memory_space<vmem>>) target(%dma_start3A_307 : memref<32768xf32, #tpu.memory_space<hbm>>) target_semaphore(%arg8 : memref<!tpu.dma_semaphore, #tpu.memory_space<semaphore_mem>>)
    %add3A_308 = arith.constant 327680 : i32
    %add3A_309 = arith.addi %mul3A_2, %add3A_308 : i32
    %dma_wait3A_310 = tpu.memref_slice %arg3[%add3A_309] : memref<33554432xf32, #tpu.memory_space<hbm>> -> memref<32768xf32, #tpu.memory_space<hbm>>
    %dma_wait3A_311 = tpu.memref_slice %arg3[%add3A_309] : memref<33554432xf32, #tpu.memory_space<hbm>> -> memref<32768xf32, #tpu.memory_space<hbm>>
    tpu.wait_dma2 semaphore(%arg8 : memref<!tpu.dma_semaphore, #tpu.memory_space<semaphore_mem>>) src(%arg4 : memref<32768xf32, #tpu.memory_space<vmem>>) dst(%dma_wait3A_311 : memref<32768xf32, #tpu.memory_space<hbm>>)
    %add3A_312 = arith.constant 0 : i32
    %add3A_313 = arith.addi %add3A_312, %mul3A_2 : i32
    %add3A_314 = arith.constant 393216 : i32
    %add3A_315 = arith.addi %add3A_313, %add3A_314 : i32
    %dma_start3A_316 = tpu.memref_slice %arg2[%add3A_315] : memref<33554432xf32, #tpu.memory_space<hbm>> -> memref<32768xf32, #tpu.memory_space<hbm>>
    %dma_start3A_317 = tpu.memref_slice %arg2[%add3A_315] : memref<33554432xf32, #tpu.memory_space<hbm>> -> memref<32768xf32, #tpu.memory_space<hbm>>
    tpu.enqueue_dma source(%dma_start3A_317 : memref<32768xf32, #tpu.memory_space<hbm>>) target(%arg4 : memref<32768xf32, #tpu.memory_space<vmem>>) target_semaphore(%arg6 : memref<!tpu.dma_semaphore, #tpu.memory_space<semaphore_mem>>)
    %add3A_318 = arith.constant 0 : i32
    %add3A_319 = arith.addi %add3A_318, %mul3A_2 : i32
    %add3A_320 = arith.constant 360448 : i32
    %add3A_321 = arith.addi %add3A_319, %add3A_320 : i32
    %dma_wait3A_322 = tpu.memref_slice %arg2[%add3A_321] : memref<33554432xf32, #tpu.memory_space<hbm>> -> memref<32768xf32, #tpu.memory_space<hbm>>
    %dma_wait3A_323 = tpu.memref_slice %arg2[%add3A_321] : memref<33554432xf32, #tpu.memory_space<hbm>> -> memref<32768xf32, #tpu.memory_space<hbm>>
    tpu.wait_dma2 semaphore(%arg7 : memref<!tpu.dma_semaphore, #tpu.memory_space<semaphore_mem>>) src(%dma_wait3A_323 : memref<32768xf32, #tpu.memory_space<hbm>>) dst(%arg5 : memref<32768xf32, #tpu.memory_space<vmem>>)
    %scan3A_324 = arith.constant 0 : i32
    %scan3A_325 = arith.constant 0 : i32
    %scan3A_326 = arith.constant 256 : i32
    %scan3A_327 = arith.addi %scan3A_325, %scan3A_326 : i32
    %scan3A_328 = arith.constant 1 : i32
    scf.for %scan3A_852 = %scan3A_325 to %scan3A_327 step %scan3A_328  : i32 {
      %mul3A_853 = arith.constant 128 : i32
      %mul3A_854 = arith.muli %scan3A_852, %mul3A_853 : i32
      %add3A_855 = arith.constant 0 : i32
      %add3A_856 = arith.addi %mul3A_854, %add3A_855 : i32
      %get3A = arith.index_cast %add3A_856 : i32 to index
      %get3A_857 = tpu.vector_load %arg5[%get3A] {strides = array<i32>} : memref<32768xf32, #tpu.memory_space<vmem>>, vector<16xf32>,
      %get3A_858 = vector.shape_cast %get3A_857 : vector<16xf32> to vector<16xf32>
      %max3A = arith.maximumf %get3A_858, %select_n3A : vector<16xf32>
      %swap3A = arith.index_cast %add3A_856 : i32 to index
      %swap3A_859 = tpu.vector_load %arg5[%swap3A] {strides = array<i32>} : memref<32768xf32, #tpu.memory_space<vmem>>, vector<16xf32>,
      %swap3A_860 = vector.shape_cast %swap3A_859 : vector<16xf32> to vector<16xf32>
      %swap3A_861 = vector.shape_cast %max3A : vector<16xf32> to vector<16xf32>
      tpu.vector_store %arg5[%swap3A], %swap3A_861 {strides = array<i32>} : memref<32768xf32, #tpu.memory_space<vmem>>, vector<16xf32>,
      %add3A_862 = arith.constant 16 : i32
      %add3A_863 = arith.addi %mul3A_854, %add3A_862 : i32
      %get3A_864 = arith.index_cast %add3A_863 : i32 to index
      %get3A_865 = tpu.vector_load %arg5[%get3A_864] {strides = array<i32>} : memref<32768xf32, #tpu.memory_space<vmem>>, vector<16xf32>,
      %get3A_866 = vector.shape_cast %get3A_865 : vector<16xf32> to vector<16xf32>
      %max3A_867 = arith.maximumf %get3A_866, %select_n3A_14 : vector<16xf32>
      %swap3A_868 = arith.index_cast %add3A_863 : i32 to index
      %swap3A_869 = tpu.vector_load %arg5[%swap3A_868] {strides = array<i32>} : memref<32768xf32, #tpu.memory_space<vmem>>, vector<16xf32>,
      %swap3A_870 = vector.shape_cast %swap3A_869 : vector<16xf32> to vector<16xf32>
      %swap3A_871 = vector.shape_cast %max3A_867 : vector<16xf32> to vector<16xf32>
      tpu.vector_store %arg5[%swap3A_868], %swap3A_871 {strides = array<i32>} : memref<32768xf32, #tpu.memory_space<vmem>>, vector<16xf32>,
      %add3A_872 = arith.constant 32 : i32
      %add3A_873 = arith.addi %mul3A_854, %add3A_872 : i32
      %get3A_874 = arith.index_cast %add3A_873 : i32 to index
      %get3A_875 = tpu.vector_load %arg5[%get3A_874] {strides = array<i32>} : memref<32768xf32, #tpu.memory_space<vmem>>, vector<16xf32>,
      %get3A_876 = vector.shape_cast %get3A_875 : vector<16xf32> to vector<16xf32>
      %max3A_877 = arith.maximumf %get3A_876, %select_n3A_22 : vector<16xf32>
      %swap3A_878 = arith.index_cast %add3A_873 : i32 to index
      %swap3A_879 = tpu.vector_load %arg5[%swap3A_878] {strides = array<i32>} : memref<32768xf32, #tpu.memory_space<vmem>>, vector<16xf32>,
      %swap3A_880 = vector.shape_cast %swap3A_879 : vector<16xf32> to vector<16xf32>
      %swap3A_881 = vector.shape_cast %max3A_877 : vector<16xf32> to vector<16xf32>
      tpu.vector_store %arg5[%swap3A_878], %swap3A_881 {strides = array<i32>} : memref<32768xf32, #tpu.memory_space<vmem>>, vector<16xf32>,
    }
    %scan3A_329 = arith.constant 256 : i32
    %add3A_330 = arith.constant 360448 : i32
    %add3A_331 = arith.addi %mul3A_2, %add3A_330 : i32
    %dma_start3A_332 = tpu.memref_slice %arg3[%add3A_331] : memref<33554432xf32, #tpu.memory_space<hbm>> -> memref<32768xf32, #tpu.memory_space<hbm>>
    %dma_start3A_333 = tpu.memref_slice %arg3[%add3A_331] : memref<33554432xf32, #tpu.memory_space<hbm>> -> memref<32768xf32, #tpu.memory_space<hbm>>
    tpu.enqueue_dma source(%arg5 : memref<32768xf32, #tpu.memory_space<vmem>>) target(%dma_start3A_333 : memref<32768xf32, #tpu.memory_space<hbm>>) target_semaphore(%arg9 : memref<!tpu.dma_semaphore, #tpu.memory_space<semaphore_mem>>)
    %add3A_334 = arith.constant 360448 : i32
    %add3A_335 = arith.addi %mul3A_2, %add3A_334 : i32
    %dma_wait3A_336 = tpu.memref_slice %arg3[%add3A_335] : memref<33554432xf32, #tpu.memory_space<hbm>> -> memref<32768xf32, #tpu.memory_space<hbm>>
    %dma_wait3A_337 = tpu.memref_slice %arg3[%add3A_335] : memref<33554432xf32, #tpu.memory_space<hbm>> -> memref<32768xf32, #tpu.memory_space<hbm>>
    tpu.wait_dma2 semaphore(%arg9 : memref<!tpu.dma_semaphore, #tpu.memory_space<semaphore_mem>>) src(%arg5 : memref<32768xf32, #tpu.memory_space<vmem>>) dst(%dma_wait3A_337 : memref<32768xf32, #tpu.memory_space<hbm>>)
    %add3A_338 = arith.constant 0 : i32
    %add3A_339 = arith.addi %add3A_338, %mul3A_2 : i32
    %add3A_340 = arith.constant 425984 : i32
    %add3A_341 = arith.addi %add3A_339, %add3A_340 : i32
    %dma_start3A_342 = tpu.memref_slice %arg2[%add3A_341] : memref<33554432xf32, #tpu.memory_space<hbm>> -> memref<32768xf32, #tpu.memory_space<hbm>>
    %dma_start3A_343 = tpu.memref_slice %arg2[%add3A_341] : memref<33554432xf32, #tpu.memory_space<hbm>> -> memref<32768xf32, #tpu.memory_space<hbm>>
    tpu.enqueue_dma source(%dma_start3A_343 : memref<32768xf32, #tpu.memory_space<hbm>>) target(%arg5 : memref<32768xf32, #tpu.memory_space<vmem>>) target_semaphore(%arg7 : memref<!tpu.dma_semaphore, #tpu.memory_space<semaphore_mem>>)
    %add3A_344 = arith.constant 0 : i32
    %add3A_345 = arith.addi %add3A_344, %mul3A_2 : i32
    %add3A_346 = arith.constant 393216 : i32
    %add3A_347 = arith.addi %add3A_345, %add3A_346 : i32
    %dma_wait3A_348 = tpu.memref_slice %arg2[%add3A_347] : memref<33554432xf32, #tpu.memory_space<hbm>> -> memref<32768xf32, #tpu.memory_space<hbm>>
    %dma_wait3A_349 = tpu.memref_slice %arg2[%add3A_347] : memref<33554432xf32, #tpu.memory_space<hbm>> -> memref<32768xf32, #tpu.memory_space<hbm>>
    tpu.wait_dma2 semaphore(%arg6 : memref<!tpu.dma_semaphore, #tpu.memory_space<semaphore_mem>>) src(%dma_wait3A_349 : memref<32768xf32, #tpu.memory_space<hbm>>) dst(%arg4 : memref<32768xf32, #tpu.memory_space<vmem>>)
    %scan3A_350 = arith.constant 0 : i32
    %scan3A_351 = arith.constant 0 : i32
    %scan3A_352 = arith.constant 256 : i32
    %scan3A_353 = arith.addi %scan3A_351, %scan3A_352 : i32
    %scan3A_354 = arith.constant 1 : i32
    scf.for %scan3A_852 = %scan3A_351 to %scan3A_353 step %scan3A_354  : i32 {
      %mul3A_853 = arith.constant 128 : i32
      %mul3A_854 = arith.muli %scan3A_852, %mul3A_853 : i32
      %add3A_855 = arith.constant 0 : i32
      %add3A_856 = arith.addi %mul3A_854, %add3A_855 : i32
      %get3A = arith.index_cast %add3A_856 : i32 to index
      %get3A_857 = tpu.vector_load %arg4[%get3A] {strides = array<i32>} : memref<32768xf32, #tpu.memory_space<vmem>>, vector<16xf32>,
      %get3A_858 = vector.shape_cast %get3A_857 : vector<16xf32> to vector<16xf32>
      %max3A = arith.maximumf %get3A_858, %select_n3A : vector<16xf32>
      %swap3A = arith.index_cast %add3A_856 : i32 to index
      %swap3A_859 = tpu.vector_load %arg4[%swap3A] {strides = array<i32>} : memref<32768xf32, #tpu.memory_space<vmem>>, vector<16xf32>,
      %swap3A_860 = vector.shape_cast %swap3A_859 : vector<16xf32> to vector<16xf32>
      %swap3A_861 = vector.shape_cast %max3A : vector<16xf32> to vector<16xf32>
      tpu.vector_store %arg4[%swap3A], %swap3A_861 {strides = array<i32>} : memref<32768xf32, #tpu.memory_space<vmem>>, vector<16xf32>,
      %add3A_862 = arith.constant 16 : i32
      %add3A_863 = arith.addi %mul3A_854, %add3A_862 : i32
      %get3A_864 = arith.index_cast %add3A_863 : i32 to index
      %get3A_865 = tpu.vector_load %arg4[%get3A_864] {strides = array<i32>} : memref<32768xf32, #tpu.memory_space<vmem>>, vector<16xf32>,
      %get3A_866 = vector.shape_cast %get3A_865 : vector<16xf32> to vector<16xf32>
      %max3A_867 = arith.maximumf %get3A_866, %select_n3A_14 : vector<16xf32>
      %swap3A_868 = arith.index_cast %add3A_863 : i32 to index
      %swap3A_869 = tpu.vector_load %arg4[%swap3A_868] {strides = array<i32>} : memref<32768xf32, #tpu.memory_space<vmem>>, vector<16xf32>,
      %swap3A_870 = vector.shape_cast %swap3A_869 : vector<16xf32> to vector<16xf32>
      %swap3A_871 = vector.shape_cast %max3A_867 : vector<16xf32> to vector<16xf32>
      tpu.vector_store %arg4[%swap3A_868], %swap3A_871 {strides = array<i32>} : memref<32768xf32, #tpu.memory_space<vmem>>, vector<16xf32>,
      %add3A_872 = arith.constant 32 : i32
      %add3A_873 = arith.addi %mul3A_854, %add3A_872 : i32
      %get3A_874 = arith.index_cast %add3A_873 : i32 to index
      %get3A_875 = tpu.vector_load %arg4[%get3A_874] {strides = array<i32>} : memref<32768xf32, #tpu.memory_space<vmem>>, vector<16xf32>,
      %get3A_876 = vector.shape_cast %get3A_875 : vector<16xf32> to vector<16xf32>
      %max3A_877 = arith.maximumf %get3A_876, %select_n3A_22 : vector<16xf32>
      %swap3A_878 = arith.index_cast %add3A_873 : i32 to index
      %swap3A_879 = tpu.vector_load %arg4[%swap3A_878] {strides = array<i32>} : memref<32768xf32, #tpu.memory_space<vmem>>, vector<16xf32>,
      %swap3A_880 = vector.shape_cast %swap3A_879 : vector<16xf32> to vector<16xf32>
      %swap3A_881 = vector.shape_cast %max3A_877 : vector<16xf32> to vector<16xf32>
      tpu.vector_store %arg4[%swap3A_878], %swap3A_881 {strides = array<i32>} : memref<32768xf32, #tpu.memory_space<vmem>>, vector<16xf32>,
    }
    %scan3A_355 = arith.constant 256 : i32
    %add3A_356 = arith.constant 393216 : i32
    %add3A_357 = arith.addi %mul3A_2, %add3A_356 : i32
    %dma_start3A_358 = tpu.memref_slice %arg3[%add3A_357] : memref<33554432xf32, #tpu.memory_space<hbm>> -> memref<32768xf32, #tpu.memory_space<hbm>>
    %dma_start3A_359 = tpu.memref_slice %arg3[%add3A_357] : memref<33554432xf32, #tpu.memory_space<hbm>> -> memref<32768xf32, #tpu.memory_space<hbm>>
    tpu.enqueue_dma source(%arg4 : memref<32768xf32, #tpu.memory_space<vmem>>) target(%dma_start3A_359 : memref<32768xf32, #tpu.memory_space<hbm>>) target_semaphore(%arg8 : memref<!tpu.dma_semaphore, #tpu.memory_space<semaphore_mem>>)
    %add3A_360 = arith.constant 393216 : i32
    %add3A_361 = arith.addi %mul3A_2, %add3A_360 : i32
    %dma_wait3A_362 = tpu.memref_slice %arg3[%add3A_361] : memref<33554432xf32, #tpu.memory_space<hbm>> -> memref<32768xf32, #tpu.memory_space<hbm>>
    %dma_wait3A_363 = tpu.memref_slice %arg3[%add3A_361] : memref<33554432xf32, #tpu.memory_space<hbm>> -> memref<32768xf32, #tpu.memory_space<hbm>>
    tpu.wait_dma2 semaphore(%arg8 : memref<!tpu.dma_semaphore, #tpu.memory_space<semaphore_mem>>) src(%arg4 : memref<32768xf32, #tpu.memory_space<vmem>>) dst(%dma_wait3A_363 : memref<32768xf32, #tpu.memory_space<hbm>>)
    %add3A_364 = arith.constant 0 : i32
    %add3A_365 = arith.addi %add3A_364, %mul3A_2 : i32
    %add3A_366 = arith.constant 458752 : i32
    %add3A_367 = arith.addi %add3A_365, %add3A_366 : i32
    %dma_start3A_368 = tpu.memref_slice %arg2[%add3A_367] : memref<33554432xf32, #tpu.memory_space<hbm>> -> memref<32768xf32, #tpu.memory_space<hbm>>
    %dma_start3A_369 = tpu.memref_slice %arg2[%add3A_367] : memref<33554432xf32, #tpu.memory_space<hbm>> -> memref<32768xf32, #tpu.memory_space<hbm>>
    tpu.enqueue_dma source(%dma_start3A_369 : memref<32768xf32, #tpu.memory_space<hbm>>) target(%arg4 : memref<32768xf32, #tpu.memory_space<vmem>>) target_semaphore(%arg6 : memref<!tpu.dma_semaphore, #tpu.memory_space<semaphore_mem>>)
    %add3A_370 = arith.constant 0 : i32
    %add3A_371 = arith.addi %add3A_370, %mul3A_2 : i32
    %add3A_372 = arith.constant 425984 : i32
    %add3A_373 = arith.addi %add3A_371, %add3A_372 : i32
    %dma_wait3A_374 = tpu.memref_slice %arg2[%add3A_373] : memref<33554432xf32, #tpu.memory_space<hbm>> -> memref<32768xf32, #tpu.memory_space<hbm>>
    %dma_wait3A_375 = tpu.memref_slice %arg2[%add3A_373] : memref<33554432xf32, #tpu.memory_space<hbm>> -> memref<32768xf32, #tpu.memory_space<hbm>>
    tpu.wait_dma2 semaphore(%arg7 : memref<!tpu.dma_semaphore, #tpu.memory_space<semaphore_mem>>) src(%dma_wait3A_375 : memref<32768xf32, #tpu.memory_space<hbm>>) dst(%arg5 : memref<32768xf32, #tpu.memory_space<vmem>>)
    %scan3A_376 = arith.constant 0 : i32
    %scan3A_377 = arith.constant 0 : i32
    %scan3A_378 = arith.constant 256 : i32
    %scan3A_379 = arith.addi %scan3A_377, %scan3A_378 : i32
    %scan3A_380 = arith.constant 1 : i32
    scf.for %scan3A_852 = %scan3A_377 to %scan3A_379 step %scan3A_380  : i32 {
      %mul3A_853 = arith.constant 128 : i32
      %mul3A_854 = arith.muli %scan3A_852, %mul3A_853 : i32
      %add3A_855 = arith.constant 0 : i32
      %add3A_856 = arith.addi %mul3A_854, %add3A_855 : i32
      %get3A = arith.index_cast %add3A_856 : i32 to index
      %get3A_857 = tpu.vector_load %arg5[%get3A] {strides = array<i32>} : memref<32768xf32, #tpu.memory_space<vmem>>, vector<16xf32>,
      %get3A_858 = vector.shape_cast %get3A_857 : vector<16xf32> to vector<16xf32>
      %max3A = arith.maximumf %get3A_858, %select_n3A : vector<16xf32>
      %swap3A = arith.index_cast %add3A_856 : i32 to index
      %swap3A_859 = tpu.vector_load %arg5[%swap3A] {strides = array<i32>} : memref<32768xf32, #tpu.memory_space<vmem>>, vector<16xf32>,
      %swap3A_860 = vector.shape_cast %swap3A_859 : vector<16xf32> to vector<16xf32>
      %swap3A_861 = vector.shape_cast %max3A : vector<16xf32> to vector<16xf32>
      tpu.vector_store %arg5[%swap3A], %swap3A_861 {strides = array<i32>} : memref<32768xf32, #tpu.memory_space<vmem>>, vector<16xf32>,
      %add3A_862 = arith.constant 16 : i32
      %add3A_863 = arith.addi %mul3A_854, %add3A_862 : i32
      %get3A_864 = arith.index_cast %add3A_863 : i32 to index
      %get3A_865 = tpu.vector_load %arg5[%get3A_864] {strides = array<i32>} : memref<32768xf32, #tpu.memory_space<vmem>>, vector<16xf32>,
      %get3A_866 = vector.shape_cast %get3A_865 : vector<16xf32> to vector<16xf32>
      %max3A_867 = arith.maximumf %get3A_866, %select_n3A_14 : vector<16xf32>
      %swap3A_868 = arith.index_cast %add3A_863 : i32 to index
      %swap3A_869 = tpu.vector_load %arg5[%swap3A_868] {strides = array<i32>} : memref<32768xf32, #tpu.memory_space<vmem>>, vector<16xf32>,
      %swap3A_870 = vector.shape_cast %swap3A_869 : vector<16xf32> to vector<16xf32>
      %swap3A_871 = vector.shape_cast %max3A_867 : vector<16xf32> to vector<16xf32>
      tpu.vector_store %arg5[%swap3A_868], %swap3A_871 {strides = array<i32>} : memref<32768xf32, #tpu.memory_space<vmem>>, vector<16xf32>,
      %add3A_872 = arith.constant 32 : i32
      %add3A_873 = arith.addi %mul3A_854, %add3A_872 : i32
      %get3A_874 = arith.index_cast %add3A_873 : i32 to index
      %get3A_875 = tpu.vector_load %arg5[%get3A_874] {strides = array<i32>} : memref<32768xf32, #tpu.memory_space<vmem>>, vector<16xf32>,
      %get3A_876 = vector.shape_cast %get3A_875 : vector<16xf32> to vector<16xf32>
      %max3A_877 = arith.maximumf %get3A_876, %select_n3A_22 : vector<16xf32>
      %swap3A_878 = arith.index_cast %add3A_873 : i32 to index
      %swap3A_879 = tpu.vector_load %arg5[%swap3A_878] {strides = array<i32>} : memref<32768xf32, #tpu.memory_space<vmem>>, vector<16xf32>,
      %swap3A_880 = vector.shape_cast %swap3A_879 : vector<16xf32> to vector<16xf32>
      %swap3A_881 = vector.shape_cast %max3A_877 : vector<16xf32> to vector<16xf32>
      tpu.vector_store %arg5[%swap3A_878], %swap3A_881 {strides = array<i32>} : memref<32768xf32, #tpu.memory_space<vmem>>, vector<16xf32>,
    }
    %scan3A_381 = arith.constant 256 : i32
    %add3A_382 = arith.constant 425984 : i32
    %add3A_383 = arith.addi %mul3A_2, %add3A_382 : i32
    %dma_start3A_384 = tpu.memref_slice %arg3[%add3A_383] : memref<33554432xf32, #tpu.memory_space<hbm>> -> memref<32768xf32, #tpu.memory_space<hbm>>
    %dma_start3A_385 = tpu.memref_slice %arg3[%add3A_383] : memref<33554432xf32, #tpu.memory_space<hbm>> -> memref<32768xf32, #tpu.memory_space<hbm>>
    tpu.enqueue_dma source(%arg5 : memref<32768xf32, #tpu.memory_space<vmem>>) target(%dma_start3A_385 : memref<32768xf32, #tpu.memory_space<hbm>>) target_semaphore(%arg9 : memref<!tpu.dma_semaphore, #tpu.memory_space<semaphore_mem>>)
    %add3A_386 = arith.constant 425984 : i32
    %add3A_387 = arith.addi %mul3A_2, %add3A_386 : i32
    %dma_wait3A_388 = tpu.memref_slice %arg3[%add3A_387] : memref<33554432xf32, #tpu.memory_space<hbm>> -> memref<32768xf32, #tpu.memory_space<hbm>>
    %dma_wait3A_389 = tpu.memref_slice %arg3[%add3A_387] : memref<33554432xf32, #tpu.memory_space<hbm>> -> memref<32768xf32, #tpu.memory_space<hbm>>
    tpu.wait_dma2 semaphore(%arg9 : memref<!tpu.dma_semaphore, #tpu.memory_space<semaphore_mem>>) src(%arg5 : memref<32768xf32, #tpu.memory_space<vmem>>) dst(%dma_wait3A_389 : memref<32768xf32, #tpu.memory_space<hbm>>)
    %add3A_390 = arith.constant 0 : i32
    %add3A_391 = arith.addi %add3A_390, %mul3A_2 : i32
    %add3A_392 = arith.constant 491520 : i32
    %add3A_393 = arith.addi %add3A_391, %add3A_392 : i32
    %dma_start3A_394 = tpu.memref_slice %arg2[%add3A_393] : memref<33554432xf32, #tpu.memory_space<hbm>> -> memref<32768xf32, #tpu.memory_space<hbm>>
    %dma_start3A_395 = tpu.memref_slice %arg2[%add3A_393] : memref<33554432xf32, #tpu.memory_space<hbm>> -> memref<32768xf32, #tpu.memory_space<hbm>>
    tpu.enqueue_dma source(%dma_start3A_395 : memref<32768xf32, #tpu.memory_space<hbm>>) target(%arg5 : memref<32768xf32, #tpu.memory_space<vmem>>) target_semaphore(%arg7 : memref<!tpu.dma_semaphore, #tpu.memory_space<semaphore_mem>>)
    %add3A_396 = arith.constant 0 : i32
    %add3A_397 = arith.addi %add3A_396, %mul3A_2 : i32
    %add3A_398 = arith.constant 458752 : i32
    %add3A_399 = arith.addi %add3A_397, %add3A_398 : i32
    %dma_wait3A_400 = tpu.memref_slice %arg2[%add3A_399] : memref<33554432xf32, #tpu.memory_space<hbm>> -> memref<32768xf32, #tpu.memory_space<hbm>>
    %dma_wait3A_401 = tpu.memref_slice %arg2[%add3A_399] : memref<33554432xf32, #tpu.memory_space<hbm>> -> memref<32768xf32, #tpu.memory_space<hbm>>
    tpu.wait_dma2 semaphore(%arg6 : memref<!tpu.dma_semaphore, #tpu.memory_space<semaphore_mem>>) src(%dma_wait3A_401 : memref<32768xf32, #tpu.memory_space<hbm>>) dst(%arg4 : memref<32768xf32, #tpu.memory_space<vmem>>)
    %scan3A_402 = arith.constant 0 : i32
    %scan3A_403 = arith.constant 0 : i32
    %scan3A_404 = arith.constant 256 : i32
    %scan3A_405 = arith.addi %scan3A_403, %scan3A_404 : i32
    %scan3A_406 = arith.constant 1 : i32
    scf.for %scan3A_852 = %scan3A_403 to %scan3A_405 step %scan3A_406  : i32 {
      %mul3A_853 = arith.constant 128 : i32
      %mul3A_854 = arith.muli %scan3A_852, %mul3A_853 : i32
      %add3A_855 = arith.constant 0 : i32
      %add3A_856 = arith.addi %mul3A_854, %add3A_855 : i32
      %get3A = arith.index_cast %add3A_856 : i32 to index
      %get3A_857 = tpu.vector_load %arg4[%get3A] {strides = array<i32>} : memref<32768xf32, #tpu.memory_space<vmem>>, vector<16xf32>,
      %get3A_858 = vector.shape_cast %get3A_857 : vector<16xf32> to vector<16xf32>
      %max3A = arith.maximumf %get3A_858, %select_n3A : vector<16xf32>
      %swap3A = arith.index_cast %add3A_856 : i32 to index
      %swap3A_859 = tpu.vector_load %arg4[%swap3A] {strides = array<i32>} : memref<32768xf32, #tpu.memory_space<vmem>>, vector<16xf32>,
      %swap3A_860 = vector.shape_cast %swap3A_859 : vector<16xf32> to vector<16xf32>
      %swap3A_861 = vector.shape_cast %max3A : vector<16xf32> to vector<16xf32>
      tpu.vector_store %arg4[%swap3A], %swap3A_861 {strides = array<i32>} : memref<32768xf32, #tpu.memory_space<vmem>>, vector<16xf32>,
      %add3A_862 = arith.constant 16 : i32
      %add3A_863 = arith.addi %mul3A_854, %add3A_862 : i32
      %get3A_864 = arith.index_cast %add3A_863 : i32 to index
      %get3A_865 = tpu.vector_load %arg4[%get3A_864] {strides = array<i32>} : memref<32768xf32, #tpu.memory_space<vmem>>, vector<16xf32>,
      %get3A_866 = vector.shape_cast %get3A_865 : vector<16xf32> to vector<16xf32>
      %max3A_867 = arith.maximumf %get3A_866, %select_n3A_14 : vector<16xf32>
      %swap3A_868 = arith.index_cast %add3A_863 : i32 to index
      %swap3A_869 = tpu.vector_load %arg4[%swap3A_868] {strides = array<i32>} : memref<32768xf32, #tpu.memory_space<vmem>>, vector<16xf32>,
      %swap3A_870 = vector.shape_cast %swap3A_869 : vector<16xf32> to vector<16xf32>
      %swap3A_871 = vector.shape_cast %max3A_867 : vector<16xf32> to vector<16xf32>
      tpu.vector_store %arg4[%swap3A_868], %swap3A_871 {strides = array<i32>} : memref<32768xf32, #tpu.memory_space<vmem>>, vector<16xf32>,
      %add3A_872 = arith.constant 32 : i32
      %add3A_873 = arith.addi %mul3A_854, %add3A_872 : i32
      %get3A_874 = arith.index_cast %add3A_873 : i32 to index
      %get3A_875 = tpu.vector_load %arg4[%get3A_874] {strides = array<i32>} : memref<32768xf32, #tpu.memory_space<vmem>>, vector<16xf32>,
      %get3A_876 = vector.shape_cast %get3A_875 : vector<16xf32> to vector<16xf32>
      %max3A_877 = arith.maximumf %get3A_876, %select_n3A_22 : vector<16xf32>
      %swap3A_878 = arith.index_cast %add3A_873 : i32 to index
      %swap3A_879 = tpu.vector_load %arg4[%swap3A_878] {strides = array<i32>} : memref<32768xf32, #tpu.memory_space<vmem>>, vector<16xf32>,
      %swap3A_880 = vector.shape_cast %swap3A_879 : vector<16xf32> to vector<16xf32>
      %swap3A_881 = vector.shape_cast %max3A_877 : vector<16xf32> to vector<16xf32>
      tpu.vector_store %arg4[%swap3A_878], %swap3A_881 {strides = array<i32>} : memref<32768xf32, #tpu.memory_space<vmem>>, vector<16xf32>,
    }
    %scan3A_407 = arith.constant 256 : i32
    %add3A_408 = arith.constant 458752 : i32
    %add3A_409 = arith.addi %mul3A_2, %add3A_408 : i32
    %dma_start3A_410 = tpu.memref_slice %arg3[%add3A_409] : memref<33554432xf32, #tpu.memory_space<hbm>> -> memref<32768xf32, #tpu.memory_space<hbm>>
    %dma_start3A_411 = tpu.memref_slice %arg3[%add3A_409] : memref<33554432xf32, #tpu.memory_space<hbm>> -> memref<32768xf32, #tpu.memory_space<hbm>>
    tpu.enqueue_dma source(%arg4 : memref<32768xf32, #tpu.memory_space<vmem>>) target(%dma_start3A_411 : memref<32768xf32, #tpu.memory_space<hbm>>) target_semaphore(%arg8 : memref<!tpu.dma_semaphore, #tpu.memory_space<semaphore_mem>>)
    %add3A_412 = arith.constant 458752 : i32
    %add3A_413 = arith.addi %mul3A_2, %add3A_412 : i32
    %dma_wait3A_414 = tpu.memref_slice %arg3[%add3A_413] : memref<33554432xf32, #tpu.memory_space<hbm>> -> memref<32768xf32, #tpu.memory_space<hbm>>
    %dma_wait3A_415 = tpu.memref_slice %arg3[%add3A_413] : memref<33554432xf32, #tpu.memory_space<hbm>> -> memref<32768xf32, #tpu.memory_space<hbm>>
    tpu.wait_dma2 semaphore(%arg8 : memref<!tpu.dma_semaphore, #tpu.memory_space<semaphore_mem>>) src(%arg4 : memref<32768xf32, #tpu.memory_space<vmem>>) dst(%dma_wait3A_415 : memref<32768xf32, #tpu.memory_space<hbm>>)
    %add3A_416 = arith.constant 0 : i32
    %add3A_417 = arith.addi %add3A_416, %mul3A_2 : i32
    %add3A_418 = arith.constant 524288 : i32
    %add3A_419 = arith.addi %add3A_417, %add3A_418 : i32
    %dma_start3A_420 = tpu.memref_slice %arg2[%add3A_419] : memref<33554432xf32, #tpu.memory_space<hbm>> -> memref<32768xf32, #tpu.memory_space<hbm>>
    %dma_start3A_421 = tpu.memref_slice %arg2[%add3A_419] : memref<33554432xf32, #tpu.memory_space<hbm>> -> memref<32768xf32, #tpu.memory_space<hbm>>
    tpu.enqueue_dma source(%dma_start3A_421 : memref<32768xf32, #tpu.memory_space<hbm>>) target(%arg4 : memref<32768xf32, #tpu.memory_space<vmem>>) target_semaphore(%arg6 : memref<!tpu.dma_semaphore, #tpu.memory_space<semaphore_mem>>)
    %add3A_422 = arith.constant 0 : i32
    %add3A_423 = arith.addi %add3A_422, %mul3A_2 : i32
    %add3A_424 = arith.constant 491520 : i32
    %add3A_425 = arith.addi %add3A_423, %add3A_424 : i32
    %dma_wait3A_426 = tpu.memref_slice %arg2[%add3A_425] : memref<33554432xf32, #tpu.memory_space<hbm>> -> memref<32768xf32, #tpu.memory_space<hbm>>
    %dma_wait3A_427 = tpu.memref_slice %arg2[%add3A_425] : memref<33554432xf32, #tpu.memory_space<hbm>> -> memref<32768xf32, #tpu.memory_space<hbm>>
    tpu.wait_dma2 semaphore(%arg7 : memref<!tpu.dma_semaphore, #tpu.memory_space<semaphore_mem>>) src(%dma_wait3A_427 : memref<32768xf32, #tpu.memory_space<hbm>>) dst(%arg5 : memref<32768xf32, #tpu.memory_space<vmem>>)
    %scan3A_428 = arith.constant 0 : i32
    %scan3A_429 = arith.constant 0 : i32
    %scan3A_430 = arith.constant 256 : i32
    %scan3A_431 = arith.addi %scan3A_429, %scan3A_430 : i32
    %scan3A_432 = arith.constant 1 : i32
    scf.for %scan3A_852 = %scan3A_429 to %scan3A_431 step %scan3A_432  : i32 {
      %mul3A_853 = arith.constant 128 : i32
      %mul3A_854 = arith.muli %scan3A_852, %mul3A_853 : i32
      %add3A_855 = arith.constant 0 : i32
      %add3A_856 = arith.addi %mul3A_854, %add3A_855 : i32
      %get3A = arith.index_cast %add3A_856 : i32 to index
      %get3A_857 = tpu.vector_load %arg5[%get3A] {strides = array<i32>} : memref<32768xf32, #tpu.memory_space<vmem>>, vector<16xf32>,
      %get3A_858 = vector.shape_cast %get3A_857 : vector<16xf32> to vector<16xf32>
      %max3A = arith.maximumf %get3A_858, %select_n3A : vector<16xf32>
      %swap3A = arith.index_cast %add3A_856 : i32 to index
      %swap3A_859 = tpu.vector_load %arg5[%swap3A] {strides = array<i32>} : memref<32768xf32, #tpu.memory_space<vmem>>, vector<16xf32>,
      %swap3A_860 = vector.shape_cast %swap3A_859 : vector<16xf32> to vector<16xf32>
      %swap3A_861 = vector.shape_cast %max3A : vector<16xf32> to vector<16xf32>
      tpu.vector_store %arg5[%swap3A], %swap3A_861 {strides = array<i32>} : memref<32768xf32, #tpu.memory_space<vmem>>, vector<16xf32>,
      %add3A_862 = arith.constant 16 : i32
      %add3A_863 = arith.addi %mul3A_854, %add3A_862 : i32
      %get3A_864 = arith.index_cast %add3A_863 : i32 to index
      %get3A_865 = tpu.vector_load %arg5[%get3A_864] {strides = array<i32>} : memref<32768xf32, #tpu.memory_space<vmem>>, vector<16xf32>,
      %get3A_866 = vector.shape_cast %get3A_865 : vector<16xf32> to vector<16xf32>
      %max3A_867 = arith.maximumf %get3A_866, %select_n3A_14 : vector<16xf32>
      %swap3A_868 = arith.index_cast %add3A_863 : i32 to index
      %swap3A_869 = tpu.vector_load %arg5[%swap3A_868] {strides = array<i32>} : memref<32768xf32, #tpu.memory_space<vmem>>, vector<16xf32>,
      %swap3A_870 = vector.shape_cast %swap3A_869 : vector<16xf32> to vector<16xf32>
      %swap3A_871 = vector.shape_cast %max3A_867 : vector<16xf32> to vector<16xf32>
      tpu.vector_store %arg5[%swap3A_868], %swap3A_871 {strides = array<i32>} : memref<32768xf32, #tpu.memory_space<vmem>>, vector<16xf32>,
      %add3A_872 = arith.constant 32 : i32
      %add3A_873 = arith.addi %mul3A_854, %add3A_872 : i32
      %get3A_874 = arith.index_cast %add3A_873 : i32 to index
      %get3A_875 = tpu.vector_load %arg5[%get3A_874] {strides = array<i32>} : memref<32768xf32, #tpu.memory_space<vmem>>, vector<16xf32>,
      %get3A_876 = vector.shape_cast %get3A_875 : vector<16xf32> to vector<16xf32>
      %max3A_877 = arith.maximumf %get3A_876, %select_n3A_22 : vector<16xf32>
      %swap3A_878 = arith.index_cast %add3A_873 : i32 to index
      %swap3A_879 = tpu.vector_load %arg5[%swap3A_878] {strides = array<i32>} : memref<32768xf32, #tpu.memory_space<vmem>>, vector<16xf32>,
      %swap3A_880 = vector.shape_cast %swap3A_879 : vector<16xf32> to vector<16xf32>
      %swap3A_881 = vector.shape_cast %max3A_877 : vector<16xf32> to vector<16xf32>
      tpu.vector_store %arg5[%swap3A_878], %swap3A_881 {strides = array<i32>} : memref<32768xf32, #tpu.memory_space<vmem>>, vector<16xf32>,
    }
    %scan3A_433 = arith.constant 256 : i32
    %add3A_434 = arith.constant 491520 : i32
    %add3A_435 = arith.addi %mul3A_2, %add3A_434 : i32
    %dma_start3A_436 = tpu.memref_slice %arg3[%add3A_435] : memref<33554432xf32, #tpu.memory_space<hbm>> -> memref<32768xf32, #tpu.memory_space<hbm>>
    %dma_start3A_437 = tpu.memref_slice %arg3[%add3A_435] : memref<33554432xf32, #tpu.memory_space<hbm>> -> memref<32768xf32, #tpu.memory_space<hbm>>
    tpu.enqueue_dma source(%arg5 : memref<32768xf32, #tpu.memory_space<vmem>>) target(%dma_start3A_437 : memref<32768xf32, #tpu.memory_space<hbm>>) target_semaphore(%arg9 : memref<!tpu.dma_semaphore, #tpu.memory_space<semaphore_mem>>)
    %add3A_438 = arith.constant 491520 : i32
    %add3A_439 = arith.addi %mul3A_2, %add3A_438 : i32
    %dma_wait3A_440 = tpu.memref_slice %arg3[%add3A_439] : memref<33554432xf32, #tpu.memory_space<hbm>> -> memref<32768xf32, #tpu.memory_space<hbm>>
    %dma_wait3A_441 = tpu.memref_slice %arg3[%add3A_439] : memref<33554432xf32, #tpu.memory_space<hbm>> -> memref<32768xf32, #tpu.memory_space<hbm>>
    tpu.wait_dma2 semaphore(%arg9 : memref<!tpu.dma_semaphore, #tpu.memory_space<semaphore_mem>>) src(%arg5 : memref<32768xf32, #tpu.memory_space<vmem>>) dst(%dma_wait3A_441 : memref<32768xf32, #tpu.memory_space<hbm>>)
    %add3A_442 = arith.constant 0 : i32
    %add3A_443 = arith.addi %add3A_442, %mul3A_2 : i32
    %add3A_444 = arith.constant 557056 : i32
    %add3A_445 = arith.addi %add3A_443, %add3A_444 : i32
    %dma_start3A_446 = tpu.memref_slice %arg2[%add3A_445] : memref<33554432xf32, #tpu.memory_space<hbm>> -> memref<32768xf32, #tpu.memory_space<hbm>>
    %dma_start3A_447 = tpu.memref_slice %arg2[%add3A_445] : memref<33554432xf32, #tpu.memory_space<hbm>> -> memref<32768xf32, #tpu.memory_space<hbm>>
    tpu.enqueue_dma source(%dma_start3A_447 : memref<32768xf32, #tpu.memory_space<hbm>>) target(%arg5 : memref<32768xf32, #tpu.memory_space<vmem>>) target_semaphore(%arg7 : memref<!tpu.dma_semaphore, #tpu.memory_space<semaphore_mem>>)
    %add3A_448 = arith.constant 0 : i32
    %add3A_449 = arith.addi %add3A_448, %mul3A_2 : i32
    %add3A_450 = arith.constant 524288 : i32
    %add3A_451 = arith.addi %add3A_449, %add3A_450 : i32
    %dma_wait3A_452 = tpu.memref_slice %arg2[%add3A_451] : memref<33554432xf32, #tpu.memory_space<hbm>> -> memref<32768xf32, #tpu.memory_space<hbm>>
    %dma_wait3A_453 = tpu.memref_slice %arg2[%add3A_451] : memref<33554432xf32, #tpu.memory_space<hbm>> -> memref<32768xf32, #tpu.memory_space<hbm>>
    tpu.wait_dma2 semaphore(%arg6 : memref<!tpu.dma_semaphore, #tpu.memory_space<semaphore_mem>>) src(%dma_wait3A_453 : memref<32768xf32, #tpu.memory_space<hbm>>) dst(%arg4 : memref<32768xf32, #tpu.memory_space<vmem>>)
    %scan3A_454 = arith.constant 0 : i32
    %scan3A_455 = arith.constant 0 : i32
    %scan3A_456 = arith.constant 256 : i32
    %scan3A_457 = arith.addi %scan3A_455, %scan3A_456 : i32
    %scan3A_458 = arith.constant 1 : i32
    scf.for %scan3A_852 = %scan3A_455 to %scan3A_457 step %scan3A_458  : i32 {
      %mul3A_853 = arith.constant 128 : i32
      %mul3A_854 = arith.muli %scan3A_852, %mul3A_853 : i32
      %add3A_855 = arith.constant 0 : i32
      %add3A_856 = arith.addi %mul3A_854, %add3A_855 : i32
      %get3A = arith.index_cast %add3A_856 : i32 to index
      %get3A_857 = tpu.vector_load %arg4[%get3A] {strides = array<i32>} : memref<32768xf32, #tpu.memory_space<vmem>>, vector<16xf32>,
      %get3A_858 = vector.shape_cast %get3A_857 : vector<16xf32> to vector<16xf32>
      %max3A = arith.maximumf %get3A_858, %select_n3A : vector<16xf32>
      %swap3A = arith.index_cast %add3A_856 : i32 to index
      %swap3A_859 = tpu.vector_load %arg4[%swap3A] {strides = array<i32>} : memref<32768xf32, #tpu.memory_space<vmem>>, vector<16xf32>,
      %swap3A_860 = vector.shape_cast %swap3A_859 : vector<16xf32> to vector<16xf32>
      %swap3A_861 = vector.shape_cast %max3A : vector<16xf32> to vector<16xf32>
      tpu.vector_store %arg4[%swap3A], %swap3A_861 {strides = array<i32>} : memref<32768xf32, #tpu.memory_space<vmem>>, vector<16xf32>,
      %add3A_862 = arith.constant 16 : i32
      %add3A_863 = arith.addi %mul3A_854, %add3A_862 : i32
      %get3A_864 = arith.index_cast %add3A_863 : i32 to index
      %get3A_865 = tpu.vector_load %arg4[%get3A_864] {strides = array<i32>} : memref<32768xf32, #tpu.memory_space<vmem>>, vector<16xf32>,
      %get3A_866 = vector.shape_cast %get3A_865 : vector<16xf32> to vector<16xf32>
      %max3A_867 = arith.maximumf %get3A_866, %select_n3A_14 : vector<16xf32>
      %swap3A_868 = arith.index_cast %add3A_863 : i32 to index
      %swap3A_869 = tpu.vector_load %arg4[%swap3A_868] {strides = array<i32>} : memref<32768xf32, #tpu.memory_space<vmem>>, vector<16xf32>,
      %swap3A_870 = vector.shape_cast %swap3A_869 : vector<16xf32> to vector<16xf32>
      %swap3A_871 = vector.shape_cast %max3A_867 : vector<16xf32> to vector<16xf32>
      tpu.vector_store %arg4[%swap3A_868], %swap3A_871 {strides = array<i32>} : memref<32768xf32, #tpu.memory_space<vmem>>, vector<16xf32>,
      %add3A_872 = arith.constant 32 : i32
      %add3A_873 = arith.addi %mul3A_854, %add3A_872 : i32
      %get3A_874 = arith.index_cast %add3A_873 : i32 to index
      %get3A_875 = tpu.vector_load %arg4[%get3A_874] {strides = array<i32>} : memref<32768xf32, #tpu.memory_space<vmem>>, vector<16xf32>,
      %get3A_876 = vector.shape_cast %get3A_875 : vector<16xf32> to vector<16xf32>
      %max3A_877 = arith.maximumf %get3A_876, %select_n3A_22 : vector<16xf32>
      %swap3A_878 = arith.index_cast %add3A_873 : i32 to index
      %swap3A_879 = tpu.vector_load %arg4[%swap3A_878] {strides = array<i32>} : memref<32768xf32, #tpu.memory_space<vmem>>, vector<16xf32>,
      %swap3A_880 = vector.shape_cast %swap3A_879 : vector<16xf32> to vector<16xf32>
      %swap3A_881 = vector.shape_cast %max3A_877 : vector<16xf32> to vector<16xf32>
      tpu.vector_store %arg4[%swap3A_878], %swap3A_881 {strides = array<i32>} : memref<32768xf32, #tpu.memory_space<vmem>>, vector<16xf32>,
    }
    %scan3A_459 = arith.constant 256 : i32
    %add3A_460 = arith.constant 524288 : i32
    %add3A_461 = arith.addi %mul3A_2, %add3A_460 : i32
    %dma_start3A_462 = tpu.memref_slice %arg3[%add3A_461] : memref<33554432xf32, #tpu.memory_space<hbm>> -> memref<32768xf32, #tpu.memory_space<hbm>>
    %dma_start3A_463 = tpu.memref_slice %arg3[%add3A_461] : memref<33554432xf32, #tpu.memory_space<hbm>> -> memref<32768xf32, #tpu.memory_space<hbm>>
    tpu.enqueue_dma source(%arg4 : memref<32768xf32, #tpu.memory_space<vmem>>) target(%dma_start3A_463 : memref<32768xf32, #tpu.memory_space<hbm>>) target_semaphore(%arg8 : memref<!tpu.dma_semaphore, #tpu.memory_space<semaphore_mem>>)
    %add3A_464 = arith.constant 524288 : i32
    %add3A_465 = arith.addi %mul3A_2, %add3A_464 : i32
    %dma_wait3A_466 = tpu.memref_slice %arg3[%add3A_465] : memref<33554432xf32, #tpu.memory_space<hbm>> -> memref<32768xf32, #tpu.memory_space<hbm>>
    %dma_wait3A_467 = tpu.memref_slice %arg3[%add3A_465] : memref<33554432xf32, #tpu.memory_space<hbm>> -> memref<32768xf32, #tpu.memory_space<hbm>>
    tpu.wait_dma2 semaphore(%arg8 : memref<!tpu.dma_semaphore, #tpu.memory_space<semaphore_mem>>) src(%arg4 : memref<32768xf32, #tpu.memory_space<vmem>>) dst(%dma_wait3A_467 : memref<32768xf32, #tpu.memory_space<hbm>>)
    %add3A_468 = arith.constant 0 : i32
    %add3A_469 = arith.addi %add3A_468, %mul3A_2 : i32
    %add3A_470 = arith.constant 589824 : i32
    %add3A_471 = arith.addi %add3A_469, %add3A_470 : i32
    %dma_start3A_472 = tpu.memref_slice %arg2[%add3A_471] : memref<33554432xf32, #tpu.memory_space<hbm>> -> memref<32768xf32, #tpu.memory_space<hbm>>
    %dma_start3A_473 = tpu.memref_slice %arg2[%add3A_471] : memref<33554432xf32, #tpu.memory_space<hbm>> -> memref<32768xf32, #tpu.memory_space<hbm>>
    tpu.enqueue_dma source(%dma_start3A_473 : memref<32768xf32, #tpu.memory_space<hbm>>) target(%arg4 : memref<32768xf32, #tpu.memory_space<vmem>>) target_semaphore(%arg6 : memref<!tpu.dma_semaphore, #tpu.memory_space<semaphore_mem>>)
    %add3A_474 = arith.constant 0 : i32
    %add3A_475 = arith.addi %add3A_474, %mul3A_2 : i32
    %add3A_476 = arith.constant 557056 : i32
    %add3A_477 = arith.addi %add3A_475, %add3A_476 : i32
    %dma_wait3A_478 = tpu.memref_slice %arg2[%add3A_477] : memref<33554432xf32, #tpu.memory_space<hbm>> -> memref<32768xf32, #tpu.memory_space<hbm>>
    %dma_wait3A_479 = tpu.memref_slice %arg2[%add3A_477] : memref<33554432xf32, #tpu.memory_space<hbm>> -> memref<32768xf32, #tpu.memory_space<hbm>>
    tpu.wait_dma2 semaphore(%arg7 : memref<!tpu.dma_semaphore, #tpu.memory_space<semaphore_mem>>) src(%dma_wait3A_479 : memref<32768xf32, #tpu.memory_space<hbm>>) dst(%arg5 : memref<32768xf32, #tpu.memory_space<vmem>>)
    %scan3A_480 = arith.constant 0 : i32
    %scan3A_481 = arith.constant 0 : i32
    %scan3A_482 = arith.constant 256 : i32
    %scan3A_483 = arith.addi %scan3A_481, %scan3A_482 : i32
    %scan3A_484 = arith.constant 1 : i32
    scf.for %scan3A_852 = %scan3A_481 to %scan3A_483 step %scan3A_484  : i32 {
      %mul3A_853 = arith.constant 128 : i32
      %mul3A_854 = arith.muli %scan3A_852, %mul3A_853 : i32
      %add3A_855 = arith.constant 0 : i32
      %add3A_856 = arith.addi %mul3A_854, %add3A_855 : i32
      %get3A = arith.index_cast %add3A_856 : i32 to index
      %get3A_857 = tpu.vector_load %arg5[%get3A] {strides = array<i32>} : memref<32768xf32, #tpu.memory_space<vmem>>, vector<16xf32>,
      %get3A_858 = vector.shape_cast %get3A_857 : vector<16xf32> to vector<16xf32>
      %max3A = arith.maximumf %get3A_858, %select_n3A : vector<16xf32>
      %swap3A = arith.index_cast %add3A_856 : i32 to index
      %swap3A_859 = tpu.vector_load %arg5[%swap3A] {strides = array<i32>} : memref<32768xf32, #tpu.memory_space<vmem>>, vector<16xf32>,
      %swap3A_860 = vector.shape_cast %swap3A_859 : vector<16xf32> to vector<16xf32>
      %swap3A_861 = vector.shape_cast %max3A : vector<16xf32> to vector<16xf32>
      tpu.vector_store %arg5[%swap3A], %swap3A_861 {strides = array<i32>} : memref<32768xf32, #tpu.memory_space<vmem>>, vector<16xf32>,
      %add3A_862 = arith.constant 16 : i32
      %add3A_863 = arith.addi %mul3A_854, %add3A_862 : i32
      %get3A_864 = arith.index_cast %add3A_863 : i32 to index
      %get3A_865 = tpu.vector_load %arg5[%get3A_864] {strides = array<i32>} : memref<32768xf32, #tpu.memory_space<vmem>>, vector<16xf32>,
      %get3A_866 = vector.shape_cast %get3A_865 : vector<16xf32> to vector<16xf32>
      %max3A_867 = arith.maximumf %get3A_866, %select_n3A_14 : vector<16xf32>
      %swap3A_868 = arith.index_cast %add3A_863 : i32 to index
      %swap3A_869 = tpu.vector_load %arg5[%swap3A_868] {strides = array<i32>} : memref<32768xf32, #tpu.memory_space<vmem>>, vector<16xf32>,
      %swap3A_870 = vector.shape_cast %swap3A_869 : vector<16xf32> to vector<16xf32>
      %swap3A_871 = vector.shape_cast %max3A_867 : vector<16xf32> to vector<16xf32>
      tpu.vector_store %arg5[%swap3A_868], %swap3A_871 {strides = array<i32>} : memref<32768xf32, #tpu.memory_space<vmem>>, vector<16xf32>,
      %add3A_872 = arith.constant 32 : i32
      %add3A_873 = arith.addi %mul3A_854, %add3A_872 : i32
      %get3A_874 = arith.index_cast %add3A_873 : i32 to index
      %get3A_875 = tpu.vector_load %arg5[%get3A_874] {strides = array<i32>} : memref<32768xf32, #tpu.memory_space<vmem>>, vector<16xf32>,
      %get3A_876 = vector.shape_cast %get3A_875 : vector<16xf32> to vector<16xf32>
      %max3A_877 = arith.maximumf %get3A_876, %select_n3A_22 : vector<16xf32>
      %swap3A_878 = arith.index_cast %add3A_873 : i32 to index
      %swap3A_879 = tpu.vector_load %arg5[%swap3A_878] {strides = array<i32>} : memref<32768xf32, #tpu.memory_space<vmem>>, vector<16xf32>,
      %swap3A_880 = vector.shape_cast %swap3A_879 : vector<16xf32> to vector<16xf32>
      %swap3A_881 = vector.shape_cast %max3A_877 : vector<16xf32> to vector<16xf32>
      tpu.vector_store %arg5[%swap3A_878], %swap3A_881 {strides = array<i32>} : memref<32768xf32, #tpu.memory_space<vmem>>, vector<16xf32>,
    }
    %scan3A_485 = arith.constant 256 : i32
    %add3A_486 = arith.constant 557056 : i32
    %add3A_487 = arith.addi %mul3A_2, %add3A_486 : i32
    %dma_start3A_488 = tpu.memref_slice %arg3[%add3A_487] : memref<33554432xf32, #tpu.memory_space<hbm>> -> memref<32768xf32, #tpu.memory_space<hbm>>
    %dma_start3A_489 = tpu.memref_slice %arg3[%add3A_487] : memref<33554432xf32, #tpu.memory_space<hbm>> -> memref<32768xf32, #tpu.memory_space<hbm>>
    tpu.enqueue_dma source(%arg5 : memref<32768xf32, #tpu.memory_space<vmem>>) target(%dma_start3A_489 : memref<32768xf32, #tpu.memory_space<hbm>>) target_semaphore(%arg9 : memref<!tpu.dma_semaphore, #tpu.memory_space<semaphore_mem>>)
    %add3A_490 = arith.constant 557056 : i32
    %add3A_491 = arith.addi %mul3A_2, %add3A_490 : i32
    %dma_wait3A_492 = tpu.memref_slice %arg3[%add3A_491] : memref<33554432xf32, #tpu.memory_space<hbm>> -> memref<32768xf32, #tpu.memory_space<hbm>>
    %dma_wait3A_493 = tpu.memref_slice %arg3[%add3A_491] : memref<33554432xf32, #tpu.memory_space<hbm>> -> memref<32768xf32, #tpu.memory_space<hbm>>
    tpu.wait_dma2 semaphore(%arg9 : memref<!tpu.dma_semaphore, #tpu.memory_space<semaphore_mem>>) src(%arg5 : memref<32768xf32, #tpu.memory_space<vmem>>) dst(%dma_wait3A_493 : memref<32768xf32, #tpu.memory_space<hbm>>)
    %add3A_494 = arith.constant 0 : i32
    %add3A_495 = arith.addi %add3A_494, %mul3A_2 : i32
    %add3A_496 = arith.constant 622592 : i32
    %add3A_497 = arith.addi %add3A_495, %add3A_496 : i32
    %dma_start3A_498 = tpu.memref_slice %arg2[%add3A_497] : memref<33554432xf32, #tpu.memory_space<hbm>> -> memref<32768xf32, #tpu.memory_space<hbm>>
    %dma_start3A_499 = tpu.memref_slice %arg2[%add3A_497] : memref<33554432xf32, #tpu.memory_space<hbm>> -> memref<32768xf32, #tpu.memory_space<hbm>>
    tpu.enqueue_dma source(%dma_start3A_499 : memref<32768xf32, #tpu.memory_space<hbm>>) target(%arg5 : memref<32768xf32, #tpu.memory_space<vmem>>) target_semaphore(%arg7 : memref<!tpu.dma_semaphore, #tpu.memory_space<semaphore_mem>>)
    %add3A_500 = arith.constant 0 : i32
    %add3A_501 = arith.addi %add3A_500, %mul3A_2 : i32
    %add3A_502 = arith.constant 589824 : i32
    %add3A_503 = arith.addi %add3A_501, %add3A_502 : i32
    %dma_wait3A_504 = tpu.memref_slice %arg2[%add3A_503] : memref<33554432xf32, #tpu.memory_space<hbm>> -> memref<32768xf32, #tpu.memory_space<hbm>>
    %dma_wait3A_505 = tpu.memref_slice %arg2[%add3A_503] : memref<33554432xf32, #tpu.memory_space<hbm>> -> memref<32768xf32, #tpu.memory_space<hbm>>
    tpu.wait_dma2 semaphore(%arg6 : memref<!tpu.dma_semaphore, #tpu.memory_space<semaphore_mem>>) src(%dma_wait3A_505 : memref<32768xf32, #tpu.memory_space<hbm>>) dst(%arg4 : memref<32768xf32, #tpu.memory_space<vmem>>)
    %scan3A_506 = arith.constant 0 : i32
    %scan3A_507 = arith.constant 0 : i32
    %scan3A_508 = arith.constant 256 : i32
    %scan3A_509 = arith.addi %scan3A_507, %scan3A_508 : i32
    %scan3A_510 = arith.constant 1 : i32
    scf.for %scan3A_852 = %scan3A_507 to %scan3A_509 step %scan3A_510  : i32 {
      %mul3A_853 = arith.constant 128 : i32
      %mul3A_854 = arith.muli %scan3A_852, %mul3A_853 : i32
      %add3A_855 = arith.constant 0 : i32
      %add3A_856 = arith.addi %mul3A_854, %add3A_855 : i32
      %get3A = arith.index_cast %add3A_856 : i32 to index
      %get3A_857 = tpu.vector_load %arg4[%get3A] {strides = array<i32>} : memref<32768xf32, #tpu.memory_space<vmem>>, vector<16xf32>,
      %get3A_858 = vector.shape_cast %get3A_857 : vector<16xf32> to vector<16xf32>
      %max3A = arith.maximumf %get3A_858, %select_n3A : vector<16xf32>
      %swap3A = arith.index_cast %add3A_856 : i32 to index
      %swap3A_859 = tpu.vector_load %arg4[%swap3A] {strides = array<i32>} : memref<32768xf32, #tpu.memory_space<vmem>>, vector<16xf32>,
      %swap3A_860 = vector.shape_cast %swap3A_859 : vector<16xf32> to vector<16xf32>
      %swap3A_861 = vector.shape_cast %max3A : vector<16xf32> to vector<16xf32>
      tpu.vector_store %arg4[%swap3A], %swap3A_861 {strides = array<i32>} : memref<32768xf32, #tpu.memory_space<vmem>>, vector<16xf32>,
      %add3A_862 = arith.constant 16 : i32
      %add3A_863 = arith.addi %mul3A_854, %add3A_862 : i32
      %get3A_864 = arith.index_cast %add3A_863 : i32 to index
      %get3A_865 = tpu.vector_load %arg4[%get3A_864] {strides = array<i32>} : memref<32768xf32, #tpu.memory_space<vmem>>, vector<16xf32>,
      %get3A_866 = vector.shape_cast %get3A_865 : vector<16xf32> to vector<16xf32>
      %max3A_867 = arith.maximumf %get3A_866, %select_n3A_14 : vector<16xf32>
      %swap3A_868 = arith.index_cast %add3A_863 : i32 to index
      %swap3A_869 = tpu.vector_load %arg4[%swap3A_868] {strides = array<i32>} : memref<32768xf32, #tpu.memory_space<vmem>>, vector<16xf32>,
      %swap3A_870 = vector.shape_cast %swap3A_869 : vector<16xf32> to vector<16xf32>
      %swap3A_871 = vector.shape_cast %max3A_867 : vector<16xf32> to vector<16xf32>
      tpu.vector_store %arg4[%swap3A_868], %swap3A_871 {strides = array<i32>} : memref<32768xf32, #tpu.memory_space<vmem>>, vector<16xf32>,
      %add3A_872 = arith.constant 32 : i32
      %add3A_873 = arith.addi %mul3A_854, %add3A_872 : i32
      %get3A_874 = arith.index_cast %add3A_873 : i32 to index
      %get3A_875 = tpu.vector_load %arg4[%get3A_874] {strides = array<i32>} : memref<32768xf32, #tpu.memory_space<vmem>>, vector<16xf32>,
      %get3A_876 = vector.shape_cast %get3A_875 : vector<16xf32> to vector<16xf32>
      %max3A_877 = arith.maximumf %get3A_876, %select_n3A_22 : vector<16xf32>
      %swap3A_878 = arith.index_cast %add3A_873 : i32 to index
      %swap3A_879 = tpu.vector_load %arg4[%swap3A_878] {strides = array<i32>} : memref<32768xf32, #tpu.memory_space<vmem>>, vector<16xf32>,
      %swap3A_880 = vector.shape_cast %swap3A_879 : vector<16xf32> to vector<16xf32>
      %swap3A_881 = vector.shape_cast %max3A_877 : vector<16xf32> to vector<16xf32>
      tpu.vector_store %arg4[%swap3A_878], %swap3A_881 {strides = array<i32>} : memref<32768xf32, #tpu.memory_space<vmem>>, vector<16xf32>,
    }
    %scan3A_511 = arith.constant 256 : i32
    %add3A_512 = arith.constant 589824 : i32
    %add3A_513 = arith.addi %mul3A_2, %add3A_512 : i32
    %dma_start3A_514 = tpu.memref_slice %arg3[%add3A_513] : memref<33554432xf32, #tpu.memory_space<hbm>> -> memref<32768xf32, #tpu.memory_space<hbm>>
    %dma_start3A_515 = tpu.memref_slice %arg3[%add3A_513] : memref<33554432xf32, #tpu.memory_space<hbm>> -> memref<32768xf32, #tpu.memory_space<hbm>>
    tpu.enqueue_dma source(%arg4 : memref<32768xf32, #tpu.memory_space<vmem>>) target(%dma_start3A_515 : memref<32768xf32, #tpu.memory_space<hbm>>) target_semaphore(%arg8 : memref<!tpu.dma_semaphore, #tpu.memory_space<semaphore_mem>>)
    %add3A_516 = arith.constant 589824 : i32
    %add3A_517 = arith.addi %mul3A_2, %add3A_516 : i32
    %dma_wait3A_518 = tpu.memref_slice %arg3[%add3A_517] : memref<33554432xf32, #tpu.memory_space<hbm>> -> memref<32768xf32, #tpu.memory_space<hbm>>
    %dma_wait3A_519 = tpu.memref_slice %arg3[%add3A_517] : memref<33554432xf32, #tpu.memory_space<hbm>> -> memref<32768xf32, #tpu.memory_space<hbm>>
    tpu.wait_dma2 semaphore(%arg8 : memref<!tpu.dma_semaphore, #tpu.memory_space<semaphore_mem>>) src(%arg4 : memref<32768xf32, #tpu.memory_space<vmem>>) dst(%dma_wait3A_519 : memref<32768xf32, #tpu.memory_space<hbm>>)
    %add3A_520 = arith.constant 0 : i32
    %add3A_521 = arith.addi %add3A_520, %mul3A_2 : i32
    %add3A_522 = arith.constant 655360 : i32
    %add3A_523 = arith.addi %add3A_521, %add3A_522 : i32
    %dma_start3A_524 = tpu.memref_slice %arg2[%add3A_523] : memref<33554432xf32, #tpu.memory_space<hbm>> -> memref<32768xf32, #tpu.memory_space<hbm>>
    %dma_start3A_525 = tpu.memref_slice %arg2[%add3A_523] : memref<33554432xf32, #tpu.memory_space<hbm>> -> memref<32768xf32, #tpu.memory_space<hbm>>
    tpu.enqueue_dma source(%dma_start3A_525 : memref<32768xf32, #tpu.memory_space<hbm>>) target(%arg4 : memref<32768xf32, #tpu.memory_space<vmem>>) target_semaphore(%arg6 : memref<!tpu.dma_semaphore, #tpu.memory_space<semaphore_mem>>)
    %add3A_526 = arith.constant 0 : i32
    %add3A_527 = arith.addi %add3A_526, %mul3A_2 : i32
    %add3A_528 = arith.constant 622592 : i32
    %add3A_529 = arith.addi %add3A_527, %add3A_528 : i32
    %dma_wait3A_530 = tpu.memref_slice %arg2[%add3A_529] : memref<33554432xf32, #tpu.memory_space<hbm>> -> memref<32768xf32, #tpu.memory_space<hbm>>
    %dma_wait3A_531 = tpu.memref_slice %arg2[%add3A_529] : memref<33554432xf32, #tpu.memory_space<hbm>> -> memref<32768xf32, #tpu.memory_space<hbm>>
    tpu.wait_dma2 semaphore(%arg7 : memref<!tpu.dma_semaphore, #tpu.memory_space<semaphore_mem>>) src(%dma_wait3A_531 : memref<32768xf32, #tpu.memory_space<hbm>>) dst(%arg5 : memref<32768xf32, #tpu.memory_space<vmem>>)
    %scan3A_532 = arith.constant 0 : i32
    %scan3A_533 = arith.constant 0 : i32
    %scan3A_534 = arith.constant 256 : i32
    %scan3A_535 = arith.addi %scan3A_533, %scan3A_534 : i32
    %scan3A_536 = arith.constant 1 : i32
    scf.for %scan3A_852 = %scan3A_533 to %scan3A_535 step %scan3A_536  : i32 {
      %mul3A_853 = arith.constant 128 : i32
      %mul3A_854 = arith.muli %scan3A_852, %mul3A_853 : i32
      %add3A_855 = arith.constant 0 : i32
      %add3A_856 = arith.addi %mul3A_854, %add3A_855 : i32
      %get3A = arith.index_cast %add3A_856 : i32 to index
      %get3A_857 = tpu.vector_load %arg5[%get3A] {strides = array<i32>} : memref<32768xf32, #tpu.memory_space<vmem>>, vector<16xf32>,
      %get3A_858 = vector.shape_cast %get3A_857 : vector<16xf32> to vector<16xf32>
      %max3A = arith.maximumf %get3A_858, %select_n3A : vector<16xf32>
      %swap3A = arith.index_cast %add3A_856 : i32 to index
      %swap3A_859 = tpu.vector_load %arg5[%swap3A] {strides = array<i32>} : memref<32768xf32, #tpu.memory_space<vmem>>, vector<16xf32>,
      %swap3A_860 = vector.shape_cast %swap3A_859 : vector<16xf32> to vector<16xf32>
      %swap3A_861 = vector.shape_cast %max3A : vector<16xf32> to vector<16xf32>
      tpu.vector_store %arg5[%swap3A], %swap3A_861 {strides = array<i32>} : memref<32768xf32, #tpu.memory_space<vmem>>, vector<16xf32>,
      %add3A_862 = arith.constant 16 : i32
      %add3A_863 = arith.addi %mul3A_854, %add3A_862 : i32
      %get3A_864 = arith.index_cast %add3A_863 : i32 to index
      %get3A_865 = tpu.vector_load %arg5[%get3A_864] {strides = array<i32>} : memref<32768xf32, #tpu.memory_space<vmem>>, vector<16xf32>,
      %get3A_866 = vector.shape_cast %get3A_865 : vector<16xf32> to vector<16xf32>
      %max3A_867 = arith.maximumf %get3A_866, %select_n3A_14 : vector<16xf32>
      %swap3A_868 = arith.index_cast %add3A_863 : i32 to index
      %swap3A_869 = tpu.vector_load %arg5[%swap3A_868] {strides = array<i32>} : memref<32768xf32, #tpu.memory_space<vmem>>, vector<16xf32>,
      %swap3A_870 = vector.shape_cast %swap3A_869 : vector<16xf32> to vector<16xf32>
      %swap3A_871 = vector.shape_cast %max3A_867 : vector<16xf32> to vector<16xf32>
      tpu.vector_store %arg5[%swap3A_868], %swap3A_871 {strides = array<i32>} : memref<32768xf32, #tpu.memory_space<vmem>>, vector<16xf32>,
      %add3A_872 = arith.constant 32 : i32
      %add3A_873 = arith.addi %mul3A_854, %add3A_872 : i32
      %get3A_874 = arith.index_cast %add3A_873 : i32 to index
      %get3A_875 = tpu.vector_load %arg5[%get3A_874] {strides = array<i32>} : memref<32768xf32, #tpu.memory_space<vmem>>, vector<16xf32>,
      %get3A_876 = vector.shape_cast %get3A_875 : vector<16xf32> to vector<16xf32>
      %max3A_877 = arith.maximumf %get3A_876, %select_n3A_22 : vector<16xf32>
      %swap3A_878 = arith.index_cast %add3A_873 : i32 to index
      %swap3A_879 = tpu.vector_load %arg5[%swap3A_878] {strides = array<i32>} : memref<32768xf32, #tpu.memory_space<vmem>>, vector<16xf32>,
      %swap3A_880 = vector.shape_cast %swap3A_879 : vector<16xf32> to vector<16xf32>
      %swap3A_881 = vector.shape_cast %max3A_877 : vector<16xf32> to vector<16xf32>
      tpu.vector_store %arg5[%swap3A_878], %swap3A_881 {strides = array<i32>} : memref<32768xf32, #tpu.memory_space<vmem>>, vector<16xf32>,
    }
    %scan3A_537 = arith.constant 256 : i32
    %add3A_538 = arith.constant 622592 : i32
    %add3A_539 = arith.addi %mul3A_2, %add3A_538 : i32
    %dma_start3A_540 = tpu.memref_slice %arg3[%add3A_539] : memref<33554432xf32, #tpu.memory_space<hbm>> -> memref<32768xf32, #tpu.memory_space<hbm>>
    %dma_start3A_541 = tpu.memref_slice %arg3[%add3A_539] : memref<33554432xf32, #tpu.memory_space<hbm>> -> memref<32768xf32, #tpu.memory_space<hbm>>
    tpu.enqueue_dma source(%arg5 : memref<32768xf32, #tpu.memory_space<vmem>>) target(%dma_start3A_541 : memref<32768xf32, #tpu.memory_space<hbm>>) target_semaphore(%arg9 : memref<!tpu.dma_semaphore, #tpu.memory_space<semaphore_mem>>)
    %add3A_542 = arith.constant 622592 : i32
    %add3A_543 = arith.addi %mul3A_2, %add3A_542 : i32
    %dma_wait3A_544 = tpu.memref_slice %arg3[%add3A_543] : memref<33554432xf32, #tpu.memory_space<hbm>> -> memref<32768xf32, #tpu.memory_space<hbm>>
    %dma_wait3A_545 = tpu.memref_slice %arg3[%add3A_543] : memref<33554432xf32, #tpu.memory_space<hbm>> -> memref<32768xf32, #tpu.memory_space<hbm>>
    tpu.wait_dma2 semaphore(%arg9 : memref<!tpu.dma_semaphore, #tpu.memory_space<semaphore_mem>>) src(%arg5 : memref<32768xf32, #tpu.memory_space<vmem>>) dst(%dma_wait3A_545 : memref<32768xf32, #tpu.memory_space<hbm>>)
    %add3A_546 = arith.constant 0 : i32
    %add3A_547 = arith.addi %add3A_546, %mul3A_2 : i32
    %add3A_548 = arith.constant 688128 : i32
    %add3A_549 = arith.addi %add3A_547, %add3A_548 : i32
    %dma_start3A_550 = tpu.memref_slice %arg2[%add3A_549] : memref<33554432xf32, #tpu.memory_space<hbm>> -> memref<32768xf32, #tpu.memory_space<hbm>>
    %dma_start3A_551 = tpu.memref_slice %arg2[%add3A_549] : memref<33554432xf32, #tpu.memory_space<hbm>> -> memref<32768xf32, #tpu.memory_space<hbm>>
    tpu.enqueue_dma source(%dma_start3A_551 : memref<32768xf32, #tpu.memory_space<hbm>>) target(%arg5 : memref<32768xf32, #tpu.memory_space<vmem>>) target_semaphore(%arg7 : memref<!tpu.dma_semaphore, #tpu.memory_space<semaphore_mem>>)
    %add3A_552 = arith.constant 0 : i32
    %add3A_553 = arith.addi %add3A_552, %mul3A_2 : i32
    %add3A_554 = arith.constant 655360 : i32
    %add3A_555 = arith.addi %add3A_553, %add3A_554 : i32
    %dma_wait3A_556 = tpu.memref_slice %arg2[%add3A_555] : memref<33554432xf32, #tpu.memory_space<hbm>> -> memref<32768xf32, #tpu.memory_space<hbm>>
    %dma_wait3A_557 = tpu.memref_slice %arg2[%add3A_555] : memref<33554432xf32, #tpu.memory_space<hbm>> -> memref<32768xf32, #tpu.memory_space<hbm>>
    tpu.wait_dma2 semaphore(%arg6 : memref<!tpu.dma_semaphore, #tpu.memory_space<semaphore_mem>>) src(%dma_wait3A_557 : memref<32768xf32, #tpu.memory_space<hbm>>) dst(%arg4 : memref<32768xf32, #tpu.memory_space<vmem>>)
    %scan3A_558 = arith.constant 0 : i32
    %scan3A_559 = arith.constant 0 : i32
    %scan3A_560 = arith.constant 256 : i32
    %scan3A_561 = arith.addi %scan3A_559, %scan3A_560 : i32
    %scan3A_562 = arith.constant 1 : i32
    scf.for %scan3A_852 = %scan3A_559 to %scan3A_561 step %scan3A_562  : i32 {
      %mul3A_853 = arith.constant 128 : i32
      %mul3A_854 = arith.muli %scan3A_852, %mul3A_853 : i32
      %add3A_855 = arith.constant 0 : i32
      %add3A_856 = arith.addi %mul3A_854, %add3A_855 : i32
      %get3A = arith.index_cast %add3A_856 : i32 to index
      %get3A_857 = tpu.vector_load %arg4[%get3A] {strides = array<i32>} : memref<32768xf32, #tpu.memory_space<vmem>>, vector<16xf32>,
      %get3A_858 = vector.shape_cast %get3A_857 : vector<16xf32> to vector<16xf32>
      %max3A = arith.maximumf %get3A_858, %select_n3A : vector<16xf32>
      %swap3A = arith.index_cast %add3A_856 : i32 to index
      %swap3A_859 = tpu.vector_load %arg4[%swap3A] {strides = array<i32>} : memref<32768xf32, #tpu.memory_space<vmem>>, vector<16xf32>,
      %swap3A_860 = vector.shape_cast %swap3A_859 : vector<16xf32> to vector<16xf32>
      %swap3A_861 = vector.shape_cast %max3A : vector<16xf32> to vector<16xf32>
      tpu.vector_store %arg4[%swap3A], %swap3A_861 {strides = array<i32>} : memref<32768xf32, #tpu.memory_space<vmem>>, vector<16xf32>,
      %add3A_862 = arith.constant 16 : i32
      %add3A_863 = arith.addi %mul3A_854, %add3A_862 : i32
      %get3A_864 = arith.index_cast %add3A_863 : i32 to index
      %get3A_865 = tpu.vector_load %arg4[%get3A_864] {strides = array<i32>} : memref<32768xf32, #tpu.memory_space<vmem>>, vector<16xf32>,
      %get3A_866 = vector.shape_cast %get3A_865 : vector<16xf32> to vector<16xf32>
      %max3A_867 = arith.maximumf %get3A_866, %select_n3A_14 : vector<16xf32>
      %swap3A_868 = arith.index_cast %add3A_863 : i32 to index
      %swap3A_869 = tpu.vector_load %arg4[%swap3A_868] {strides = array<i32>} : memref<32768xf32, #tpu.memory_space<vmem>>, vector<16xf32>,
      %swap3A_870 = vector.shape_cast %swap3A_869 : vector<16xf32> to vector<16xf32>
      %swap3A_871 = vector.shape_cast %max3A_867 : vector<16xf32> to vector<16xf32>
      tpu.vector_store %arg4[%swap3A_868], %swap3A_871 {strides = array<i32>} : memref<32768xf32, #tpu.memory_space<vmem>>, vector<16xf32>,
      %add3A_872 = arith.constant 32 : i32
      %add3A_873 = arith.addi %mul3A_854, %add3A_872 : i32
      %get3A_874 = arith.index_cast %add3A_873 : i32 to index
      %get3A_875 = tpu.vector_load %arg4[%get3A_874] {strides = array<i32>} : memref<32768xf32, #tpu.memory_space<vmem>>, vector<16xf32>,
      %get3A_876 = vector.shape_cast %get3A_875 : vector<16xf32> to vector<16xf32>
      %max3A_877 = arith.maximumf %get3A_876, %select_n3A_22 : vector<16xf32>
      %swap3A_878 = arith.index_cast %add3A_873 : i32 to index
      %swap3A_879 = tpu.vector_load %arg4[%swap3A_878] {strides = array<i32>} : memref<32768xf32, #tpu.memory_space<vmem>>, vector<16xf32>,
      %swap3A_880 = vector.shape_cast %swap3A_879 : vector<16xf32> to vector<16xf32>
      %swap3A_881 = vector.shape_cast %max3A_877 : vector<16xf32> to vector<16xf32>
      tpu.vector_store %arg4[%swap3A_878], %swap3A_881 {strides = array<i32>} : memref<32768xf32, #tpu.memory_space<vmem>>, vector<16xf32>,
    }
    %scan3A_563 = arith.constant 256 : i32
    %add3A_564 = arith.constant 655360 : i32
    %add3A_565 = arith.addi %mul3A_2, %add3A_564 : i32
    %dma_start3A_566 = tpu.memref_slice %arg3[%add3A_565] : memref<33554432xf32, #tpu.memory_space<hbm>> -> memref<32768xf32, #tpu.memory_space<hbm>>
    %dma_start3A_567 = tpu.memref_slice %arg3[%add3A_565] : memref<33554432xf32, #tpu.memory_space<hbm>> -> memref<32768xf32, #tpu.memory_space<hbm>>
    tpu.enqueue_dma source(%arg4 : memref<32768xf32, #tpu.memory_space<vmem>>) target(%dma_start3A_567 : memref<32768xf32, #tpu.memory_space<hbm>>) target_semaphore(%arg8 : memref<!tpu.dma_semaphore, #tpu.memory_space<semaphore_mem>>)
    %add3A_568 = arith.constant 655360 : i32
    %add3A_569 = arith.addi %mul3A_2, %add3A_568 : i32
    %dma_wait3A_570 = tpu.memref_slice %arg3[%add3A_569] : memref<33554432xf32, #tpu.memory_space<hbm>> -> memref<32768xf32, #tpu.memory_space<hbm>>
    %dma_wait3A_571 = tpu.memref_slice %arg3[%add3A_569] : memref<33554432xf32, #tpu.memory_space<hbm>> -> memref<32768xf32, #tpu.memory_space<hbm>>
    tpu.wait_dma2 semaphore(%arg8 : memref<!tpu.dma_semaphore, #tpu.memory_space<semaphore_mem>>) src(%arg4 : memref<32768xf32, #tpu.memory_space<vmem>>) dst(%dma_wait3A_571 : memref<32768xf32, #tpu.memory_space<hbm>>)
    %add3A_572 = arith.constant 0 : i32
    %add3A_573 = arith.addi %add3A_572, %mul3A_2 : i32
    %add3A_574 = arith.constant 720896 : i32
    %add3A_575 = arith.addi %add3A_573, %add3A_574 : i32
    %dma_start3A_576 = tpu.memref_slice %arg2[%add3A_575] : memref<33554432xf32, #tpu.memory_space<hbm>> -> memref<32768xf32, #tpu.memory_space<hbm>>
    %dma_start3A_577 = tpu.memref_slice %arg2[%add3A_575] : memref<33554432xf32, #tpu.memory_space<hbm>> -> memref<32768xf32, #tpu.memory_space<hbm>>
    tpu.enqueue_dma source(%dma_start3A_577 : memref<32768xf32, #tpu.memory_space<hbm>>) target(%arg4 : memref<32768xf32, #tpu.memory_space<vmem>>) target_semaphore(%arg6 : memref<!tpu.dma_semaphore, #tpu.memory_space<semaphore_mem>>)
    %add3A_578 = arith.constant 0 : i32
    %add3A_579 = arith.addi %add3A_578, %mul3A_2 : i32
    %add3A_580 = arith.constant 688128 : i32
    %add3A_581 = arith.addi %add3A_579, %add3A_580 : i32
    %dma_wait3A_582 = tpu.memref_slice %arg2[%add3A_581] : memref<33554432xf32, #tpu.memory_space<hbm>> -> memref<32768xf32, #tpu.memory_space<hbm>>
    %dma_wait3A_583 = tpu.memref_slice %arg2[%add3A_581] : memref<33554432xf32, #tpu.memory_space<hbm>> -> memref<32768xf32, #tpu.memory_space<hbm>>
    tpu.wait_dma2 semaphore(%arg7 : memref<!tpu.dma_semaphore, #tpu.memory_space<semaphore_mem>>) src(%dma_wait3A_583 : memref<32768xf32, #tpu.memory_space<hbm>>) dst(%arg5 : memref<32768xf32, #tpu.memory_space<vmem>>)
    %scan3A_584 = arith.constant 0 : i32
    %scan3A_585 = arith.constant 0 : i32
    %scan3A_586 = arith.constant 256 : i32
    %scan3A_587 = arith.addi %scan3A_585, %scan3A_586 : i32
    %scan3A_588 = arith.constant 1 : i32
    scf.for %scan3A_852 = %scan3A_585 to %scan3A_587 step %scan3A_588  : i32 {
      %mul3A_853 = arith.constant 128 : i32
      %mul3A_854 = arith.muli %scan3A_852, %mul3A_853 : i32
      %add3A_855 = arith.constant 0 : i32
      %add3A_856 = arith.addi %mul3A_854, %add3A_855 : i32
      %get3A = arith.index_cast %add3A_856 : i32 to index
      %get3A_857 = tpu.vector_load %arg5[%get3A] {strides = array<i32>} : memref<32768xf32, #tpu.memory_space<vmem>>, vector<16xf32>,
      %get3A_858 = vector.shape_cast %get3A_857 : vector<16xf32> to vector<16xf32>
      %max3A = arith.maximumf %get3A_858, %select_n3A : vector<16xf32>
      %swap3A = arith.index_cast %add3A_856 : i32 to index
      %swap3A_859 = tpu.vector_load %arg5[%swap3A] {strides = array<i32>} : memref<32768xf32, #tpu.memory_space<vmem>>, vector<16xf32>,
      %swap3A_860 = vector.shape_cast %swap3A_859 : vector<16xf32> to vector<16xf32>
      %swap3A_861 = vector.shape_cast %max3A : vector<16xf32> to vector<16xf32>
      tpu.vector_store %arg5[%swap3A], %swap3A_861 {strides = array<i32>} : memref<32768xf32, #tpu.memory_space<vmem>>, vector<16xf32>,
      %add3A_862 = arith.constant 16 : i32
      %add3A_863 = arith.addi %mul3A_854, %add3A_862 : i32
      %get3A_864 = arith.index_cast %add3A_863 : i32 to index
      %get3A_865 = tpu.vector_load %arg5[%get3A_864] {strides = array<i32>} : memref<32768xf32, #tpu.memory_space<vmem>>, vector<16xf32>,
      %get3A_866 = vector.shape_cast %get3A_865 : vector<16xf32> to vector<16xf32>
      %max3A_867 = arith.maximumf %get3A_866, %select_n3A_14 : vector<16xf32>
      %swap3A_868 = arith.index_cast %add3A_863 : i32 to index
      %swap3A_869 = tpu.vector_load %arg5[%swap3A_868] {strides = array<i32>} : memref<32768xf32, #tpu.memory_space<vmem>>, vector<16xf32>,
      %swap3A_870 = vector.shape_cast %swap3A_869 : vector<16xf32> to vector<16xf32>
      %swap3A_871 = vector.shape_cast %max3A_867 : vector<16xf32> to vector<16xf32>
      tpu.vector_store %arg5[%swap3A_868], %swap3A_871 {strides = array<i32>} : memref<32768xf32, #tpu.memory_space<vmem>>, vector<16xf32>,
      %add3A_872 = arith.constant 32 : i32
      %add3A_873 = arith.addi %mul3A_854, %add3A_872 : i32
      %get3A_874 = arith.index_cast %add3A_873 : i32 to index
      %get3A_875 = tpu.vector_load %arg5[%get3A_874] {strides = array<i32>} : memref<32768xf32, #tpu.memory_space<vmem>>, vector<16xf32>,
      %get3A_876 = vector.shape_cast %get3A_875 : vector<16xf32> to vector<16xf32>
      %max3A_877 = arith.maximumf %get3A_876, %select_n3A_22 : vector<16xf32>
      %swap3A_878 = arith.index_cast %add3A_873 : i32 to index
      %swap3A_879 = tpu.vector_load %arg5[%swap3A_878] {strides = array<i32>} : memref<32768xf32, #tpu.memory_space<vmem>>, vector<16xf32>,
      %swap3A_880 = vector.shape_cast %swap3A_879 : vector<16xf32> to vector<16xf32>
      %swap3A_881 = vector.shape_cast %max3A_877 : vector<16xf32> to vector<16xf32>
      tpu.vector_store %arg5[%swap3A_878], %swap3A_881 {strides = array<i32>} : memref<32768xf32, #tpu.memory_space<vmem>>, vector<16xf32>,
    }
    %scan3A_589 = arith.constant 256 : i32
    %add3A_590 = arith.constant 688128 : i32
    %add3A_591 = arith.addi %mul3A_2, %add3A_590 : i32
    %dma_start3A_592 = tpu.memref_slice %arg3[%add3A_591] : memref<33554432xf32, #tpu.memory_space<hbm>> -> memref<32768xf32, #tpu.memory_space<hbm>>
    %dma_start3A_593 = tpu.memref_slice %arg3[%add3A_591] : memref<33554432xf32, #tpu.memory_space<hbm>> -> memref<32768xf32, #tpu.memory_space<hbm>>
    tpu.enqueue_dma source(%arg5 : memref<32768xf32, #tpu.memory_space<vmem>>) target(%dma_start3A_593 : memref<32768xf32, #tpu.memory_space<hbm>>) target_semaphore(%arg9 : memref<!tpu.dma_semaphore, #tpu.memory_space<semaphore_mem>>)
    %add3A_594 = arith.constant 688128 : i32
    %add3A_595 = arith.addi %mul3A_2, %add3A_594 : i32
    %dma_wait3A_596 = tpu.memref_slice %arg3[%add3A_595] : memref<33554432xf32, #tpu.memory_space<hbm>> -> memref<32768xf32, #tpu.memory_space<hbm>>
    %dma_wait3A_597 = tpu.memref_slice %arg3[%add3A_595] : memref<33554432xf32, #tpu.memory_space<hbm>> -> memref<32768xf32, #tpu.memory_space<hbm>>
    tpu.wait_dma2 semaphore(%arg9 : memref<!tpu.dma_semaphore, #tpu.memory_space<semaphore_mem>>) src(%arg5 : memref<32768xf32, #tpu.memory_space<vmem>>) dst(%dma_wait3A_597 : memref<32768xf32, #tpu.memory_space<hbm>>)
    %add3A_598 = arith.constant 0 : i32
    %add3A_599 = arith.addi %add3A_598, %mul3A_2 : i32
    %add3A_600 = arith.constant 753664 : i32
    %add3A_601 = arith.addi %add3A_599, %add3A_600 : i32
    %dma_start3A_602 = tpu.memref_slice %arg2[%add3A_601] : memref<33554432xf32, #tpu.memory_space<hbm>> -> memref<32768xf32, #tpu.memory_space<hbm>>
    %dma_start3A_603 = tpu.memref_slice %arg2[%add3A_601] : memref<33554432xf32, #tpu.memory_space<hbm>> -> memref<32768xf32, #tpu.memory_space<hbm>>
    tpu.enqueue_dma source(%dma_start3A_603 : memref<32768xf32, #tpu.memory_space<hbm>>) target(%arg5 : memref<32768xf32, #tpu.memory_space<vmem>>) target_semaphore(%arg7 : memref<!tpu.dma_semaphore, #tpu.memory_space<semaphore_mem>>)
    %add3A_604 = arith.constant 0 : i32
    %add3A_605 = arith.addi %add3A_604, %mul3A_2 : i32
    %add3A_606 = arith.constant 720896 : i32
    %add3A_607 = arith.addi %add3A_605, %add3A_606 : i32
    %dma_wait3A_608 = tpu.memref_slice %arg2[%add3A_607] : memref<33554432xf32, #tpu.memory_space<hbm>> -> memref<32768xf32, #tpu.memory_space<hbm>>
    %dma_wait3A_609 = tpu.memref_slice %arg2[%add3A_607] : memref<33554432xf32, #tpu.memory_space<hbm>> -> memref<32768xf32, #tpu.memory_space<hbm>>
    tpu.wait_dma2 semaphore(%arg6 : memref<!tpu.dma_semaphore, #tpu.memory_space<semaphore_mem>>) src(%dma_wait3A_609 : memref<32768xf32, #tpu.memory_space<hbm>>) dst(%arg4 : memref<32768xf32, #tpu.memory_space<vmem>>)
    %scan3A_610 = arith.constant 0 : i32
    %scan3A_611 = arith.constant 0 : i32
    %scan3A_612 = arith.constant 256 : i32
    %scan3A_613 = arith.addi %scan3A_611, %scan3A_612 : i32
    %scan3A_614 = arith.constant 1 : i32
    scf.for %scan3A_852 = %scan3A_611 to %scan3A_613 step %scan3A_614  : i32 {
      %mul3A_853 = arith.constant 128 : i32
      %mul3A_854 = arith.muli %scan3A_852, %mul3A_853 : i32
      %add3A_855 = arith.constant 0 : i32
      %add3A_856 = arith.addi %mul3A_854, %add3A_855 : i32
      %get3A = arith.index_cast %add3A_856 : i32 to index
      %get3A_857 = tpu.vector_load %arg4[%get3A] {strides = array<i32>} : memref<32768xf32, #tpu.memory_space<vmem>>, vector<16xf32>,
      %get3A_858 = vector.shape_cast %get3A_857 : vector<16xf32> to vector<16xf32>
      %max3A = arith.maximumf %get3A_858, %select_n3A : vector<16xf32>
      %swap3A = arith.index_cast %add3A_856 : i32 to index
      %swap3A_859 = tpu.vector_load %arg4[%swap3A] {strides = array<i32>} : memref<32768xf32, #tpu.memory_space<vmem>>, vector<16xf32>,
      %swap3A_860 = vector.shape_cast %swap3A_859 : vector<16xf32> to vector<16xf32>
      %swap3A_861 = vector.shape_cast %max3A : vector<16xf32> to vector<16xf32>
      tpu.vector_store %arg4[%swap3A], %swap3A_861 {strides = array<i32>} : memref<32768xf32, #tpu.memory_space<vmem>>, vector<16xf32>,
      %add3A_862 = arith.constant 16 : i32
      %add3A_863 = arith.addi %mul3A_854, %add3A_862 : i32
      %get3A_864 = arith.index_cast %add3A_863 : i32 to index
      %get3A_865 = tpu.vector_load %arg4[%get3A_864] {strides = array<i32>} : memref<32768xf32, #tpu.memory_space<vmem>>, vector<16xf32>,
      %get3A_866 = vector.shape_cast %get3A_865 : vector<16xf32> to vector<16xf32>
      %max3A_867 = arith.maximumf %get3A_866, %select_n3A_14 : vector<16xf32>
      %swap3A_868 = arith.index_cast %add3A_863 : i32 to index
      %swap3A_869 = tpu.vector_load %arg4[%swap3A_868] {strides = array<i32>} : memref<32768xf32, #tpu.memory_space<vmem>>, vector<16xf32>,
      %swap3A_870 = vector.shape_cast %swap3A_869 : vector<16xf32> to vector<16xf32>
      %swap3A_871 = vector.shape_cast %max3A_867 : vector<16xf32> to vector<16xf32>
      tpu.vector_store %arg4[%swap3A_868], %swap3A_871 {strides = array<i32>} : memref<32768xf32, #tpu.memory_space<vmem>>, vector<16xf32>,
      %add3A_872 = arith.constant 32 : i32
      %add3A_873 = arith.addi %mul3A_854, %add3A_872 : i32
      %get3A_874 = arith.index_cast %add3A_873 : i32 to index
      %get3A_875 = tpu.vector_load %arg4[%get3A_874] {strides = array<i32>} : memref<32768xf32, #tpu.memory_space<vmem>>, vector<16xf32>,
      %get3A_876 = vector.shape_cast %get3A_875 : vector<16xf32> to vector<16xf32>
      %max3A_877 = arith.maximumf %get3A_876, %select_n3A_22 : vector<16xf32>
      %swap3A_878 = arith.index_cast %add3A_873 : i32 to index
      %swap3A_879 = tpu.vector_load %arg4[%swap3A_878] {strides = array<i32>} : memref<32768xf32, #tpu.memory_space<vmem>>, vector<16xf32>,
      %swap3A_880 = vector.shape_cast %swap3A_879 : vector<16xf32> to vector<16xf32>
      %swap3A_881 = vector.shape_cast %max3A_877 : vector<16xf32> to vector<16xf32>
      tpu.vector_store %arg4[%swap3A_878], %swap3A_881 {strides = array<i32>} : memref<32768xf32, #tpu.memory_space<vmem>>, vector<16xf32>,
    }
    %scan3A_615 = arith.constant 256 : i32
    %add3A_616 = arith.constant 720896 : i32
    %add3A_617 = arith.addi %mul3A_2, %add3A_616 : i32
    %dma_start3A_618 = tpu.memref_slice %arg3[%add3A_617] : memref<33554432xf32, #tpu.memory_space<hbm>> -> memref<32768xf32, #tpu.memory_space<hbm>>
    %dma_start3A_619 = tpu.memref_slice %arg3[%add3A_617] : memref<33554432xf32, #tpu.memory_space<hbm>> -> memref<32768xf32, #tpu.memory_space<hbm>>
    tpu.enqueue_dma source(%arg4 : memref<32768xf32, #tpu.memory_space<vmem>>) target(%dma_start3A_619 : memref<32768xf32, #tpu.memory_space<hbm>>) target_semaphore(%arg8 : memref<!tpu.dma_semaphore, #tpu.memory_space<semaphore_mem>>)
    %add3A_620 = arith.constant 720896 : i32
    %add3A_621 = arith.addi %mul3A_2, %add3A_620 : i32
    %dma_wait3A_622 = tpu.memref_slice %arg3[%add3A_621] : memref<33554432xf32, #tpu.memory_space<hbm>> -> memref<32768xf32, #tpu.memory_space<hbm>>
    %dma_wait3A_623 = tpu.memref_slice %arg3[%add3A_621] : memref<33554432xf32, #tpu.memory_space<hbm>> -> memref<32768xf32, #tpu.memory_space<hbm>>
    tpu.wait_dma2 semaphore(%arg8 : memref<!tpu.dma_semaphore, #tpu.memory_space<semaphore_mem>>) src(%arg4 : memref<32768xf32, #tpu.memory_space<vmem>>) dst(%dma_wait3A_623 : memref<32768xf32, #tpu.memory_space<hbm>>)
    %add3A_624 = arith.constant 0 : i32
    %add3A_625 = arith.addi %add3A_624, %mul3A_2 : i32
    %add3A_626 = arith.constant 786432 : i32
    %add3A_627 = arith.addi %add3A_625, %add3A_626 : i32
    %dma_start3A_628 = tpu.memref_slice %arg2[%add3A_627] : memref<33554432xf32, #tpu.memory_space<hbm>> -> memref<32768xf32, #tpu.memory_space<hbm>>
    %dma_start3A_629 = tpu.memref_slice %arg2[%add3A_627] : memref<33554432xf32, #tpu.memory_space<hbm>> -> memref<32768xf32, #tpu.memory_space<hbm>>
    tpu.enqueue_dma source(%dma_start3A_629 : memref<32768xf32, #tpu.memory_space<hbm>>) target(%arg4 : memref<32768xf32, #tpu.memory_space<vmem>>) target_semaphore(%arg6 : memref<!tpu.dma_semaphore, #tpu.memory_space<semaphore_mem>>)
    %add3A_630 = arith.constant 0 : i32
    %add3A_631 = arith.addi %add3A_630, %mul3A_2 : i32
    %add3A_632 = arith.constant 753664 : i32
    %add3A_633 = arith.addi %add3A_631, %add3A_632 : i32
    %dma_wait3A_634 = tpu.memref_slice %arg2[%add3A_633] : memref<33554432xf32, #tpu.memory_space<hbm>> -> memref<32768xf32, #tpu.memory_space<hbm>>
    %dma_wait3A_635 = tpu.memref_slice %arg2[%add3A_633] : memref<33554432xf32, #tpu.memory_space<hbm>> -> memref<32768xf32, #tpu.memory_space<hbm>>
    tpu.wait_dma2 semaphore(%arg7 : memref<!tpu.dma_semaphore, #tpu.memory_space<semaphore_mem>>) src(%dma_wait3A_635 : memref<32768xf32, #tpu.memory_space<hbm>>) dst(%arg5 : memref<32768xf32, #tpu.memory_space<vmem>>)
    %scan3A_636 = arith.constant 0 : i32
    %scan3A_637 = arith.constant 0 : i32
    %scan3A_638 = arith.constant 256 : i32
    %scan3A_639 = arith.addi %scan3A_637, %scan3A_638 : i32
    %scan3A_640 = arith.constant 1 : i32
    scf.for %scan3A_852 = %scan3A_637 to %scan3A_639 step %scan3A_640  : i32 {
      %mul3A_853 = arith.constant 128 : i32
      %mul3A_854 = arith.muli %scan3A_852, %mul3A_853 : i32
      %add3A_855 = arith.constant 0 : i32
      %add3A_856 = arith.addi %mul3A_854, %add3A_855 : i32
      %get3A = arith.index_cast %add3A_856 : i32 to index
      %get3A_857 = tpu.vector_load %arg5[%get3A] {strides = array<i32>} : memref<32768xf32, #tpu.memory_space<vmem>>, vector<16xf32>,
      %get3A_858 = vector.shape_cast %get3A_857 : vector<16xf32> to vector<16xf32>
      %max3A = arith.maximumf %get3A_858, %select_n3A : vector<16xf32>
      %swap3A = arith.index_cast %add3A_856 : i32 to index
      %swap3A_859 = tpu.vector_load %arg5[%swap3A] {strides = array<i32>} : memref<32768xf32, #tpu.memory_space<vmem>>, vector<16xf32>,
      %swap3A_860 = vector.shape_cast %swap3A_859 : vector<16xf32> to vector<16xf32>
      %swap3A_861 = vector.shape_cast %max3A : vector<16xf32> to vector<16xf32>
      tpu.vector_store %arg5[%swap3A], %swap3A_861 {strides = array<i32>} : memref<32768xf32, #tpu.memory_space<vmem>>, vector<16xf32>,
      %add3A_862 = arith.constant 16 : i32
      %add3A_863 = arith.addi %mul3A_854, %add3A_862 : i32
      %get3A_864 = arith.index_cast %add3A_863 : i32 to index
      %get3A_865 = tpu.vector_load %arg5[%get3A_864] {strides = array<i32>} : memref<32768xf32, #tpu.memory_space<vmem>>, vector<16xf32>,
      %get3A_866 = vector.shape_cast %get3A_865 : vector<16xf32> to vector<16xf32>
      %max3A_867 = arith.maximumf %get3A_866, %select_n3A_14 : vector<16xf32>
      %swap3A_868 = arith.index_cast %add3A_863 : i32 to index
      %swap3A_869 = tpu.vector_load %arg5[%swap3A_868] {strides = array<i32>} : memref<32768xf32, #tpu.memory_space<vmem>>, vector<16xf32>,
      %swap3A_870 = vector.shape_cast %swap3A_869 : vector<16xf32> to vector<16xf32>
      %swap3A_871 = vector.shape_cast %max3A_867 : vector<16xf32> to vector<16xf32>
      tpu.vector_store %arg5[%swap3A_868], %swap3A_871 {strides = array<i32>} : memref<32768xf32, #tpu.memory_space<vmem>>, vector<16xf32>,
      %add3A_872 = arith.constant 32 : i32
      %add3A_873 = arith.addi %mul3A_854, %add3A_872 : i32
      %get3A_874 = arith.index_cast %add3A_873 : i32 to index
      %get3A_875 = tpu.vector_load %arg5[%get3A_874] {strides = array<i32>} : memref<32768xf32, #tpu.memory_space<vmem>>, vector<16xf32>,
      %get3A_876 = vector.shape_cast %get3A_875 : vector<16xf32> to vector<16xf32>
      %max3A_877 = arith.maximumf %get3A_876, %select_n3A_22 : vector<16xf32>
      %swap3A_878 = arith.index_cast %add3A_873 : i32 to index
      %swap3A_879 = tpu.vector_load %arg5[%swap3A_878] {strides = array<i32>} : memref<32768xf32, #tpu.memory_space<vmem>>, vector<16xf32>,
      %swap3A_880 = vector.shape_cast %swap3A_879 : vector<16xf32> to vector<16xf32>
      %swap3A_881 = vector.shape_cast %max3A_877 : vector<16xf32> to vector<16xf32>
      tpu.vector_store %arg5[%swap3A_878], %swap3A_881 {strides = array<i32>} : memref<32768xf32, #tpu.memory_space<vmem>>, vector<16xf32>,
    }
    %scan3A_641 = arith.constant 256 : i32
    %add3A_642 = arith.constant 753664 : i32
    %add3A_643 = arith.addi %mul3A_2, %add3A_642 : i32
    %dma_start3A_644 = tpu.memref_slice %arg3[%add3A_643] : memref<33554432xf32, #tpu.memory_space<hbm>> -> memref<32768xf32, #tpu.memory_space<hbm>>
    %dma_start3A_645 = tpu.memref_slice %arg3[%add3A_643] : memref<33554432xf32, #tpu.memory_space<hbm>> -> memref<32768xf32, #tpu.memory_space<hbm>>
    tpu.enqueue_dma source(%arg5 : memref<32768xf32, #tpu.memory_space<vmem>>) target(%dma_start3A_645 : memref<32768xf32, #tpu.memory_space<hbm>>) target_semaphore(%arg9 : memref<!tpu.dma_semaphore, #tpu.memory_space<semaphore_mem>>)
    %add3A_646 = arith.constant 753664 : i32
    %add3A_647 = arith.addi %mul3A_2, %add3A_646 : i32
    %dma_wait3A_648 = tpu.memref_slice %arg3[%add3A_647] : memref<33554432xf32, #tpu.memory_space<hbm>> -> memref<32768xf32, #tpu.memory_space<hbm>>
    %dma_wait3A_649 = tpu.memref_slice %arg3[%add3A_647] : memref<33554432xf32, #tpu.memory_space<hbm>> -> memref<32768xf32, #tpu.memory_space<hbm>>
    tpu.wait_dma2 semaphore(%arg9 : memref<!tpu.dma_semaphore, #tpu.memory_space<semaphore_mem>>) src(%arg5 : memref<32768xf32, #tpu.memory_space<vmem>>) dst(%dma_wait3A_649 : memref<32768xf32, #tpu.memory_space<hbm>>)
    %add3A_650 = arith.constant 0 : i32
    %add3A_651 = arith.addi %add3A_650, %mul3A_2 : i32
    %add3A_652 = arith.constant 819200 : i32
    %add3A_653 = arith.addi %add3A_651, %add3A_652 : i32
    %dma_start3A_654 = tpu.memref_slice %arg2[%add3A_653] : memref<33554432xf32, #tpu.memory_space<hbm>> -> memref<32768xf32, #tpu.memory_space<hbm>>
    %dma_start3A_655 = tpu.memref_slice %arg2[%add3A_653] : memref<33554432xf32, #tpu.memory_space<hbm>> -> memref<32768xf32, #tpu.memory_space<hbm>>
    tpu.enqueue_dma source(%dma_start3A_655 : memref<32768xf32, #tpu.memory_space<hbm>>) target(%arg5 : memref<32768xf32, #tpu.memory_space<vmem>>) target_semaphore(%arg7 : memref<!tpu.dma_semaphore, #tpu.memory_space<semaphore_mem>>)
    %add3A_656 = arith.constant 0 : i32
    %add3A_657 = arith.addi %add3A_656, %mul3A_2 : i32
    %add3A_658 = arith.constant 786432 : i32
    %add3A_659 = arith.addi %add3A_657, %add3A_658 : i32
    %dma_wait3A_660 = tpu.memref_slice %arg2[%add3A_659] : memref<33554432xf32, #tpu.memory_space<hbm>> -> memref<32768xf32, #tpu.memory_space<hbm>>
    %dma_wait3A_661 = tpu.memref_slice %arg2[%add3A_659] : memref<33554432xf32, #tpu.memory_space<hbm>> -> memref<32768xf32, #tpu.memory_space<hbm>>
    tpu.wait_dma2 semaphore(%arg6 : memref<!tpu.dma_semaphore, #tpu.memory_space<semaphore_mem>>) src(%dma_wait3A_661 : memref<32768xf32, #tpu.memory_space<hbm>>) dst(%arg4 : memref<32768xf32, #tpu.memory_space<vmem>>)
    %scan3A_662 = arith.constant 0 : i32
    %scan3A_663 = arith.constant 0 : i32
    %scan3A_664 = arith.constant 256 : i32
    %scan3A_665 = arith.addi %scan3A_663, %scan3A_664 : i32
    %scan3A_666 = arith.constant 1 : i32
    scf.for %scan3A_852 = %scan3A_663 to %scan3A_665 step %scan3A_666  : i32 {
      %mul3A_853 = arith.constant 128 : i32
      %mul3A_854 = arith.muli %scan3A_852, %mul3A_853 : i32
      %add3A_855 = arith.constant 0 : i32
      %add3A_856 = arith.addi %mul3A_854, %add3A_855 : i32
      %get3A = arith.index_cast %add3A_856 : i32 to index
      %get3A_857 = tpu.vector_load %arg4[%get3A] {strides = array<i32>} : memref<32768xf32, #tpu.memory_space<vmem>>, vector<16xf32>,
      %get3A_858 = vector.shape_cast %get3A_857 : vector<16xf32> to vector<16xf32>
      %max3A = arith.maximumf %get3A_858, %select_n3A : vector<16xf32>
      %swap3A = arith.index_cast %add3A_856 : i32 to index
      %swap3A_859 = tpu.vector_load %arg4[%swap3A] {strides = array<i32>} : memref<32768xf32, #tpu.memory_space<vmem>>, vector<16xf32>,
      %swap3A_860 = vector.shape_cast %swap3A_859 : vector<16xf32> to vector<16xf32>
      %swap3A_861 = vector.shape_cast %max3A : vector<16xf32> to vector<16xf32>
      tpu.vector_store %arg4[%swap3A], %swap3A_861 {strides = array<i32>} : memref<32768xf32, #tpu.memory_space<vmem>>, vector<16xf32>,
      %add3A_862 = arith.constant 16 : i32
      %add3A_863 = arith.addi %mul3A_854, %add3A_862 : i32
      %get3A_864 = arith.index_cast %add3A_863 : i32 to index
      %get3A_865 = tpu.vector_load %arg4[%get3A_864] {strides = array<i32>} : memref<32768xf32, #tpu.memory_space<vmem>>, vector<16xf32>,
      %get3A_866 = vector.shape_cast %get3A_865 : vector<16xf32> to vector<16xf32>
      %max3A_867 = arith.maximumf %get3A_866, %select_n3A_14 : vector<16xf32>
      %swap3A_868 = arith.index_cast %add3A_863 : i32 to index
      %swap3A_869 = tpu.vector_load %arg4[%swap3A_868] {strides = array<i32>} : memref<32768xf32, #tpu.memory_space<vmem>>, vector<16xf32>,
      %swap3A_870 = vector.shape_cast %swap3A_869 : vector<16xf32> to vector<16xf32>
      %swap3A_871 = vector.shape_cast %max3A_867 : vector<16xf32> to vector<16xf32>
      tpu.vector_store %arg4[%swap3A_868], %swap3A_871 {strides = array<i32>} : memref<32768xf32, #tpu.memory_space<vmem>>, vector<16xf32>,
      %add3A_872 = arith.constant 32 : i32
      %add3A_873 = arith.addi %mul3A_854, %add3A_872 : i32
      %get3A_874 = arith.index_cast %add3A_873 : i32 to index
      %get3A_875 = tpu.vector_load %arg4[%get3A_874] {strides = array<i32>} : memref<32768xf32, #tpu.memory_space<vmem>>, vector<16xf32>,
      %get3A_876 = vector.shape_cast %get3A_875 : vector<16xf32> to vector<16xf32>
      %max3A_877 = arith.maximumf %get3A_876, %select_n3A_22 : vector<16xf32>
      %swap3A_878 = arith.index_cast %add3A_873 : i32 to index
      %swap3A_879 = tpu.vector_load %arg4[%swap3A_878] {strides = array<i32>} : memref<32768xf32, #tpu.memory_space<vmem>>, vector<16xf32>,
      %swap3A_880 = vector.shape_cast %swap3A_879 : vector<16xf32> to vector<16xf32>
      %swap3A_881 = vector.shape_cast %max3A_877 : vector<16xf32> to vector<16xf32>
      tpu.vector_store %arg4[%swap3A_878], %swap3A_881 {strides = array<i32>} : memref<32768xf32, #tpu.memory_space<vmem>>, vector<16xf32>,
    }
    %scan3A_667 = arith.constant 256 : i32
    %add3A_668 = arith.constant 786432 : i32
    %add3A_669 = arith.addi %mul3A_2, %add3A_668 : i32
    %dma_start3A_670 = tpu.memref_slice %arg3[%add3A_669] : memref<33554432xf32, #tpu.memory_space<hbm>> -> memref<32768xf32, #tpu.memory_space<hbm>>
    %dma_start3A_671 = tpu.memref_slice %arg3[%add3A_669] : memref<33554432xf32, #tpu.memory_space<hbm>> -> memref<32768xf32, #tpu.memory_space<hbm>>
    tpu.enqueue_dma source(%arg4 : memref<32768xf32, #tpu.memory_space<vmem>>) target(%dma_start3A_671 : memref<32768xf32, #tpu.memory_space<hbm>>) target_semaphore(%arg8 : memref<!tpu.dma_semaphore, #tpu.memory_space<semaphore_mem>>)
    %add3A_672 = arith.constant 786432 : i32
    %add3A_673 = arith.addi %mul3A_2, %add3A_672 : i32
    %dma_wait3A_674 = tpu.memref_slice %arg3[%add3A_673] : memref<33554432xf32, #tpu.memory_space<hbm>> -> memref<32768xf32, #tpu.memory_space<hbm>>
    %dma_wait3A_675 = tpu.memref_slice %arg3[%add3A_673] : memref<33554432xf32, #tpu.memory_space<hbm>> -> memref<32768xf32, #tpu.memory_space<hbm>>
    tpu.wait_dma2 semaphore(%arg8 : memref<!tpu.dma_semaphore, #tpu.memory_space<semaphore_mem>>) src(%arg4 : memref<32768xf32, #tpu.memory_space<vmem>>) dst(%dma_wait3A_675 : memref<32768xf32, #tpu.memory_space<hbm>>)
    %add3A_676 = arith.constant 0 : i32
    %add3A_677 = arith.addi %add3A_676, %mul3A_2 : i32
    %add3A_678 = arith.constant 851968 : i32
    %add3A_679 = arith.addi %add3A_677, %add3A_678 : i32
    %dma_start3A_680 = tpu.memref_slice %arg2[%add3A_679] : memref<33554432xf32, #tpu.memory_space<hbm>> -> memref<32768xf32, #tpu.memory_space<hbm>>
    %dma_start3A_681 = tpu.memref_slice %arg2[%add3A_679] : memref<33554432xf32, #tpu.memory_space<hbm>> -> memref<32768xf32, #tpu.memory_space<hbm>>
    tpu.enqueue_dma source(%dma_start3A_681 : memref<32768xf32, #tpu.memory_space<hbm>>) target(%arg4 : memref<32768xf32, #tpu.memory_space<vmem>>) target_semaphore(%arg6 : memref<!tpu.dma_semaphore, #tpu.memory_space<semaphore_mem>>)
    %add3A_682 = arith.constant 0 : i32
    %add3A_683 = arith.addi %add3A_682, %mul3A_2 : i32
    %add3A_684 = arith.constant 819200 : i32
    %add3A_685 = arith.addi %add3A_683, %add3A_684 : i32
    %dma_wait3A_686 = tpu.memref_slice %arg2[%add3A_685] : memref<33554432xf32, #tpu.memory_space<hbm>> -> memref<32768xf32, #tpu.memory_space<hbm>>
    %dma_wait3A_687 = tpu.memref_slice %arg2[%add3A_685] : memref<33554432xf32, #tpu.memory_space<hbm>> -> memref<32768xf32, #tpu.memory_space<hbm>>
    tpu.wait_dma2 semaphore(%arg7 : memref<!tpu.dma_semaphore, #tpu.memory_space<semaphore_mem>>) src(%dma_wait3A_687 : memref<32768xf32, #tpu.memory_space<hbm>>) dst(%arg5 : memref<32768xf32, #tpu.memory_space<vmem>>)
    %scan3A_688 = arith.constant 0 : i32
    %scan3A_689 = arith.constant 0 : i32
    %scan3A_690 = arith.constant 256 : i32
    %scan3A_691 = arith.addi %scan3A_689, %scan3A_690 : i32
    %scan3A_692 = arith.constant 1 : i32
    scf.for %scan3A_852 = %scan3A_689 to %scan3A_691 step %scan3A_692  : i32 {
      %mul3A_853 = arith.constant 128 : i32
      %mul3A_854 = arith.muli %scan3A_852, %mul3A_853 : i32
      %add3A_855 = arith.constant 0 : i32
      %add3A_856 = arith.addi %mul3A_854, %add3A_855 : i32
      %get3A = arith.index_cast %add3A_856 : i32 to index
      %get3A_857 = tpu.vector_load %arg5[%get3A] {strides = array<i32>} : memref<32768xf32, #tpu.memory_space<vmem>>, vector<16xf32>,
      %get3A_858 = vector.shape_cast %get3A_857 : vector<16xf32> to vector<16xf32>
      %max3A = arith.maximumf %get3A_858, %select_n3A : vector<16xf32>
      %swap3A = arith.index_cast %add3A_856 : i32 to index
      %swap3A_859 = tpu.vector_load %arg5[%swap3A] {strides = array<i32>} : memref<32768xf32, #tpu.memory_space<vmem>>, vector<16xf32>,
      %swap3A_860 = vector.shape_cast %swap3A_859 : vector<16xf32> to vector<16xf32>
      %swap3A_861 = vector.shape_cast %max3A : vector<16xf32> to vector<16xf32>
      tpu.vector_store %arg5[%swap3A], %swap3A_861 {strides = array<i32>} : memref<32768xf32, #tpu.memory_space<vmem>>, vector<16xf32>,
      %add3A_862 = arith.constant 16 : i32
      %add3A_863 = arith.addi %mul3A_854, %add3A_862 : i32
      %get3A_864 = arith.index_cast %add3A_863 : i32 to index
      %get3A_865 = tpu.vector_load %arg5[%get3A_864] {strides = array<i32>} : memref<32768xf32, #tpu.memory_space<vmem>>, vector<16xf32>,
      %get3A_866 = vector.shape_cast %get3A_865 : vector<16xf32> to vector<16xf32>
      %max3A_867 = arith.maximumf %get3A_866, %select_n3A_14 : vector<16xf32>
      %swap3A_868 = arith.index_cast %add3A_863 : i32 to index
      %swap3A_869 = tpu.vector_load %arg5[%swap3A_868] {strides = array<i32>} : memref<32768xf32, #tpu.memory_space<vmem>>, vector<16xf32>,
      %swap3A_870 = vector.shape_cast %swap3A_869 : vector<16xf32> to vector<16xf32>
      %swap3A_871 = vector.shape_cast %max3A_867 : vector<16xf32> to vector<16xf32>
      tpu.vector_store %arg5[%swap3A_868], %swap3A_871 {strides = array<i32>} : memref<32768xf32, #tpu.memory_space<vmem>>, vector<16xf32>,
      %add3A_872 = arith.constant 32 : i32
      %add3A_873 = arith.addi %mul3A_854, %add3A_872 : i32
      %get3A_874 = arith.index_cast %add3A_873 : i32 to index
      %get3A_875 = tpu.vector_load %arg5[%get3A_874] {strides = array<i32>} : memref<32768xf32, #tpu.memory_space<vmem>>, vector<16xf32>,
      %get3A_876 = vector.shape_cast %get3A_875 : vector<16xf32> to vector<16xf32>
      %max3A_877 = arith.maximumf %get3A_876, %select_n3A_22 : vector<16xf32>
      %swap3A_878 = arith.index_cast %add3A_873 : i32 to index
      %swap3A_879 = tpu.vector_load %arg5[%swap3A_878] {strides = array<i32>} : memref<32768xf32, #tpu.memory_space<vmem>>, vector<16xf32>,
      %swap3A_880 = vector.shape_cast %swap3A_879 : vector<16xf32> to vector<16xf32>
      %swap3A_881 = vector.shape_cast %max3A_877 : vector<16xf32> to vector<16xf32>
      tpu.vector_store %arg5[%swap3A_878], %swap3A_881 {strides = array<i32>} : memref<32768xf32, #tpu.memory_space<vmem>>, vector<16xf32>,
    }
    %scan3A_693 = arith.constant 256 : i32
    %add3A_694 = arith.constant 819200 : i32
    %add3A_695 = arith.addi %mul3A_2, %add3A_694 : i32
    %dma_start3A_696 = tpu.memref_slice %arg3[%add3A_695] : memref<33554432xf32, #tpu.memory_space<hbm>> -> memref<32768xf32, #tpu.memory_space<hbm>>
    %dma_start3A_697 = tpu.memref_slice %arg3[%add3A_695] : memref<33554432xf32, #tpu.memory_space<hbm>> -> memref<32768xf32, #tpu.memory_space<hbm>>
    tpu.enqueue_dma source(%arg5 : memref<32768xf32, #tpu.memory_space<vmem>>) target(%dma_start3A_697 : memref<32768xf32, #tpu.memory_space<hbm>>) target_semaphore(%arg9 : memref<!tpu.dma_semaphore, #tpu.memory_space<semaphore_mem>>)
    %add3A_698 = arith.constant 819200 : i32
    %add3A_699 = arith.addi %mul3A_2, %add3A_698 : i32
    %dma_wait3A_700 = tpu.memref_slice %arg3[%add3A_699] : memref<33554432xf32, #tpu.memory_space<hbm>> -> memref<32768xf32, #tpu.memory_space<hbm>>
    %dma_wait3A_701 = tpu.memref_slice %arg3[%add3A_699] : memref<33554432xf32, #tpu.memory_space<hbm>> -> memref<32768xf32, #tpu.memory_space<hbm>>
    tpu.wait_dma2 semaphore(%arg9 : memref<!tpu.dma_semaphore, #tpu.memory_space<semaphore_mem>>) src(%arg5 : memref<32768xf32, #tpu.memory_space<vmem>>) dst(%dma_wait3A_701 : memref<32768xf32, #tpu.memory_space<hbm>>)
    %add3A_702 = arith.constant 0 : i32
    %add3A_703 = arith.addi %add3A_702, %mul3A_2 : i32
    %add3A_704 = arith.constant 884736 : i32
    %add3A_705 = arith.addi %add3A_703, %add3A_704 : i32
    %dma_start3A_706 = tpu.memref_slice %arg2[%add3A_705] : memref<33554432xf32, #tpu.memory_space<hbm>> -> memref<32768xf32, #tpu.memory_space<hbm>>
    %dma_start3A_707 = tpu.memref_slice %arg2[%add3A_705] : memref<33554432xf32, #tpu.memory_space<hbm>> -> memref<32768xf32, #tpu.memory_space<hbm>>
    tpu.enqueue_dma source(%dma_start3A_707 : memref<32768xf32, #tpu.memory_space<hbm>>) target(%arg5 : memref<32768xf32, #tpu.memory_space<vmem>>) target_semaphore(%arg7 : memref<!tpu.dma_semaphore, #tpu.memory_space<semaphore_mem>>)
    %add3A_708 = arith.constant 0 : i32
    %add3A_709 = arith.addi %add3A_708, %mul3A_2 : i32
    %add3A_710 = arith.constant 851968 : i32
    %add3A_711 = arith.addi %add3A_709, %add3A_710 : i32
    %dma_wait3A_712 = tpu.memref_slice %arg2[%add3A_711] : memref<33554432xf32, #tpu.memory_space<hbm>> -> memref<32768xf32, #tpu.memory_space<hbm>>
    %dma_wait3A_713 = tpu.memref_slice %arg2[%add3A_711] : memref<33554432xf32, #tpu.memory_space<hbm>> -> memref<32768xf32, #tpu.memory_space<hbm>>
    tpu.wait_dma2 semaphore(%arg6 : memref<!tpu.dma_semaphore, #tpu.memory_space<semaphore_mem>>) src(%dma_wait3A_713 : memref<32768xf32, #tpu.memory_space<hbm>>) dst(%arg4 : memref<32768xf32, #tpu.memory_space<vmem>>)
    %scan3A_714 = arith.constant 0 : i32
    %scan3A_715 = arith.constant 0 : i32
    %scan3A_716 = arith.constant 256 : i32
    %scan3A_717 = arith.addi %scan3A_715, %scan3A_716 : i32
    %scan3A_718 = arith.constant 1 : i32
    scf.for %scan3A_852 = %scan3A_715 to %scan3A_717 step %scan3A_718  : i32 {
      %mul3A_853 = arith.constant 128 : i32
      %mul3A_854 = arith.muli %scan3A_852, %mul3A_853 : i32
      %add3A_855 = arith.constant 0 : i32
      %add3A_856 = arith.addi %mul3A_854, %add3A_855 : i32
      %get3A = arith.index_cast %add3A_856 : i32 to index
      %get3A_857 = tpu.vector_load %arg4[%get3A] {strides = array<i32>} : memref<32768xf32, #tpu.memory_space<vmem>>, vector<16xf32>,
      %get3A_858 = vector.shape_cast %get3A_857 : vector<16xf32> to vector<16xf32>
      %max3A = arith.maximumf %get3A_858, %select_n3A : vector<16xf32>
      %swap3A = arith.index_cast %add3A_856 : i32 to index
      %swap3A_859 = tpu.vector_load %arg4[%swap3A] {strides = array<i32>} : memref<32768xf32, #tpu.memory_space<vmem>>, vector<16xf32>,
      %swap3A_860 = vector.shape_cast %swap3A_859 : vector<16xf32> to vector<16xf32>
      %swap3A_861 = vector.shape_cast %max3A : vector<16xf32> to vector<16xf32>
      tpu.vector_store %arg4[%swap3A], %swap3A_861 {strides = array<i32>} : memref<32768xf32, #tpu.memory_space<vmem>>, vector<16xf32>,
      %add3A_862 = arith.constant 16 : i32
      %add3A_863 = arith.addi %mul3A_854, %add3A_862 : i32
      %get3A_864 = arith.index_cast %add3A_863 : i32 to index
      %get3A_865 = tpu.vector_load %arg4[%get3A_864] {strides = array<i32>} : memref<32768xf32, #tpu.memory_space<vmem>>, vector<16xf32>,
      %get3A_866 = vector.shape_cast %get3A_865 : vector<16xf32> to vector<16xf32>
      %max3A_867 = arith.maximumf %get3A_866, %select_n3A_14 : vector<16xf32>
      %swap3A_868 = arith.index_cast %add3A_863 : i32 to index
      %swap3A_869 = tpu.vector_load %arg4[%swap3A_868] {strides = array<i32>} : memref<32768xf32, #tpu.memory_space<vmem>>, vector<16xf32>,
      %swap3A_870 = vector.shape_cast %swap3A_869 : vector<16xf32> to vector<16xf32>
      %swap3A_871 = vector.shape_cast %max3A_867 : vector<16xf32> to vector<16xf32>
      tpu.vector_store %arg4[%swap3A_868], %swap3A_871 {strides = array<i32>} : memref<32768xf32, #tpu.memory_space<vmem>>, vector<16xf32>,
      %add3A_872 = arith.constant 32 : i32
      %add3A_873 = arith.addi %mul3A_854, %add3A_872 : i32
      %get3A_874 = arith.index_cast %add3A_873 : i32 to index
      %get3A_875 = tpu.vector_load %arg4[%get3A_874] {strides = array<i32>} : memref<32768xf32, #tpu.memory_space<vmem>>, vector<16xf32>,
      %get3A_876 = vector.shape_cast %get3A_875 : vector<16xf32> to vector<16xf32>
      %max3A_877 = arith.maximumf %get3A_876, %select_n3A_22 : vector<16xf32>
      %swap3A_878 = arith.index_cast %add3A_873 : i32 to index
      %swap3A_879 = tpu.vector_load %arg4[%swap3A_878] {strides = array<i32>} : memref<32768xf32, #tpu.memory_space<vmem>>, vector<16xf32>,
      %swap3A_880 = vector.shape_cast %swap3A_879 : vector<16xf32> to vector<16xf32>
      %swap3A_881 = vector.shape_cast %max3A_877 : vector<16xf32> to vector<16xf32>
      tpu.vector_store %arg4[%swap3A_878], %swap3A_881 {strides = array<i32>} : memref<32768xf32, #tpu.memory_space<vmem>>, vector<16xf32>,
    }
    %scan3A_719 = arith.constant 256 : i32
    %add3A_720 = arith.constant 851968 : i32
    %add3A_721 = arith.addi %mul3A_2, %add3A_720 : i32
    %dma_start3A_722 = tpu.memref_slice %arg3[%add3A_721] : memref<33554432xf32, #tpu.memory_space<hbm>> -> memref<32768xf32, #tpu.memory_space<hbm>>
    %dma_start3A_723 = tpu.memref_slice %arg3[%add3A_721] : memref<33554432xf32, #tpu.memory_space<hbm>> -> memref<32768xf32, #tpu.memory_space<hbm>>
    tpu.enqueue_dma source(%arg4 : memref<32768xf32, #tpu.memory_space<vmem>>) target(%dma_start3A_723 : memref<32768xf32, #tpu.memory_space<hbm>>) target_semaphore(%arg8 : memref<!tpu.dma_semaphore, #tpu.memory_space<semaphore_mem>>)
    %add3A_724 = arith.constant 851968 : i32
    %add3A_725 = arith.addi %mul3A_2, %add3A_724 : i32
    %dma_wait3A_726 = tpu.memref_slice %arg3[%add3A_725] : memref<33554432xf32, #tpu.memory_space<hbm>> -> memref<32768xf32, #tpu.memory_space<hbm>>
    %dma_wait3A_727 = tpu.memref_slice %arg3[%add3A_725] : memref<33554432xf32, #tpu.memory_space<hbm>> -> memref<32768xf32, #tpu.memory_space<hbm>>
    tpu.wait_dma2 semaphore(%arg8 : memref<!tpu.dma_semaphore, #tpu.memory_space<semaphore_mem>>) src(%arg4 : memref<32768xf32, #tpu.memory_space<vmem>>) dst(%dma_wait3A_727 : memref<32768xf32, #tpu.memory_space<hbm>>)
    %add3A_728 = arith.constant 0 : i32
    %add3A_729 = arith.addi %add3A_728, %mul3A_2 : i32
    %add3A_730 = arith.constant 917504 : i32
    %add3A_731 = arith.addi %add3A_729, %add3A_730 : i32
    %dma_start3A_732 = tpu.memref_slice %arg2[%add3A_731] : memref<33554432xf32, #tpu.memory_space<hbm>> -> memref<32768xf32, #tpu.memory_space<hbm>>
    %dma_start3A_733 = tpu.memref_slice %arg2[%add3A_731] : memref<33554432xf32, #tpu.memory_space<hbm>> -> memref<32768xf32, #tpu.memory_space<hbm>>
    tpu.enqueue_dma source(%dma_start3A_733 : memref<32768xf32, #tpu.memory_space<hbm>>) target(%arg4 : memref<32768xf32, #tpu.memory_space<vmem>>) target_semaphore(%arg6 : memref<!tpu.dma_semaphore, #tpu.memory_space<semaphore_mem>>)
    %add3A_734 = arith.constant 0 : i32
    %add3A_735 = arith.addi %add3A_734, %mul3A_2 : i32
    %add3A_736 = arith.constant 884736 : i32
    %add3A_737 = arith.addi %add3A_735, %add3A_736 : i32
    %dma_wait3A_738 = tpu.memref_slice %arg2[%add3A_737] : memref<33554432xf32, #tpu.memory_space<hbm>> -> memref<32768xf32, #tpu.memory_space<hbm>>
    %dma_wait3A_739 = tpu.memref_slice %arg2[%add3A_737] : memref<33554432xf32, #tpu.memory_space<hbm>> -> memref<32768xf32, #tpu.memory_space<hbm>>
    tpu.wait_dma2 semaphore(%arg7 : memref<!tpu.dma_semaphore, #tpu.memory_space<semaphore_mem>>) src(%dma_wait3A_739 : memref<32768xf32, #tpu.memory_space<hbm>>) dst(%arg5 : memref<32768xf32, #tpu.memory_space<vmem>>)
    %scan3A_740 = arith.constant 0 : i32
    %scan3A_741 = arith.constant 0 : i32
    %scan3A_742 = arith.constant 256 : i32
    %scan3A_743 = arith.addi %scan3A_741, %scan3A_742 : i32
    %scan3A_744 = arith.constant 1 : i32
    scf.for %scan3A_852 = %scan3A_741 to %scan3A_743 step %scan3A_744  : i32 {
      %mul3A_853 = arith.constant 128 : i32
      %mul3A_854 = arith.muli %scan3A_852, %mul3A_853 : i32
      %add3A_855 = arith.constant 0 : i32
      %add3A_856 = arith.addi %mul3A_854, %add3A_855 : i32
      %get3A = arith.index_cast %add3A_856 : i32 to index
      %get3A_857 = tpu.vector_load %arg5[%get3A] {strides = array<i32>} : memref<32768xf32, #tpu.memory_space<vmem>>, vector<16xf32>,
      %get3A_858 = vector.shape_cast %get3A_857 : vector<16xf32> to vector<16xf32>
      %max3A = arith.maximumf %get3A_858, %select_n3A : vector<16xf32>
      %swap3A = arith.index_cast %add3A_856 : i32 to index
      %swap3A_859 = tpu.vector_load %arg5[%swap3A] {strides = array<i32>} : memref<32768xf32, #tpu.memory_space<vmem>>, vector<16xf32>,
      %swap3A_860 = vector.shape_cast %swap3A_859 : vector<16xf32> to vector<16xf32>
      %swap3A_861 = vector.shape_cast %max3A : vector<16xf32> to vector<16xf32>
      tpu.vector_store %arg5[%swap3A], %swap3A_861 {strides = array<i32>} : memref<32768xf32, #tpu.memory_space<vmem>>, vector<16xf32>,
      %add3A_862 = arith.constant 16 : i32
      %add3A_863 = arith.addi %mul3A_854, %add3A_862 : i32
      %get3A_864 = arith.index_cast %add3A_863 : i32 to index
      %get3A_865 = tpu.vector_load %arg5[%get3A_864] {strides = array<i32>} : memref<32768xf32, #tpu.memory_space<vmem>>, vector<16xf32>,
      %get3A_866 = vector.shape_cast %get3A_865 : vector<16xf32> to vector<16xf32>
      %max3A_867 = arith.maximumf %get3A_866, %select_n3A_14 : vector<16xf32>
      %swap3A_868 = arith.index_cast %add3A_863 : i32 to index
      %swap3A_869 = tpu.vector_load %arg5[%swap3A_868] {strides = array<i32>} : memref<32768xf32, #tpu.memory_space<vmem>>, vector<16xf32>,
      %swap3A_870 = vector.shape_cast %swap3A_869 : vector<16xf32> to vector<16xf32>
      %swap3A_871 = vector.shape_cast %max3A_867 : vector<16xf32> to vector<16xf32>
      tpu.vector_store %arg5[%swap3A_868], %swap3A_871 {strides = array<i32>} : memref<32768xf32, #tpu.memory_space<vmem>>, vector<16xf32>,
      %add3A_872 = arith.constant 32 : i32
      %add3A_873 = arith.addi %mul3A_854, %add3A_872 : i32
      %get3A_874 = arith.index_cast %add3A_873 : i32 to index
      %get3A_875 = tpu.vector_load %arg5[%get3A_874] {strides = array<i32>} : memref<32768xf32, #tpu.memory_space<vmem>>, vector<16xf32>,
      %get3A_876 = vector.shape_cast %get3A_875 : vector<16xf32> to vector<16xf32>
      %max3A_877 = arith.maximumf %get3A_876, %select_n3A_22 : vector<16xf32>
      %swap3A_878 = arith.index_cast %add3A_873 : i32 to index
      %swap3A_879 = tpu.vector_load %arg5[%swap3A_878] {strides = array<i32>} : memref<32768xf32, #tpu.memory_space<vmem>>, vector<16xf32>,
      %swap3A_880 = vector.shape_cast %swap3A_879 : vector<16xf32> to vector<16xf32>
      %swap3A_881 = vector.shape_cast %max3A_877 : vector<16xf32> to vector<16xf32>
      tpu.vector_store %arg5[%swap3A_878], %swap3A_881 {strides = array<i32>} : memref<32768xf32, #tpu.memory_space<vmem>>, vector<16xf32>,
    }
    %scan3A_745 = arith.constant 256 : i32
    %add3A_746 = arith.constant 884736 : i32
    %add3A_747 = arith.addi %mul3A_2, %add3A_746 : i32
    %dma_start3A_748 = tpu.memref_slice %arg3[%add3A_747] : memref<33554432xf32, #tpu.memory_space<hbm>> -> memref<32768xf32, #tpu.memory_space<hbm>>
    %dma_start3A_749 = tpu.memref_slice %arg3[%add3A_747] : memref<33554432xf32, #tpu.memory_space<hbm>> -> memref<32768xf32, #tpu.memory_space<hbm>>
    tpu.enqueue_dma source(%arg5 : memref<32768xf32, #tpu.memory_space<vmem>>) target(%dma_start3A_749 : memref<32768xf32, #tpu.memory_space<hbm>>) target_semaphore(%arg9 : memref<!tpu.dma_semaphore, #tpu.memory_space<semaphore_mem>>)
    %add3A_750 = arith.constant 884736 : i32
    %add3A_751 = arith.addi %mul3A_2, %add3A_750 : i32
    %dma_wait3A_752 = tpu.memref_slice %arg3[%add3A_751] : memref<33554432xf32, #tpu.memory_space<hbm>> -> memref<32768xf32, #tpu.memory_space<hbm>>
    %dma_wait3A_753 = tpu.memref_slice %arg3[%add3A_751] : memref<33554432xf32, #tpu.memory_space<hbm>> -> memref<32768xf32, #tpu.memory_space<hbm>>
    tpu.wait_dma2 semaphore(%arg9 : memref<!tpu.dma_semaphore, #tpu.memory_space<semaphore_mem>>) src(%arg5 : memref<32768xf32, #tpu.memory_space<vmem>>) dst(%dma_wait3A_753 : memref<32768xf32, #tpu.memory_space<hbm>>)
    %add3A_754 = arith.constant 0 : i32
    %add3A_755 = arith.addi %add3A_754, %mul3A_2 : i32
    %add3A_756 = arith.constant 950272 : i32
    %add3A_757 = arith.addi %add3A_755, %add3A_756 : i32
    %dma_start3A_758 = tpu.memref_slice %arg2[%add3A_757] : memref<33554432xf32, #tpu.memory_space<hbm>> -> memref<32768xf32, #tpu.memory_space<hbm>>
    %dma_start3A_759 = tpu.memref_slice %arg2[%add3A_757] : memref<33554432xf32, #tpu.memory_space<hbm>> -> memref<32768xf32, #tpu.memory_space<hbm>>
    tpu.enqueue_dma source(%dma_start3A_759 : memref<32768xf32, #tpu.memory_space<hbm>>) target(%arg5 : memref<32768xf32, #tpu.memory_space<vmem>>) target_semaphore(%arg7 : memref<!tpu.dma_semaphore, #tpu.memory_space<semaphore_mem>>)
    %add3A_760 = arith.constant 0 : i32
    %add3A_761 = arith.addi %add3A_760, %mul3A_2 : i32
    %add3A_762 = arith.constant 917504 : i32
    %add3A_763 = arith.addi %add3A_761, %add3A_762 : i32
    %dma_wait3A_764 = tpu.memref_slice %arg2[%add3A_763] : memref<33554432xf32, #tpu.memory_space<hbm>> -> memref<32768xf32, #tpu.memory_space<hbm>>
    %dma_wait3A_765 = tpu.memref_slice %arg2[%add3A_763] : memref<33554432xf32, #tpu.memory_space<hbm>> -> memref<32768xf32, #tpu.memory_space<hbm>>
    tpu.wait_dma2 semaphore(%arg6 : memref<!tpu.dma_semaphore, #tpu.memory_space<semaphore_mem>>) src(%dma_wait3A_765 : memref<32768xf32, #tpu.memory_space<hbm>>) dst(%arg4 : memref<32768xf32, #tpu.memory_space<vmem>>)
    %scan3A_766 = arith.constant 0 : i32
    %scan3A_767 = arith.constant 0 : i32
    %scan3A_768 = arith.constant 256 : i32
    %scan3A_769 = arith.addi %scan3A_767, %scan3A_768 : i32
    %scan3A_770 = arith.constant 1 : i32
    scf.for %scan3A_852 = %scan3A_767 to %scan3A_769 step %scan3A_770  : i32 {
      %mul3A_853 = arith.constant 128 : i32
      %mul3A_854 = arith.muli %scan3A_852, %mul3A_853 : i32
      %add3A_855 = arith.constant 0 : i32
      %add3A_856 = arith.addi %mul3A_854, %add3A_855 : i32
      %get3A = arith.index_cast %add3A_856 : i32 to index
      %get3A_857 = tpu.vector_load %arg4[%get3A] {strides = array<i32>} : memref<32768xf32, #tpu.memory_space<vmem>>, vector<16xf32>,
      %get3A_858 = vector.shape_cast %get3A_857 : vector<16xf32> to vector<16xf32>
      %max3A = arith.maximumf %get3A_858, %select_n3A : vector<16xf32>
      %swap3A = arith.index_cast %add3A_856 : i32 to index
      %swap3A_859 = tpu.vector_load %arg4[%swap3A] {strides = array<i32>} : memref<32768xf32, #tpu.memory_space<vmem>>, vector<16xf32>,
      %swap3A_860 = vector.shape_cast %swap3A_859 : vector<16xf32> to vector<16xf32>
      %swap3A_861 = vector.shape_cast %max3A : vector<16xf32> to vector<16xf32>
      tpu.vector_store %arg4[%swap3A], %swap3A_861 {strides = array<i32>} : memref<32768xf32, #tpu.memory_space<vmem>>, vector<16xf32>,
      %add3A_862 = arith.constant 16 : i32
      %add3A_863 = arith.addi %mul3A_854, %add3A_862 : i32
      %get3A_864 = arith.index_cast %add3A_863 : i32 to index
      %get3A_865 = tpu.vector_load %arg4[%get3A_864] {strides = array<i32>} : memref<32768xf32, #tpu.memory_space<vmem>>, vector<16xf32>,
      %get3A_866 = vector.shape_cast %get3A_865 : vector<16xf32> to vector<16xf32>
      %max3A_867 = arith.maximumf %get3A_866, %select_n3A_14 : vector<16xf32>
      %swap3A_868 = arith.index_cast %add3A_863 : i32 to index
      %swap3A_869 = tpu.vector_load %arg4[%swap3A_868] {strides = array<i32>} : memref<32768xf32, #tpu.memory_space<vmem>>, vector<16xf32>,
      %swap3A_870 = vector.shape_cast %swap3A_869 : vector<16xf32> to vector<16xf32>
      %swap3A_871 = vector.shape_cast %max3A_867 : vector<16xf32> to vector<16xf32>
      tpu.vector_store %arg4[%swap3A_868], %swap3A_871 {strides = array<i32>} : memref<32768xf32, #tpu.memory_space<vmem>>, vector<16xf32>,
      %add3A_872 = arith.constant 32 : i32
      %add3A_873 = arith.addi %mul3A_854, %add3A_872 : i32
      %get3A_874 = arith.index_cast %add3A_873 : i32 to index
      %get3A_875 = tpu.vector_load %arg4[%get3A_874] {strides = array<i32>} : memref<32768xf32, #tpu.memory_space<vmem>>, vector<16xf32>,
      %get3A_876 = vector.shape_cast %get3A_875 : vector<16xf32> to vector<16xf32>
      %max3A_877 = arith.maximumf %get3A_876, %select_n3A_22 : vector<16xf32>
      %swap3A_878 = arith.index_cast %add3A_873 : i32 to index
      %swap3A_879 = tpu.vector_load %arg4[%swap3A_878] {strides = array<i32>} : memref<32768xf32, #tpu.memory_space<vmem>>, vector<16xf32>,
      %swap3A_880 = vector.shape_cast %swap3A_879 : vector<16xf32> to vector<16xf32>
      %swap3A_881 = vector.shape_cast %max3A_877 : vector<16xf32> to vector<16xf32>
      tpu.vector_store %arg4[%swap3A_878], %swap3A_881 {strides = array<i32>} : memref<32768xf32, #tpu.memory_space<vmem>>, vector<16xf32>,
    }
    %scan3A_771 = arith.constant 256 : i32
    %add3A_772 = arith.constant 917504 : i32
    %add3A_773 = arith.addi %mul3A_2, %add3A_772 : i32
    %dma_start3A_774 = tpu.memref_slice %arg3[%add3A_773] : memref<33554432xf32, #tpu.memory_space<hbm>> -> memref<32768xf32, #tpu.memory_space<hbm>>
    %dma_start3A_775 = tpu.memref_slice %arg3[%add3A_773] : memref<33554432xf32, #tpu.memory_space<hbm>> -> memref<32768xf32, #tpu.memory_space<hbm>>
    tpu.enqueue_dma source(%arg4 : memref<32768xf32, #tpu.memory_space<vmem>>) target(%dma_start3A_775 : memref<32768xf32, #tpu.memory_space<hbm>>) target_semaphore(%arg8 : memref<!tpu.dma_semaphore, #tpu.memory_space<semaphore_mem>>)
    %add3A_776 = arith.constant 917504 : i32
    %add3A_777 = arith.addi %mul3A_2, %add3A_776 : i32
    %dma_wait3A_778 = tpu.memref_slice %arg3[%add3A_777] : memref<33554432xf32, #tpu.memory_space<hbm>> -> memref<32768xf32, #tpu.memory_space<hbm>>
    %dma_wait3A_779 = tpu.memref_slice %arg3[%add3A_777] : memref<33554432xf32, #tpu.memory_space<hbm>> -> memref<32768xf32, #tpu.memory_space<hbm>>
    tpu.wait_dma2 semaphore(%arg8 : memref<!tpu.dma_semaphore, #tpu.memory_space<semaphore_mem>>) src(%arg4 : memref<32768xf32, #tpu.memory_space<vmem>>) dst(%dma_wait3A_779 : memref<32768xf32, #tpu.memory_space<hbm>>)
    %add3A_780 = arith.constant 0 : i32
    %add3A_781 = arith.addi %add3A_780, %mul3A_2 : i32
    %add3A_782 = arith.constant 983040 : i32
    %add3A_783 = arith.addi %add3A_781, %add3A_782 : i32
    %dma_start3A_784 = tpu.memref_slice %arg2[%add3A_783] : memref<33554432xf32, #tpu.memory_space<hbm>> -> memref<32768xf32, #tpu.memory_space<hbm>>
    %dma_start3A_785 = tpu.memref_slice %arg2[%add3A_783] : memref<33554432xf32, #tpu.memory_space<hbm>> -> memref<32768xf32, #tpu.memory_space<hbm>>
    tpu.enqueue_dma source(%dma_start3A_785 : memref<32768xf32, #tpu.memory_space<hbm>>) target(%arg4 : memref<32768xf32, #tpu.memory_space<vmem>>) target_semaphore(%arg6 : memref<!tpu.dma_semaphore, #tpu.memory_space<semaphore_mem>>)
    %add3A_786 = arith.constant 0 : i32
    %add3A_787 = arith.addi %add3A_786, %mul3A_2 : i32
    %add3A_788 = arith.constant 950272 : i32
    %add3A_789 = arith.addi %add3A_787, %add3A_788 : i32
    %dma_wait3A_790 = tpu.memref_slice %arg2[%add3A_789] : memref<33554432xf32, #tpu.memory_space<hbm>> -> memref<32768xf32, #tpu.memory_space<hbm>>
    %dma_wait3A_791 = tpu.memref_slice %arg2[%add3A_789] : memref<33554432xf32, #tpu.memory_space<hbm>> -> memref<32768xf32, #tpu.memory_space<hbm>>
    tpu.wait_dma2 semaphore(%arg7 : memref<!tpu.dma_semaphore, #tpu.memory_space<semaphore_mem>>) src(%dma_wait3A_791 : memref<32768xf32, #tpu.memory_space<hbm>>) dst(%arg5 : memref<32768xf32, #tpu.memory_space<vmem>>)
    %scan3A_792 = arith.constant 0 : i32
    %scan3A_793 = arith.constant 0 : i32
    %scan3A_794 = arith.constant 256 : i32
    %scan3A_795 = arith.addi %scan3A_793, %scan3A_794 : i32
    %scan3A_796 = arith.constant 1 : i32
    scf.for %scan3A_852 = %scan3A_793 to %scan3A_795 step %scan3A_796  : i32 {
      %mul3A_853 = arith.constant 128 : i32
      %mul3A_854 = arith.muli %scan3A_852, %mul3A_853 : i32
      %add3A_855 = arith.constant 0 : i32
      %add3A_856 = arith.addi %mul3A_854, %add3A_855 : i32
      %get3A = arith.index_cast %add3A_856 : i32 to index
      %get3A_857 = tpu.vector_load %arg5[%get3A] {strides = array<i32>} : memref<32768xf32, #tpu.memory_space<vmem>>, vector<16xf32>,
      %get3A_858 = vector.shape_cast %get3A_857 : vector<16xf32> to vector<16xf32>
      %max3A = arith.maximumf %get3A_858, %select_n3A : vector<16xf32>
      %swap3A = arith.index_cast %add3A_856 : i32 to index
      %swap3A_859 = tpu.vector_load %arg5[%swap3A] {strides = array<i32>} : memref<32768xf32, #tpu.memory_space<vmem>>, vector<16xf32>,
      %swap3A_860 = vector.shape_cast %swap3A_859 : vector<16xf32> to vector<16xf32>
      %swap3A_861 = vector.shape_cast %max3A : vector<16xf32> to vector<16xf32>
      tpu.vector_store %arg5[%swap3A], %swap3A_861 {strides = array<i32>} : memref<32768xf32, #tpu.memory_space<vmem>>, vector<16xf32>,
      %add3A_862 = arith.constant 16 : i32
      %add3A_863 = arith.addi %mul3A_854, %add3A_862 : i32
      %get3A_864 = arith.index_cast %add3A_863 : i32 to index
      %get3A_865 = tpu.vector_load %arg5[%get3A_864] {strides = array<i32>} : memref<32768xf32, #tpu.memory_space<vmem>>, vector<16xf32>,
      %get3A_866 = vector.shape_cast %get3A_865 : vector<16xf32> to vector<16xf32>
      %max3A_867 = arith.maximumf %get3A_866, %select_n3A_14 : vector<16xf32>
      %swap3A_868 = arith.index_cast %add3A_863 : i32 to index
      %swap3A_869 = tpu.vector_load %arg5[%swap3A_868] {strides = array<i32>} : memref<32768xf32, #tpu.memory_space<vmem>>, vector<16xf32>,
      %swap3A_870 = vector.shape_cast %swap3A_869 : vector<16xf32> to vector<16xf32>
      %swap3A_871 = vector.shape_cast %max3A_867 : vector<16xf32> to vector<16xf32>
      tpu.vector_store %arg5[%swap3A_868], %swap3A_871 {strides = array<i32>} : memref<32768xf32, #tpu.memory_space<vmem>>, vector<16xf32>,
      %add3A_872 = arith.constant 32 : i32
      %add3A_873 = arith.addi %mul3A_854, %add3A_872 : i32
      %get3A_874 = arith.index_cast %add3A_873 : i32 to index
      %get3A_875 = tpu.vector_load %arg5[%get3A_874] {strides = array<i32>} : memref<32768xf32, #tpu.memory_space<vmem>>, vector<16xf32>,
      %get3A_876 = vector.shape_cast %get3A_875 : vector<16xf32> to vector<16xf32>
      %max3A_877 = arith.maximumf %get3A_876, %select_n3A_22 : vector<16xf32>
      %swap3A_878 = arith.index_cast %add3A_873 : i32 to index
      %swap3A_879 = tpu.vector_load %arg5[%swap3A_878] {strides = array<i32>} : memref<32768xf32, #tpu.memory_space<vmem>>, vector<16xf32>,
      %swap3A_880 = vector.shape_cast %swap3A_879 : vector<16xf32> to vector<16xf32>
      %swap3A_881 = vector.shape_cast %max3A_877 : vector<16xf32> to vector<16xf32>
      tpu.vector_store %arg5[%swap3A_878], %swap3A_881 {strides = array<i32>} : memref<32768xf32, #tpu.memory_space<vmem>>, vector<16xf32>,
    }
    %scan3A_797 = arith.constant 256 : i32
    %add3A_798 = arith.constant 950272 : i32
    %add3A_799 = arith.addi %mul3A_2, %add3A_798 : i32
    %dma_start3A_800 = tpu.memref_slice %arg3[%add3A_799] : memref<33554432xf32, #tpu.memory_space<hbm>> -> memref<32768xf32, #tpu.memory_space<hbm>>
    %dma_start3A_801 = tpu.memref_slice %arg3[%add3A_799] : memref<33554432xf32, #tpu.memory_space<hbm>> -> memref<32768xf32, #tpu.memory_space<hbm>>
    tpu.enqueue_dma source(%arg5 : memref<32768xf32, #tpu.memory_space<vmem>>) target(%dma_start3A_801 : memref<32768xf32, #tpu.memory_space<hbm>>) target_semaphore(%arg9 : memref<!tpu.dma_semaphore, #tpu.memory_space<semaphore_mem>>)
    %add3A_802 = arith.constant 950272 : i32
    %add3A_803 = arith.addi %mul3A_2, %add3A_802 : i32
    %dma_wait3A_804 = tpu.memref_slice %arg3[%add3A_803] : memref<33554432xf32, #tpu.memory_space<hbm>> -> memref<32768xf32, #tpu.memory_space<hbm>>
    %dma_wait3A_805 = tpu.memref_slice %arg3[%add3A_803] : memref<33554432xf32, #tpu.memory_space<hbm>> -> memref<32768xf32, #tpu.memory_space<hbm>>
    tpu.wait_dma2 semaphore(%arg9 : memref<!tpu.dma_semaphore, #tpu.memory_space<semaphore_mem>>) src(%arg5 : memref<32768xf32, #tpu.memory_space<vmem>>) dst(%dma_wait3A_805 : memref<32768xf32, #tpu.memory_space<hbm>>)
    %add3A_806 = arith.constant 0 : i32
    %add3A_807 = arith.addi %add3A_806, %mul3A_2 : i32
    %add3A_808 = arith.constant 1015808 : i32
    %add3A_809 = arith.addi %add3A_807, %add3A_808 : i32
    %dma_start3A_810 = tpu.memref_slice %arg2[%add3A_809] : memref<33554432xf32, #tpu.memory_space<hbm>> -> memref<32768xf32, #tpu.memory_space<hbm>>
    %dma_start3A_811 = tpu.memref_slice %arg2[%add3A_809] : memref<33554432xf32, #tpu.memory_space<hbm>> -> memref<32768xf32, #tpu.memory_space<hbm>>
    tpu.enqueue_dma source(%dma_start3A_811 : memref<32768xf32, #tpu.memory_space<hbm>>) target(%arg5 : memref<32768xf32, #tpu.memory_space<vmem>>) target_semaphore(%arg7 : memref<!tpu.dma_semaphore, #tpu.memory_space<semaphore_mem>>)
    %add3A_812 = arith.constant 0 : i32
    %add3A_813 = arith.addi %add3A_812, %mul3A_2 : i32
    %add3A_814 = arith.constant 983040 : i32
    %add3A_815 = arith.addi %add3A_813, %add3A_814 : i32
    %dma_wait3A_816 = tpu.memref_slice %arg2[%add3A_815] : memref<33554432xf32, #tpu.memory_space<hbm>> -> memref<32768xf32, #tpu.memory_space<hbm>>
    %dma_wait3A_817 = tpu.memref_slice %arg2[%add3A_815] : memref<33554432xf32, #tpu.memory_space<hbm>> -> memref<32768xf32, #tpu.memory_space<hbm>>
    tpu.wait_dma2 semaphore(%arg6 : memref<!tpu.dma_semaphore, #tpu.memory_space<semaphore_mem>>) src(%dma_wait3A_817 : memref<32768xf32, #tpu.memory_space<hbm>>) dst(%arg4 : memref<32768xf32, #tpu.memory_space<vmem>>)
    %scan3A_818 = arith.constant 0 : i32
    %scan3A_819 = arith.constant 0 : i32
    %scan3A_820 = arith.constant 256 : i32
    %scan3A_821 = arith.addi %scan3A_819, %scan3A_820 : i32
    %scan3A_822 = arith.constant 1 : i32
    scf.for %scan3A_852 = %scan3A_819 to %scan3A_821 step %scan3A_822  : i32 {
      %mul3A_853 = arith.constant 128 : i32
      %mul3A_854 = arith.muli %scan3A_852, %mul3A_853 : i32
      %add3A_855 = arith.constant 0 : i32
      %add3A_856 = arith.addi %mul3A_854, %add3A_855 : i32
      %get3A = arith.index_cast %add3A_856 : i32 to index
      %get3A_857 = tpu.vector_load %arg4[%get3A] {strides = array<i32>} : memref<32768xf32, #tpu.memory_space<vmem>>, vector<16xf32>,
      %get3A_858 = vector.shape_cast %get3A_857 : vector<16xf32> to vector<16xf32>
      %max3A = arith.maximumf %get3A_858, %select_n3A : vector<16xf32>
      %swap3A = arith.index_cast %add3A_856 : i32 to index
      %swap3A_859 = tpu.vector_load %arg4[%swap3A] {strides = array<i32>} : memref<32768xf32, #tpu.memory_space<vmem>>, vector<16xf32>,
      %swap3A_860 = vector.shape_cast %swap3A_859 : vector<16xf32> to vector<16xf32>
      %swap3A_861 = vector.shape_cast %max3A : vector<16xf32> to vector<16xf32>
      tpu.vector_store %arg4[%swap3A], %swap3A_861 {strides = array<i32>} : memref<32768xf32, #tpu.memory_space<vmem>>, vector<16xf32>,
      %add3A_862 = arith.constant 16 : i32
      %add3A_863 = arith.addi %mul3A_854, %add3A_862 : i32
      %get3A_864 = arith.index_cast %add3A_863 : i32 to index
      %get3A_865 = tpu.vector_load %arg4[%get3A_864] {strides = array<i32>} : memref<32768xf32, #tpu.memory_space<vmem>>, vector<16xf32>,
      %get3A_866 = vector.shape_cast %get3A_865 : vector<16xf32> to vector<16xf32>
      %max3A_867 = arith.maximumf %get3A_866, %select_n3A_14 : vector<16xf32>
      %swap3A_868 = arith.index_cast %add3A_863 : i32 to index
      %swap3A_869 = tpu.vector_load %arg4[%swap3A_868] {strides = array<i32>} : memref<32768xf32, #tpu.memory_space<vmem>>, vector<16xf32>,
      %swap3A_870 = vector.shape_cast %swap3A_869 : vector<16xf32> to vector<16xf32>
      %swap3A_871 = vector.shape_cast %max3A_867 : vector<16xf32> to vector<16xf32>
      tpu.vector_store %arg4[%swap3A_868], %swap3A_871 {strides = array<i32>} : memref<32768xf32, #tpu.memory_space<vmem>>, vector<16xf32>,
      %add3A_872 = arith.constant 32 : i32
      %add3A_873 = arith.addi %mul3A_854, %add3A_872 : i32
      %get3A_874 = arith.index_cast %add3A_873 : i32 to index
      %get3A_875 = tpu.vector_load %arg4[%get3A_874] {strides = array<i32>} : memref<32768xf32, #tpu.memory_space<vmem>>, vector<16xf32>,
      %get3A_876 = vector.shape_cast %get3A_875 : vector<16xf32> to vector<16xf32>
      %max3A_877 = arith.maximumf %get3A_876, %select_n3A_22 : vector<16xf32>
      %swap3A_878 = arith.index_cast %add3A_873 : i32 to index
      %swap3A_879 = tpu.vector_load %arg4[%swap3A_878] {strides = array<i32>} : memref<32768xf32, #tpu.memory_space<vmem>>, vector<16xf32>,
      %swap3A_880 = vector.shape_cast %swap3A_879 : vector<16xf32> to vector<16xf32>
      %swap3A_881 = vector.shape_cast %max3A_877 : vector<16xf32> to vector<16xf32>
      tpu.vector_store %arg4[%swap3A_878], %swap3A_881 {strides = array<i32>} : memref<32768xf32, #tpu.memory_space<vmem>>, vector<16xf32>,
    }
    %scan3A_823 = arith.constant 256 : i32
    %add3A_824 = arith.constant 983040 : i32
    %add3A_825 = arith.addi %mul3A_2, %add3A_824 : i32
    %dma_start3A_826 = tpu.memref_slice %arg3[%add3A_825] : memref<33554432xf32, #tpu.memory_space<hbm>> -> memref<32768xf32, #tpu.memory_space<hbm>>
    %dma_start3A_827 = tpu.memref_slice %arg3[%add3A_825] : memref<33554432xf32, #tpu.memory_space<hbm>> -> memref<32768xf32, #tpu.memory_space<hbm>>
    tpu.enqueue_dma source(%arg4 : memref<32768xf32, #tpu.memory_space<vmem>>) target(%dma_start3A_827 : memref<32768xf32, #tpu.memory_space<hbm>>) target_semaphore(%arg8 : memref<!tpu.dma_semaphore, #tpu.memory_space<semaphore_mem>>)
    %add3A_828 = arith.constant 0 : i32
    %add3A_829 = arith.addi %add3A_828, %mul3A_2 : i32
    %add3A_830 = arith.constant 1015808 : i32
    %add3A_831 = arith.addi %add3A_829, %add3A_830 : i32
    %dma_wait3A_832 = tpu.memref_slice %arg2[%add3A_831] : memref<33554432xf32, #tpu.memory_space<hbm>> -> memref<32768xf32, #tpu.memory_space<hbm>>
    %dma_wait3A_833 = tpu.memref_slice %arg2[%add3A_831] : memref<33554432xf32, #tpu.memory_space<hbm>> -> memref<32768xf32, #tpu.memory_space<hbm>>
    tpu.wait_dma2 semaphore(%arg7 : memref<!tpu.dma_semaphore, #tpu.memory_space<semaphore_mem>>) src(%dma_wait3A_833 : memref<32768xf32, #tpu.memory_space<hbm>>) dst(%arg5 : memref<32768xf32, #tpu.memory_space<vmem>>)
    %scan3A_834 = arith.constant 0 : i32
    %scan3A_835 = arith.constant 0 : i32
    %scan3A_836 = arith.constant 256 : i32
    %scan3A_837 = arith.addi %scan3A_835, %scan3A_836 : i32
    %scan3A_838 = arith.constant 1 : i32
    scf.for %scan3A_852 = %scan3A_835 to %scan3A_837 step %scan3A_838  : i32 {
      %mul3A_853 = arith.constant 128 : i32
      %mul3A_854 = arith.muli %scan3A_852, %mul3A_853 : i32
      %add3A_855 = arith.constant 0 : i32
      %add3A_856 = arith.addi %mul3A_854, %add3A_855 : i32
      %get3A = arith.index_cast %add3A_856 : i32 to index
      %get3A_857 = tpu.vector_load %arg5[%get3A] {strides = array<i32>} : memref<32768xf32, #tpu.memory_space<vmem>>, vector<16xf32>,
      %get3A_858 = vector.shape_cast %get3A_857 : vector<16xf32> to vector<16xf32>
      %max3A = arith.maximumf %get3A_858, %select_n3A : vector<16xf32>
      %swap3A = arith.index_cast %add3A_856 : i32 to index
      %swap3A_859 = tpu.vector_load %arg5[%swap3A] {strides = array<i32>} : memref<32768xf32, #tpu.memory_space<vmem>>, vector<16xf32>,
      %swap3A_860 = vector.shape_cast %swap3A_859 : vector<16xf32> to vector<16xf32>
      %swap3A_861 = vector.shape_cast %max3A : vector<16xf32> to vector<16xf32>
      tpu.vector_store %arg5[%swap3A], %swap3A_861 {strides = array<i32>} : memref<32768xf32, #tpu.memory_space<vmem>>, vector<16xf32>,
      %add3A_862 = arith.constant 16 : i32
      %add3A_863 = arith.addi %mul3A_854, %add3A_862 : i32
      %get3A_864 = arith.index_cast %add3A_863 : i32 to index
      %get3A_865 = tpu.vector_load %arg5[%get3A_864] {strides = array<i32>} : memref<32768xf32, #tpu.memory_space<vmem>>, vector<16xf32>,
      %get3A_866 = vector.shape_cast %get3A_865 : vector<16xf32> to vector<16xf32>
      %max3A_867 = arith.maximumf %get3A_866, %select_n3A_14 : vector<16xf32>
      %swap3A_868 = arith.index_cast %add3A_863 : i32 to index
      %swap3A_869 = tpu.vector_load %arg5[%swap3A_868] {strides = array<i32>} : memref<32768xf32, #tpu.memory_space<vmem>>, vector<16xf32>,
      %swap3A_870 = vector.shape_cast %swap3A_869 : vector<16xf32> to vector<16xf32>
      %swap3A_871 = vector.shape_cast %max3A_867 : vector<16xf32> to vector<16xf32>
      tpu.vector_store %arg5[%swap3A_868], %swap3A_871 {strides = array<i32>} : memref<32768xf32, #tpu.memory_space<vmem>>, vector<16xf32>,
      %add3A_872 = arith.constant 32 : i32
      %add3A_873 = arith.addi %mul3A_854, %add3A_872 : i32
      %get3A_874 = arith.index_cast %add3A_873 : i32 to index
      %get3A_875 = tpu.vector_load %arg5[%get3A_874] {strides = array<i32>} : memref<32768xf32, #tpu.memory_space<vmem>>, vector<16xf32>,
      %get3A_876 = vector.shape_cast %get3A_875 : vector<16xf32> to vector<16xf32>
      %max3A_877 = arith.maximumf %get3A_876, %select_n3A_22 : vector<16xf32>
      %swap3A_878 = arith.index_cast %add3A_873 : i32 to index
      %swap3A_879 = tpu.vector_load %arg5[%swap3A_878] {strides = array<i32>} : memref<32768xf32, #tpu.memory_space<vmem>>, vector<16xf32>,
      %swap3A_880 = vector.shape_cast %swap3A_879 : vector<16xf32> to vector<16xf32>
      %swap3A_881 = vector.shape_cast %max3A_877 : vector<16xf32> to vector<16xf32>
      tpu.vector_store %arg5[%swap3A_878], %swap3A_881 {strides = array<i32>} : memref<32768xf32, #tpu.memory_space<vmem>>, vector<16xf32>,
    }
    %scan3A_839 = arith.constant 256 : i32
    %add3A_840 = arith.constant 1015808 : i32
    %add3A_841 = arith.addi %mul3A_2, %add3A_840 : i32
    %dma_start3A_842 = tpu.memref_slice %arg3[%add3A_841] : memref<33554432xf32, #tpu.memory_space<hbm>> -> memref<32768xf32, #tpu.memory_space<hbm>>
    %dma_start3A_843 = tpu.memref_slice %arg3[%add3A_841] : memref<33554432xf32, #tpu.memory_space<hbm>> -> memref<32768xf32, #tpu.memory_space<hbm>>
    tpu.enqueue_dma source(%arg5 : memref<32768xf32, #tpu.memory_space<vmem>>) target(%dma_start3A_843 : memref<32768xf32, #tpu.memory_space<hbm>>) target_semaphore(%arg9 : memref<!tpu.dma_semaphore, #tpu.memory_space<semaphore_mem>>)
    %add3A_844 = arith.constant 983040 : i32
    %add3A_845 = arith.addi %mul3A_2, %add3A_844 : i32
    %dma_wait3A_846 = tpu.memref_slice %arg3[%add3A_845] : memref<33554432xf32, #tpu.memory_space<hbm>> -> memref<32768xf32, #tpu.memory_space<hbm>>
    %dma_wait3A_847 = tpu.memref_slice %arg3[%add3A_845] : memref<33554432xf32, #tpu.memory_space<hbm>> -> memref<32768xf32, #tpu.memory_space<hbm>>
    tpu.wait_dma2 semaphore(%arg8 : memref<!tpu.dma_semaphore, #tpu.memory_space<semaphore_mem>>) src(%arg4 : memref<32768xf32, #tpu.memory_space<vmem>>) dst(%dma_wait3A_847 : memref<32768xf32, #tpu.memory_space<hbm>>)
    %add3A_848 = arith.constant 1015808 : i32
    %add3A_849 = arith.addi %mul3A_2, %add3A_848 : i32
    %dma_wait3A_850 = tpu.memref_slice %arg3[%add3A_849] : memref<33554432xf32, #tpu.memory_space<hbm>> -> memref<32768xf32, #tpu.memory_space<hbm>>
    %dma_wait3A_851 = tpu.memref_slice %arg3[%add3A_849] : memref<33554432xf32, #tpu.memory_space<hbm>> -> memref<32768xf32, #tpu.memory_space<hbm>>
    tpu.wait_dma2 semaphore(%arg9 : memref<!tpu.dma_semaphore, #tpu.memory_space<semaphore_mem>>) src(%arg5 : memref<32768xf32, #tpu.memory_space<vmem>>) dst(%dma_wait3A_851 : memref<32768xf32, #tpu.memory_space<hbm>>)
    return
  }
}

</mosaic_0001>

<sc_bundles>
// kernel: _sc_bound.3.cloned.1.call-start
scs
__scs_entry_jumppad:
0x0: {  	(pc) =	sbr.rel $0x88, $3  }
0x1: {  	(tag) =	ssettag $0x0;
	lr =	simm.s32 $0x1  }
0x2: {  	[smem:$0x3FA0] =	sst lr;
	_ =	strace $0xD0000000  }
0x3: {  	_ = 	snop  }
0x4: {  	_ = 	snop  }
0x5: {  	_ = 	snop  }
0x6: {  	_ = 	snop  }
0x7: {  	_ = 	snop  }
__scs_overlays_trampoline_lowered:
0x8: {  	[smem:$0x3FAF] =	sst s0  }
0x9: {  	[smem:$0x3FB0] =	sst s1  }
0xa: {  	[smem:$0x3FB1] =	sst s2  }
0xb: {  	[smem:$0x3FB2] =	sst s3  }
0xc: {  	[smem:$0x3FB3] =	sst s4  }
0xd: {  	[smem:$0x3FB4] =	sst s5  }
0xe: {  	[smem:$0x3FB5] =	sst s6  }
0xf: {  	[smem:$0x3FB6] =	sst s7  }
0x10: {  	[smem:$0x3FB7] =	sst s8  }
0x11: {  	[smem:$0x3FB8] =	sst s9;
	s0 =	simm.s32 @!p0 $0x0  }
0x12: {  	s1 =	sld [smem:$0x3F9E];
	s0 =	simm.s32 @p0 $0x1  }
0x13: {  	[smem:$0x3FB9] =	sst s0;
	s0 =	simm.s32 @!p1 $0x0  }
0x14: {  	s2 =	sld [smem:$0x3F9D];
	s0 =	simm.s32 @p1 $0x1  }
0x15: {  	[smem:$0x3FBA] =	sst s0;
	s0 =	simm.s32 @!p2 $0x0  }
0x16: {  	s3 =	sld [smem:$0x3FDB];
	s0 =	simm.s32 @p2 $0x1  }
0x17: {  	s4 =	simm.s32 $0x1BF5;
	[smem:$0x3FBC] =	sst s0  }
0x18: {  	s0 =	sld [smem:$0x3F9F];
	_ =	swait.ge [sflag:s4], $0x0  }
0x19: {  	s7 =	sld [smem:$0x3FA0]  }
0x1a: {  	s8 =	sadd.s32 $0xFFFFE003, lr  }
0x1b: {  	s9 =	sadd.s32 $0xFFFFFEF7, lr;
	s5 =	simm.s32 $0xFFFFFFFF;
	p2 =	slt.u32 s8, $0xFFFFF086  }
0x1c: {  	p1 =	slt.u32 s9, $0xF7A;
	s5 =	simm.s32 @!p2 $0x0  }
0x1d: {  	s5 =	simm.s32 @p1 $0x1;
	p0 =	seq.s32 s7, s2  }
0x1e: {  	s7 =	smul.u32 @!p0 $0xF7A, s2;
	p2 =	seq.s32 @!p0 s5, $0x0  }
0x1f: {  	s9 =	smul.u32 $0xF7A, s1;
	s8 =	simm.s32 @!p0 $0x1BF5;
	p2 =	por !p2, p0  }
0x20: {  	[sflag:s8] =	ssyncset.s32 @!p0 $0xFFFFF086;
	s6 =	sadd.s32 @!p0 s3, s7;
	s7 =	simm.s32 @!p0 $0x108  }
0x21: {  	s3 =	sadd.s32 s3, s9;
	s6 =	sadd.s32 @!p0 $0x88, s6;
	s7 =	simm.s32 @p2 $0x1082  }
0x22: {  	[simem:s7], [sflag:s8] =	dma.local @!p0 [hbm:s6], $0xF7A  }
0x23: {  	s9 =	sor.u32 $0xD0000000, s2;
	s6 =	simm.s32 $0x108;
	_ =	swait.ge @!p0 [sflag:s8], $0x0  }
0x24: {  	s3 =	sadd.s32 $0x88, s3;
	s6 =	simm.s32 @!p1 $0x1082;
	[sflag:s4] =	ssyncset.s32 $0xFFFFF086  }
0x25: {  	[simem:s6], [sflag:s4] =	dma.local [hbm:s3], $0xF7A  }
0x26: {  	[smem:$0x3FA0] =	sst s1;
	(tag) =	ssettag s2;
	_ =	strace s9  }
0x27: {  	s1 =	sld [smem:$0x3FB0]  }
0x28: {  	s2 =	sld [smem:$0x3FB1]  }
0x29: {  	s4 =	sld [smem:$0x3FB3]  }
0x2a: {  	p0 =	seq.s32 s5, $0x0;
	s5 =	sld [smem:$0x3FB4]  }
0x2b: {  	s6 =	sld [smem:$0x3FB5]  }
0x2c: {  	s7 =	sld [smem:$0x3FB6]  }
0x2d: {  	s3 =	simm.s32 $0x108;
	s8 =	sld [smem:$0x3FB7]  }
0x2e: {  	s3 =	simm.s32 @!p0 $0x1082;
	s9 =	sld [smem:$0x3FB8]  }
0x2f: {  	lr =	sadd.s32 s0, s3;
	s0 =	sld [smem:$0x3FAF]  }
0x30: {  	s3 =	sld [smem:$0x3FB2]  }
0x31: {  	[smem:$0x3FBB] =	sst s10  }
0x32: {  	s10 =	sld [smem:$0x3FB9];
	_ =	sdelay $0x3  }
0x33: {  	p0 =	seq.s32 s10, $0x1;
	s10 =	sld [smem:$0x3FBB];
	_ =	sdelay $0x3  }
0x34: {  	[smem:$0x3FBB] =	sst s10  }
0x35: {  	s10 =	sld [smem:$0x3FBA];
	_ =	sdelay $0x3  }
0x36: {  	p1 =	seq.s32 s10, $0x1;
	s10 =	sld [smem:$0x3FBB];
	_ =	sdelay $0x3  }
0x37: {  	[smem:$0x3FBB] =	sst s10  }
0x38: {  	s10 =	sld [smem:$0x3FBC]  }
0x39: {  	_ = 	snop;
	(pc) =	sbr.ind lr, $3  }
0x3a: {  	_ = 	snop  }
0x3b: {  	_ = 	snop  }
0x3c: {  	p2 =	seq.s32 s10, $0x1;
	s10 =	sld [smem:$0x3FBB]  }
0x3d: {  	_ =	shalt  }
0x3e: {  	_ =	shalt  }
0x3f: {  	_ =	shalt  }
0x40: {  	_ =	shalt  }
0x41: {  	_ =	shalt  }
0x42: {  	_ =	shalt  }
0x43: {  	_ =	shalt  }
0x44: {  	_ =	shalt  }
0x45: {  	_ =	shalt  }
0x46: {  	_ =	shalt  }
0x47: {  	_ =	shalt  }
0x48: {  	_ =	shalt  }
0x49: {  	_ =	shalt  }
0x4a: {  	_ =	shalt  }
0x4b: {  	_ =	shalt  }
0x4c: {  	_ =	shalt  }
0x4d: {  	_ =	shalt  }
0x4e: {  	_ =	shalt  }
0x4f: {  	_ =	shalt  }
0x50: {  	_ =	shalt  }
0x51: {  	_ =	shalt  }
0x52: {  	_ =	shalt  }
0x53: {  	_ =	shalt  }
0x54: {  	_ =	shalt  }
0x55: {  	_ =	shalt  }
0x56: {  	_ =	shalt  }
0x57: {  	_ =	shalt  }
0x58: {  	_ =	shalt  }
0x59: {  	_ =	shalt  }
0x5a: {  	_ =	shalt  }
0x5b: {  	_ =	shalt  }
0x5c: {  	_ =	shalt  }
0x5d: {  	_ =	shalt  }
0x5e: {  	_ =	shalt  }
0x5f: {  	_ =	shalt  }
0x60: {  	_ =	shalt  }
0x61: {  	_ =	shalt  }
0x62: {  	_ =	shalt  }
0x63: {  	_ =	shalt  }
0x64: {  	_ =	shalt  }
0x65: {  	_ =	shalt  }
0x66: {  	_ =	shalt  }
0x67: {  	_ =	shalt  }
0x68: {  	_ =	shalt  }
0x69: {  	_ =	shalt  }
0x6a: {  	_ =	shalt  }
0x6b: {  	_ =	shalt  }
0x6c: {  	_ =	shalt  }
0x6d: {  	_ =	shalt  }
0x6e: {  	_ =	shalt  }
0x6f: {  	_ =	shalt  }
0x70: {  	_ =	shalt  }
0x71: {  	_ =	shalt  }
0x72: {  	_ =	shalt  }
0x73: {  	_ =	shalt  }
0x74: {  	_ =	shalt  }
0x75: {  	_ =	shalt  }
0x76: {  	_ =	shalt  }
0x77: {  	_ =	shalt  }
0x78: {  	_ =	shalt  }
0x79: {  	_ =	shalt  }
0x7a: {  	_ =	shalt  }
0x7b: {  	_ =	shalt  }
0x7c: {  	_ =	shalt  }
0x7d: {  	_ =	shalt  }
0x7e: {  	_ =	shalt  }
0x7f: {  	_ =	shalt  }
0x80: {  	_ =	shalt  }
0x81: {  	_ =	shalt  }
0x82: {  	_ =	shalt  }
0x83: {  	_ =	shalt  }
0x84: {  	_ =	shalt  }
0x85: {  	_ =	shalt  }
0x86: {  	_ =	shalt  }
0x87: {  	_ =	shalt  }
.Lfunc_end0:
.L_simem_size_0:
called_computation_lowered:
.L_overlay_start_0:
0x88: {  	s2 =	sld [smem:$0x3FD9]  }
0x89: {  	s3 =	sld [smem:$0x3FFE];
	_ =	sdelay $0x1  }
0x8a: {  	s1 =	srdreg.scid  }
0x8b: {  	s0 =	sand.u32 $0x1, s1  }
0x8c: {  	s18 =	sshll.u32 s0, $0xA;
	s2 =	sadd.s32 s3, s2  }
0x8d: {  	s2 =	sadd.s32 s2, s18  }
0x8e: {  	[smem:$0x3FC7] =	sst s2  }
0x8f: {  	_ = 	snop  }
0x90: {  	s2 =	sld [smem:$0x3FC9]  }
0x91: {  	s19 =	sld [smem:$0x3FD0];
	(tm) =	ssettm $0x1  }
0x92: {  	s4 =	sld [smem:$0x3FFB];
	_ =	sdelay $0x3  }
0x93: {  	_ =	strace s4  }
0x94: {  	s4 =	sld [smem:$0x3FFC];
	_ =	sdelay $0x3  }
0x95: {  	_ =	strace s4  }
0x96: {  	s4 =	sld [smem:$0x3FFD];
	_ =	sdelay $0x3  }
0x97: {  	_ =	strace s4  }
0x98: {  	_ =	strace $0x8FFFFFFF  }
0x99: {  	s20 =	sld [smem:$0x3FDB];
	_ =	sdelay $0x1  }
0x9a: {  	s5 =	simm.s32 $_scs_section_size  }
0x9b: {  	s6 =	simm.s32 $_size__tile_overlayer_lowered;
	s7 =	simm.s32 $_tile_overlayer_lowered  }
0x9c: {  	s23 =	simm.s32 $0x1BFF;
	s22 =	sshll.u32 s7, $0x1;
	s4 =	sadd.s32 s5, s20  }
0x9d: {  	s8 =	simm.s32 $0x0;
	s21 =	sshll.u32 s6, $0x1;
	s6 =	sadd.s32 s22, s4  }
0x9e: {  	[timem:s8], [sflag:s23] =	dma.local [hbm:s6], s21  }
0x9f: {  	_ =	swait.ge [sflag:s23], s21  }
0xa0: {  	s5 =	ssub.s32 $0x0, s21;
	[sflag:s23] =	ssyncset.done $0x0  }
0xa1: {  	[sflag:s23] =	ssyncadd.s32 s5;
	_ =	sdelay $0x1  }
0xa2: {  	s24 =	simm.s32 $0x1B8B  }
0xa3: {  	_ =	swait.ge [sflag:s24], $0x1  }
0xa4: {  	[sflag:s24] =	ssyncset.done $0x0  }
0xa5: {  	s25 =	simm.s32 $0x1B8E;
	[sflag:s24] =	ssyncadd.s32 $0xFFFFFFFF  }
0xa6: {  	s26 =	simm.s32 $execute0_lowered;
	[smem:$0x3FD2] =	sst s25  }
0xa7: {  	s5 =	sshll.u32 s26, $0x1;
	_ =	strace $0x80000046;
	[dreg:$0x1] =	wrdreg $0xFFFFFFFF  }
0xa8: {  	s28 =	simm.s32 $_size_execute0_lowered;
	s4 =	sadd.s32 s4, s5;
	[dreg:$0x0] =	wrdreg $0x0  }
0xa9: {  	s5 =	sshll.u32 s28, $0x1;
	[dreg:$0x2] =	wrdreg s4  }
0xaa: {  	[dreg:$0x3] =	wrdreg s5  }
0xab: {  	[dreg:$0x4] =	wrdreg $0xC0  }
0xac: {  	_ =	task [dreg:s8], $0x5FFFF  }
0xad: {  	[dreg:$0x1] =	wrdreg $0xFFFFFFFF  }
0xae: {  	[dreg:$0x0] =	wrdreg $0x60  }
0xaf: {  	[dreg:$0x2] =	wrdreg s2  }
0xb0: {  	[dreg:$0x3] =	wrdreg s19  }
0xb1: {  	[dreg:$0x4] =	wrdreg $0x9  }
0xb2: {  	_ =	task.clear_ibuf [dreg:s8], $0x5FFFF;
	_ =	strace $0x90000046  }
0xb3: {  	s29 =	simm.s32 $0x9;
	_ =	strace $0x80000048  }
0xb4: {  	_ =	swait.ge [sflag:s29], $0x1  }
0xb5: {  	[sflag:s29] =	ssyncadd.s32 $0xFFFFFFFF  }
0xb6: {  	_ =	strace $0x90000048  }
0xb7: {  	_ =	sfence  }
0xb8: {  	s30 =	sld [smem:$0x0];
	_ =	sdelay $0x2  }
0xb9: {  	s31 =	sshll.u32 s1, $0xD;
	s1 =	sshrl.u32 s1, $0x2  }
0xba: {  	s3 =	sand.u32 $0x4000, s31;
	s1 =	sadd.s32 s1, s30  }
0xbb: {  	s0 =	sor.u32 s3, s0;
	s1 =	sshll.u32 s1, $0x11  }
0xbc: {  	s0 =	sor.u32 s1, s0  }
0xbd: {  	s0 =	sadd.s32 $0x8F2B, s0  }
0xbe: {  	[sflag:s0] =	ssyncadd.remote.s32 $0x1  }
0xbf: {  	_ =	sfence.sel $0xFFFF  }
0xc0: {  	[dreg:$0x0] =	wrdreg $0xFFFFFFFF;
	(pc) =	sbr.abs _section_cstart, $3  }
0xc1: {  	[dreg:$0x1] =	wrdreg $0xFFFFFFFF  }
0xc2: {  	_ =	task.clear_ibuf [dreg:s8], $0x2FFFF;
	_ =	strace $0x9FFFFFFF  }
0xc3: {  	(tm) =	ssettm $0x7FFFFFFF  }
tec
execute0_lowered:
.L_overlay_start_1:
0x0: {  	(tag) =	ssettag $0x1  }
0x1: {  	s0 =	srdreg.scid  }
0x2: {  	s2 =	stileid.u32;
	s0 =	sand.u32 $0x1, s0  }
0x3: {  	s2 =	sshll.u32 s2, $0x12;
	s4 =	ssub.s32 $0x2, s0;
	s0 =	sshll.u32 s0, $0x11  }
0x4: {  	s3 =	rddreg [dreg:$0x0];
	s2 =	sor.u32 s0, s2  }
0x5: {  	s5 =	rddreg [dreg:$0x1];
	s1 =	simm.s32 $0x0;
	s0 =	sor.u32 $0x1000, s2  }
0x6: {  	[smem:$0x7FF] =	sst s1;
	s15 =	sor.u32 $0x2000, s2;
	s7 =	sadd.s32 s3, s0  }
0x7: {  	s6 =	sshrl.u32 s4, $0x1;
	s16 =	sadd.s32 s3, s15;
	[dreg:$0x3] =	wrdreg s7  }
0x8: {  	s17 =	sor.u32 $0x3000, s2;
	s0 =	sadd.s32 s5, s0;
	[dreg:$0x4] =	wrdreg s16  }
0x9: {  	s6 =	ssub.s32 s4, s6;
	s18 =	sadd.s32 s3, s17;
	[dreg:$0x5] =	wrdreg s0  }
0xa: {  	s19 =	sor.u32 $0x4000, s2;
	s4 =	sadd.s32 s5, s15;
	[dreg:$0x6] =	wrdreg s18  }
0xb: {  	s21 =	sor.u32 $0x5000, s2;
	s20 =	sadd.s32 s3, s19;
	[dreg:$0x7] =	wrdreg s4  }
0xc: {  	s23 =	sor.u32 $0x6000, s2;
	s22 =	sadd.s32 s3, s21;
	[dreg:$0x8] =	wrdreg s20  }
0xd: {  	s25 =	sor.u32 $0x7000, s2;
	s24 =	sadd.s32 s3, s23;
	[dreg:$0xa] =	wrdreg s22  }
0xe: {  	s8 =	sor.u32 $0x8000, s2;
	s26 =	sadd.s32 s3, s25;
	[dreg:$0xc] =	wrdreg s24  }
0xf: {  	s10 =	sor.u32 $0x9000, s2;
	s9 =	sadd.s32 s3, s8;
	[dreg:$0xe] =	wrdreg s26  }
0x10: {  	s11 =	sadd.s32 s3, s10;
	[dreg:$0x10] =	wrdreg s9  }
0x11: {  	s12 =	sadd.s32 s5, s8;
	[dreg:$0x12] =	wrdreg s11  }
0x12: {  	s14 =	sadd.s32 s5, s10;
	[dreg:$0x13] =	wrdreg s12  }
0x13: {  	s7 =	sadd.s32 s5, s17;
	[dreg:$0x14] =	wrdreg s14  }
0x14: {  	s0 =	sadd.s32 s5, s19;
	[dreg:$0x9] =	wrdreg s7  }
0x15: {  	s13 =	sor.u32 $0xA000, s2;
	s4 =	sadd.s32 s5, s21;
	[dreg:$0xb] =	wrdreg s0  }
0x16: {  	s15 =	sor.u32 $0xB000, s2;
	s16 =	sadd.s32 s3, s13;
	[dreg:$0xd] =	wrdreg s4  }
0x17: {  	s17 =	sadd.s32 s3, s15;
	[dreg:$0x15] =	wrdreg s16  }
0x18: {  	s10 =	sor.u32 $0x11000, s2;
	s18 =	sadd.s32 s5, s15;
	[dreg:$0x17] =	wrdreg s17  }
0x19: {  	s12 =	sadd.s32 s3, s10;
	[dreg:$0x18] =	wrdreg s18  }
0x1a: {  	s31 =	sadd.s32 s3, s2;
	s7 =	sadd.s32 s5, s23;
	[smem:$0x7F2] =	sst s12  }
0x1b: {  	s19 =	sor.u32 $0xC000, s2;
	s0 =	sadd.s32 s5, s25;
	[dreg:$0xf] =	wrdreg s7  }
0x1c: {  	s20 =	sor.u32 $0xD000, s2;
	s21 =	sadd.s32 s3, s19;
	[dreg:$0x11] =	wrdreg s0  }
0x1d: {  	s6 =	smax.u32 s6, $0x1;
	s22 =	sadd.s32 s3, s20;
	[dreg:$0x19] =	wrdreg s21  }
0x1e: {  	s24 =	sor.u32 $0xE000, s2;
	s23 =	sadd.s32 s5, s20;
	[dreg:$0x1b] =	wrdreg s22  }
0x1f: {  	s9 =	sor.u32 $0x10000, s2;
	s26 =	sadd.s32 s3, s24;
	[dreg:$0x1c] =	wrdreg s23  }
0x20: {  	s14 =	sor.u32 $0x12000, s2;
	s11 =	sadd.s32 s3, s9;
	[dreg:$0x1d] =	wrdreg s26  }
0x21: {  	s15 =	sor.u32 $0x13000, s2;
	s16 =	sadd.s32 s3, s14;
	[smem:$0x7F0] =	sst s11  }
0x22: {  	s25 =	sor.u32 $0xF000, s2;
	s17 =	sadd.s32 s3, s15;
	[smem:$0x7F4] =	sst s16  }
0x23: {  	s18 =	sadd.s32 s5, s15;
	s20 =	sor.u32 $0x15000, s2;
	[smem:$0x7F6] =	sst s17  }
0x24: {  	s12 =	sor.u32 $0x1C000, s2;
	s0 =	sadd.s32 s5, s13;
	[smem:$0x7F7] =	sst s18  }
0x25: {  	s15 =	sor.u32 $0x1F000, s2;
	s7 =	sadd.s32 s3, s25;
	[dreg:$0x16] =	wrdreg s0  }
0x26: {  	s8 =	sadd.s32 s5, s25;
	s13 =	sadd.s32 s5, s10;
	[dreg:$0x1f] =	wrdreg s7  }
0x27: {  	s22 =	sadd.s32 s3, s20;
	s23 =	sadd.s32 s5, s20;
	[smem:$0x7EF] =	sst s8  }
0x28: {  	s25 =	sor.u32 $0x17000, s2;
	s10 =	sor.u32 $0x1A000, s2;
	[smem:$0x7F3] =	sst s13  }
0x29: {  	s11 =	sor.u32 $0x1B000, s2;
	s28 =	sadd.s32 s5, s12;
	[smem:$0x7FA] =	sst s22  }
0x2a: {  	s0 =	sadd.s32 s5, s19;
	s19 =	sor.u32 $0x14000, s2;
	[smem:$0x7FB] =	sst s23  }
0x2b: {  	s16 =	sadd.s32 s3, s25;
	s17 =	sadd.s32 s5, s25;
	s8 =	sor.u32 $0x18000, s2  }
0x2c: {  	s22 =	sadd.s32 s3, s10;
	s23 =	sadd.s32 s5, s10;
	s25 =	sadd.s32 s5, s11  }
0x2d: {  	s13 =	sor.u32 $0x1D000, s2;
	s7 =	simm.s32 $0x8000;
	s10 =	simm.s32 $0x2  }
0x2e: {  	[dreg:$0x1a] =	wrdreg s0;
	s0 =	sadd.s32 s5, s24;
	s21 =	sadd.s32 s3, s19  }
0x2f: {  	s24 =	sor.u32 $0x16000, s2;
	s18 =	sadd.s32 s3, s8;
	[dreg:$0x1e] =	wrdreg s0  }
0x30: {  	s29 =	sadd.s32 s3, s13;
	s0 =	sadd.s32 s5, s9;
	[smem:$0x7F8] =	sst s21  }
0x31: {  	s30 =	sadd.s32 s5, s13;
	s26 =	sadd.s32 s3, s24;
	[smem:$0x7F1] =	sst s0  }
0x32: {  	s9 =	sor.u32 $0x19000, s2;
	s0 =	sadd.s32 s5, s14;
	[smem:$0x7FC] =	sst s26  }
0x33: {  	s20 =	sadd.s32 s3, s9;
	s21 =	sadd.s32 s5, s9;
	s26 =	sadd.s32 s3, s12  }
0x34: {  	s14 =	sor.u32 $0x1E000, s2;
	s9 =	simm.s32 $0x3;
	s12 =	simm.s32 $0x0  }
0x35: {  	[smem:$0x7F5] =	sst s0;
	s0 =	sadd.s32 s5, s19;
	s19 =	sadd.s32 s5, s8  }
0x36: {  	s4 =	sadd.s32 s5, s14;
	s8 =	simm.s32 $0x1;
	[smem:$0x7F9] =	sst s0  }
0x37: {  	vm0 =	vcmask $0xF0C;
	s0 =	sadd.s32 s5, s24;
	s24 =	sadd.s32 s3, s11;
	s11 =	simm.s32 $0x4  }
0x38: {  	v2 =	vimm.f32 $-Inf;
	vm1 =	vcmask $0x704;
	vm2 =	vcmask $0x2B28;
	[smem:$0x7FD] =	sst s0;
	s0 =	sadd.s32 s5, s2;
	s2 =	sadd.s32 s3, s14  }
0x39: {  	v0 =	vsel vm0, $0xBED55555, v2;
	v1 =	vsel vm1, $0x0, v2;
	v2 =	vsel vm2, $0x0, v2;
	s3 =	sadd.s32 s3, s15;
	s5 =	sadd.s32 s5, s15;
	_ =	strace $0x80000047  }
.LBB2_1:
0x3a: {  	[tilespmem:s1], [sflag:$0x1] =	stream.linear.gather [hbm4b:s31+s1], $0x8000, $0x38;
	[tilespmem:$0x10000] =	vst v63  }
0x3b: {  	s13 =	rddreg [dreg:$0x3]  }
0x3c: {  	[tilespmem:s7], [sflag:$0x2] =	stream.linear.gather [hbm4b:s13+s1], $0x8000, $0x38;
	[tilespmem:$0x10000] =	vst v63  }
0x3d: {  	_ =	swait.ge [sflag:s8], $0x8000  }
0x3e: {  	[sflag:s8] =	ssyncset.done $0x0  }
0x3f: {  	s13 =	simm.s32 $0x0;
	[sflag:s8] =	ssyncadd.s32 $0xFFFF8000  }
0x40: {  	v4 =	vld [tilespmem:s13+$0x0]  }
0x41: {  	s14 =	simm.s32 $0x200;
	v3 =	vld [tilespmem:s13+$0x10]  }
.LBB2_2:
0x42: {  	p0 =	sne.s32 s14, $0x1FE00;
	v5 =	vld [tilespmem:s13+$0x20];
	_ =	sdelay $0x1  }
.Ltmp0:
0x43: {  	(pc) =	sbr.rel @p0 .LBB2_2-.Ltmp0, $4  }
0x44: {  	v4 =	vmax.f32 v4, v0  }
0x45: {  	s15 =	sshra.s32 s14, $0x2;
	[tilespmem:s13+$0x0] =	vst v4;
	v3 =	vmax.f32 v3, v1  }
0x46: {  	v4 =	vld [tilespmem:s15+$0x0];
	[tilespmem:s13+$0x10] =	vst v3;
	v5 =	vmax.f32 v5, v2  }
0x47: {  	s14 =	sadd.s32 $0x200, s14;
	v3 =	vld [tilespmem:s15+$0x10];
	[tilespmem:s13+$0x20] =	vst v5;
	s13 =	smov.u32 s15  }
0x48: {  	v5 =	vld [tilespmem:s13+$0x20];
	_ =	sdelay $0x2  }
0x49: {  	v4 =	vmax.f32 v4, v0  }
0x4a: {  	[tilespmem:s13+$0x0] =	vst v4;
	v3 =	vmax.f32 v3, v1  }
0x4b: {  	[tilespmem:s13+$0x10] =	vst v3;
	v3 =	vmax.f32 v5, v2  }
0x4c: {  	s15 =	simm.s32 $0x0;
	[tilespmem:s13+$0x20] =	vst v3  }
0x4d: {  	[hbm4b:s0+s15] =	stream.linear.scatter [tilespmem:s15], [sflag:$0x3], $0x8000, $0x38;
	[tilespmem:$0x10000] =	vst v63  }
0x4e: {  	_ =	swait.ge [sflag:s9], $0x8000  }
0x4f: {  	[sflag:s9] =	ssyncset.done $0x0  }
0x50: {  	s14 =	rddreg [dreg:$0x4];
	[sflag:s9] =	ssyncadd.s32 $0xFFFF8000  }
0x51: {  	[tilespmem:s15], [sflag:$0x1] =	stream.linear.gather [hbm4b:s14+s15], $0x8000, $0x38;
	[tilespmem:$0x10000] =	vst v63  }
0x52: {  	_ =	swait.ge [sflag:s10], $0x8000  }
0x53: {  	[sflag:s10] =	ssyncset.done $0x0  }
0x54: {  	s13 =	simm.s32 $0x0;
	[sflag:s10] =	ssyncadd.s32 $0xFFFF8000  }
0x55: {  	v4 =	vld [tilespmem:s13+$0x8000]  }
0x56: {  	s14 =	simm.s32 $0x200;
	v3 =	vld [tilespmem:s13+$0x8010]  }
.LBB2_4:
0x57: {  	p0 =	sne.s32 s14, $0x1FE00;
	v5 =	vld [tilespmem:s13+$0x8020];
	_ =	sdelay $0x1  }
.Ltmp1:
0x58: {  	(pc) =	sbr.rel @p0 .LBB2_4-.Ltmp1, $4  }
0x59: {  	v4 =	vmax.f32 v4, v0  }
0x5a: {  	s15 =	sshra.s32 s14, $0x2;
	[tilespmem:s13+$0x8000] =	vst v4;
	v3 =	vmax.f32 v3, v1  }
0x5b: {  	v4 =	vld [tilespmem:s15+$0x8000];
	[tilespmem:s13+$0x8010] =	vst v3;
	v5 =	vmax.f32 v5, v2  }
0x5c: {  	s14 =	sadd.s32 $0x200, s14;
	v3 =	vld [tilespmem:s15+$0x8010];
	[tilespmem:s13+$0x8020] =	vst v5;
	s13 =	smov.u32 s15  }
0x5d: {  	v5 =	vld [tilespmem:s13+$0x8020];
	_ =	sdelay $0x2  }
0x5e: {  	v4 =	vmax.f32 v4, v0  }
0x5f: {  	[tilespmem:s13+$0x8000] =	vst v4;
	v3 =	vmax.f32 v3, v1  }
0x60: {  	[tilespmem:s13+$0x8010] =	vst v3;
	v3 =	vmax.f32 v5, v2  }
0x61: {  	s14 =	rddreg [dreg:$0x5];
	[tilespmem:s13+$0x8020] =	vst v3;
	s13 =	simm.s32 $0x0  }
0x62: {  	[hbm4b:s14+s13] =	stream.linear.scatter [tilespmem:s7], [sflag:$0x4], $0x8000, $0x38;
	[tilespmem:$0x10000] =	vst v63  }
0x63: {  	_ =	swait.ge [sflag:s11], $0x8000  }
0x64: {  	[sflag:s11] =	ssyncset.done $0x0  }
0x65: {  	s15 =	rddreg [dreg:$0x6];
	[sflag:s11] =	ssyncadd.s32 $0xFFFF8000  }
0x66: {  	[tilespmem:s7], [sflag:$0x2] =	stream.linear.gather [hbm4b:s15+s13], $0x8000, $0x38;
	[tilespmem:$0x10000] =	vst v63  }
0x67: {  	_ =	swait.ge [sflag:s8], $0x8000  }
0x68: {  	[sflag:s8] =	ssyncset.done $0x0  }
0x69: {  	s13 =	simm.s32 $0x0;
	[sflag:s8] =	ssyncadd.s32 $0xFFFF8000  }
0x6a: {  	v4 =	vld [tilespmem:s13+$0x0]  }
0x6b: {  	s14 =	simm.s32 $0x200;
	v3 =	vld [tilespmem:s13+$0x10]  }
.LBB2_6:
0x6c: {  	p0 =	sne.s32 s14, $0x1FE00;
	v5 =	vld [tilespmem:s13+$0x20];
	_ =	sdelay $0x1  }
.Ltmp2:
0x6d: {  	(pc) =	sbr.rel @p0 .LBB2_6-.Ltmp2, $4  }
0x6e: {  	v4 =	vmax.f32 v4, v0  }
0x6f: {  	s15 =	sshra.s32 s14, $0x2;
	[tilespmem:s13+$0x0] =	vst v4;
	v3 =	vmax.f32 v3, v1  }
0x70: {  	v4 =	vld [tilespmem:s15+$0x0];
	[tilespmem:s13+$0x10] =	vst v3;
	v5 =	vmax.f32 v5, v2  }
0x71: {  	s14 =	sadd.s32 $0x200, s14;
	v3 =	vld [tilespmem:s15+$0x10];
	[tilespmem:s13+$0x20] =	vst v5;
	s13 =	smov.u32 s15  }
0x72: {  	v5 =	vld [tilespmem:s13+$0x20];
	_ =	sdelay $0x2  }
0x73: {  	v4 =	vmax.f32 v4, v0  }
0x74: {  	[tilespmem:s13+$0x0] =	vst v4;
	v3 =	vmax.f32 v3, v1  }
0x75: {  	[tilespmem:s13+$0x10] =	vst v3;
	v3 =	vmax.f32 v5, v2  }
0x76: {  	s14 =	rddreg [dreg:$0x7];
	[tilespmem:s13+$0x20] =	vst v3;
	s13 =	simm.s32 $0x0  }
0x77: {  	[hbm4b:s14+s13] =	stream.linear.scatter [tilespmem:s13], [sflag:$0x3], $0x8000, $0x38;
	[tilespmem:$0x10000] =	vst v63  }
0x78: {  	_ =	swait.ge [sflag:s9], $0x8000  }
0x79: {  	[sflag:s9] =	ssyncset.done $0x0  }
0x7a: {  	s15 =	rddreg [dreg:$0x8];
	[sflag:s9] =	ssyncadd.s32 $0xFFFF8000  }
0x7b: {  	[tilespmem:s13], [sflag:$0x1] =	stream.linear.gather [hbm4b:s15+s13], $0x8000, $0x38;
	[tilespmem:$0x10000] =	vst v63  }
0x7c: {  	_ =	swait.ge [sflag:s10], $0x8000  }
0x7d: {  	[sflag:s10] =	ssyncset.done $0x0  }
0x7e: {  	s13 =	simm.s32 $0x0;
	[sflag:s10] =	ssyncadd.s32 $0xFFFF8000  }
0x7f: {  	v4 =	vld [tilespmem:s13+$0x8000]  }
0x80: {  	s14 =	simm.s32 $0x200;
	v3 =	vld [tilespmem:s13+$0x8010]  }
.LBB2_8:
0x81: {  	p0 =	sne.s32 s14, $0x1FE00;
	v5 =	vld [tilespmem:s13+$0x8020];
	_ =	sdelay $0x1  }
.Ltmp3:
0x82: {  	(pc) =	sbr.rel @p0 .LBB2_8-.Ltmp3, $4  }
0x83: {  	v4 =	vmax.f32 v4, v0  }
0x84: {  	s15 =	sshra.s32 s14, $0x2;
	[tilespmem:s13+$0x8000] =	vst v4;
	v3 =	vmax.f32 v3, v1  }
0x85: {  	v4 =	vld [tilespmem:s15+$0x8000];
	[tilespmem:s13+$0x8010] =	vst v3;
	v5 =	vmax.f32 v5, v2  }
0x86: {  	s14 =	sadd.s32 $0x200, s14;
	v3 =	vld [tilespmem:s15+$0x8010];
	[tilespmem:s13+$0x8020] =	vst v5;
	s13 =	smov.u32 s15  }
0x87: {  	v5 =	vld [tilespmem:s13+$0x8020];
	_ =	sdelay $0x2  }
0x88: {  	v4 =	vmax.f32 v4, v0  }
0x89: {  	[tilespmem:s13+$0x8000] =	vst v4;
	v3 =	vmax.f32 v3, v1  }
0x8a: {  	[tilespmem:s13+$0x8010] =	vst v3;
	v3 =	vmax.f32 v5, v2  }
0x8b: {  	s14 =	rddreg [dreg:$0x9];
	[tilespmem:s13+$0x8020] =	vst v3;
	s13 =	simm.s32 $0x0  }
0x8c: {  	[hbm4b:s14+s13] =	stream.linear.scatter [tilespmem:s7], [sflag:$0x4], $0x8000, $0x38;
	[tilespmem:$0x10000] =	vst v63  }
0x8d: {  	_ =	swait.ge [sflag:s11], $0x8000  }
0x8e: {  	[sflag:s11] =	ssyncset.done $0x0  }
0x8f: {  	s15 =	rddreg [dreg:$0xa];
	[sflag:s11] =	ssyncadd.s32 $0xFFFF8000  }
0x90: {  	[tilespmem:s7], [sflag:$0x2] =	stream.linear.gather [hbm4b:s15+s13], $0x8000, $0x38;
	[tilespmem:$0x10000] =	vst v63  }
0x91: {  	_ =	swait.ge [sflag:s8], $0x8000  }
0x92: {  	[sflag:s8] =	ssyncset.done $0x0  }
0x93: {  	s13 =	simm.s32 $0x0;
	[sflag:s8] =	ssyncadd.s32 $0xFFFF8000  }
0x94: {  	v4 =	vld [tilespmem:s13+$0x0]  }
0x95: {  	s14 =	simm.s32 $0x200;
	v3 =	vld [tilespmem:s13+$0x10]  }
.LBB2_10:
0x96: {  	p0 =	sne.s32 s14, $0x1FE00;
	v5 =	vld [tilespmem:s13+$0x20];
	_ =	sdelay $0x1  }
.Ltmp4:
0x97: {  	(pc) =	sbr.rel @p0 .LBB2_10-.Ltmp4, $4  }
0x98: {  	v4 =	vmax.f32 v4, v0  }
0x99: {  	s15 =	sshra.s32 s14, $0x2;
	[tilespmem:s13+$0x0] =	vst v4;
	v3 =	vmax.f32 v3, v1  }
0x9a: {  	v4 =	vld [tilespmem:s15+$0x0];
	[tilespmem:s13+$0x10] =	vst v3;
	v5 =	vmax.f32 v5, v2  }
0x9b: {  	s14 =	sadd.s32 $0x200, s14;
	v3 =	vld [tilespmem:s15+$0x10];
	[tilespmem:s13+$0x20] =	vst v5;
	s13 =	smov.u32 s15  }
0x9c: {  	v5 =	vld [tilespmem:s13+$0x20];
	_ =	sdelay $0x2  }
0x9d: {  	v4 =	vmax.f32 v4, v0  }
0x9e: {  	[tilespmem:s13+$0x0] =	vst v4;
	v3 =	vmax.f32 v3, v1  }
0x9f: {  	[tilespmem:s13+$0x10] =	vst v3;
	v3 =	vmax.f32 v5, v2  }
0xa0: {  	s14 =	rddreg [dreg:$0xb];
	[tilespmem:s13+$0x20] =	vst v3;
	s13 =	simm.s32 $0x0  }
0xa1: {  	[hbm4b:s14+s13] =	stream.linear.scatter [tilespmem:s13], [sflag:$0x3], $0x8000, $0x38;
	[tilespmem:$0x10000] =	vst v63  }
0xa2: {  	_ =	swait.ge [sflag:s9], $0x8000  }
0xa3: {  	[sflag:s9] =	ssyncset.done $0x0  }
0xa4: {  	s15 =	rddreg [dreg:$0xc];
	[sflag:s9] =	ssyncadd.s32 $0xFFFF8000  }
0xa5: {  	[tilespmem:s13], [sflag:$0x1] =	stream.linear.gather [hbm4b:s15+s13], $0x8000, $0x38;
	[tilespmem:$0x10000] =	vst v63  }
0xa6: {  	_ =	swait.ge [sflag:s10], $0x8000  }
0xa7: {  	[sflag:s10] =	ssyncset.done $0x0  }
0xa8: {  	s13 =	simm.s32 $0x0;
	[sflag:s10] =	ssyncadd.s32 $0xFFFF8000  }
0xa9: {  	v4 =	vld [tilespmem:s13+$0x8000]  }
0xaa: {  	s14 =	simm.s32 $0x200;
	v3 =	vld [tilespmem:s13+$0x8010]  }
.LBB2_12:
0xab: {  	p0 =	sne.s32 s14, $0x1FE00;
	v5 =	vld [tilespmem:s13+$0x8020];
	_ =	sdelay $0x1  }
.Ltmp5:
0xac: {  	(pc) =	sbr.rel @p0 .LBB2_12-.Ltmp5, $4  }
0xad: {  	v4 =	vmax.f32 v4, v0  }
0xae: {  	s15 =	sshra.s32 s14, $0x2;
	[tilespmem:s13+$0x8000] =	vst v4;
	v3 =	vmax.f32 v3, v1  }
0xaf: {  	v4 =	vld [tilespmem:s15+$0x8000];
	[tilespmem:s13+$0x8010] =	vst v3;
	v5 =	vmax.f32 v5, v2  }
0xb0: {  	s14 =	sadd.s32 $0x200, s14;
	v3 =	vld [tilespmem:s15+$0x8010];
	[tilespmem:s13+$0x8020] =	vst v5;
	s13 =	smov.u32 s15  }
0xb1: {  	v5 =	vld [tilespmem:s13+$0x8020];
	_ =	sdelay $0x2  }
0xb2: {  	v4 =	vmax.f32 v4, v0  }
0xb3: {  	[tilespmem:s13+$0x8000] =	vst v4;
	v3 =	vmax.f32 v3, v1  }
0xb4: {  	[tilespmem:s13+$0x8010] =	vst v3;
	v3 =	vmax.f32 v5, v2  }
0xb5: {  	s14 =	rddreg [dreg:$0xd];
	[tilespmem:s13+$0x8020] =	vst v3;
	s13 =	simm.s32 $0x0  }
0xb6: {  	[hbm4b:s14+s13] =	stream.linear.scatter [tilespmem:s7], [sflag:$0x4], $0x8000, $0x38;
	[tilespmem:$0x10000] =	vst v63  }
0xb7: {  	_ =	swait.ge [sflag:s11], $0x8000  }
0xb8: {  	[sflag:s11] =	ssyncset.done $0x0  }
0xb9: {  	s15 =	rddreg [dreg:$0xe];
	[sflag:s11] =	ssyncadd.s32 $0xFFFF8000  }
0xba: {  	[tilespmem:s7], [sflag:$0x2] =	stream.linear.gather [hbm4b:s15+s13], $0x8000, $0x38;
	[tilespmem:$0x10000] =	vst v63  }
0xbb: {  	_ =	swait.ge [sflag:s8], $0x8000  }
0xbc: {  	[sflag:s8] =	ssyncset.done $0x0  }
0xbd: {  	s13 =	simm.s32 $0x0;
	[sflag:s8] =	ssyncadd.s32 $0xFFFF8000  }
0xbe: {  	v4 =	vld [tilespmem:s13+$0x0]  }
0xbf: {  	s14 =	simm.s32 $0x200;
	v3 =	vld [tilespmem:s13+$0x10]  }
.LBB2_14:
0xc0: {  	p0 =	sne.s32 s14, $0x1FE00;
	v5 =	vld [tilespmem:s13+$0x20];
	_ =	sdelay $0x1  }
.Ltmp6:
0xc1: {  	(pc) =	sbr.rel @p0 .LBB2_14-.Ltmp6, $4  }
0xc2: {  	v4 =	vmax.f32 v4, v0  }
0xc3: {  	s15 =	sshra.s32 s14, $0x2;
	[tilespmem:s13+$0x0] =	vst v4;
	v3 =	vmax.f32 v3, v1  }
0xc4: {  	v4 =	vld [tilespmem:s15+$0x0];
	[tilespmem:s13+$0x10] =	vst v3;
	v5 =	vmax.f32 v5, v2  }
0xc5: {  	s14 =	sadd.s32 $0x200, s14;
	v3 =	vld [tilespmem:s15+$0x10];
	[tilespmem:s13+$0x20] =	vst v5;
	s13 =	smov.u32 s15  }
0xc6: {  	v5 =	vld [tilespmem:s13+$0x20];
	_ =	sdelay $0x2  }
0xc7: {  	v4 =	vmax.f32 v4, v0  }
0xc8: {  	[tilespmem:s13+$0x0] =	vst v4;
	v3 =	vmax.f32 v3, v1  }
0xc9: {  	[tilespmem:s13+$0x10] =	vst v3;
	v3 =	vmax.f32 v5, v2  }
0xca: {  	s14 =	rddreg [dreg:$0xf];
	[tilespmem:s13+$0x20] =	vst v3;
	s13 =	simm.s32 $0x0  }
0xcb: {  	[hbm4b:s14+s13] =	stream.linear.scatter [tilespmem:s13], [sflag:$0x3], $0x8000, $0x38;
	[tilespmem:$0x10000] =	vst v63  }
0xcc: {  	_ =	swait.ge [sflag:s9], $0x8000  }
0xcd: {  	[sflag:s9] =	ssyncset.done $0x0  }
0xce: {  	s15 =	rddreg [dreg:$0x10];
	[sflag:s9] =	ssyncadd.s32 $0xFFFF8000  }
0xcf: {  	[tilespmem:s13], [sflag:$0x1] =	stream.linear.gather [hbm4b:s15+s13], $0x8000, $0x38;
	[tilespmem:$0x10000] =	vst v63  }
0xd0: {  	_ =	swait.ge [sflag:s10], $0x8000  }
0xd1: {  	[sflag:s10] =	ssyncset.done $0x0  }
0xd2: {  	s13 =	simm.s32 $0x0;
	[sflag:s10] =	ssyncadd.s32 $0xFFFF8000  }
0xd3: {  	v4 =	vld [tilespmem:s13+$0x8000]  }
0xd4: {  	s14 =	simm.s32 $0x200;
	v3 =	vld [tilespmem:s13+$0x8010]  }
.LBB2_16:
0xd5: {  	p0 =	sne.s32 s14, $0x1FE00;
	v5 =	vld [tilespmem:s13+$0x8020];
	_ =	sdelay $0x1  }
.Ltmp7:
0xd6: {  	(pc) =	sbr.rel @p0 .LBB2_16-.Ltmp7, $4  }
0xd7: {  	v4 =	vmax.f32 v4, v0  }
0xd8: {  	s15 =	sshra.s32 s14, $0x2;
	[tilespmem:s13+$0x8000] =	vst v4;
	v3 =	vmax.f32 v3, v1  }
0xd9: {  	v4 =	vld [tilespmem:s15+$0x8000];
	[tilespmem:s13+$0x8010] =	vst v3;
	v5 =	vmax.f32 v5, v2  }
0xda: {  	s14 =	sadd.s32 $0x200, s14;
	v3 =	vld [tilespmem:s15+$0x8010];
	[tilespmem:s13+$0x8020] =	vst v5;
	s13 =	smov.u32 s15  }
0xdb: {  	v5 =	vld [tilespmem:s13+$0x8020];
	_ =	sdelay $0x2  }
0xdc: {  	v4 =	vmax.f32 v4, v0  }
0xdd: {  	[tilespmem:s13+$0x8000] =	vst v4;
	v3 =	vmax.f32 v3, v1  }
0xde: {  	[tilespmem:s13+$0x8010] =	vst v3;
	v3 =	vmax.f32 v5, v2  }
0xdf: {  	s14 =	rddreg [dreg:$0x11];
	[tilespmem:s13+$0x8020] =	vst v3;
	s13 =	simm.s32 $0x0  }
0xe0: {  	[hbm4b:s14+s13] =	stream.linear.scatter [tilespmem:s7], [sflag:$0x4], $0x8000, $0x38;
	[tilespmem:$0x10000] =	vst v63  }
0xe1: {  	_ =	swait.ge [sflag:s11], $0x8000  }
0xe2: {  	[sflag:s11] =	ssyncset.done $0x0  }
0xe3: {  	s15 =	rddreg [dreg:$0x12];
	[sflag:s11] =	ssyncadd.s32 $0xFFFF8000  }
0xe4: {  	[tilespmem:s7], [sflag:$0x2] =	stream.linear.gather [hbm4b:s15+s13], $0x8000, $0x38;
	[tilespmem:$0x10000] =	vst v63  }
0xe5: {  	_ =	swait.ge [sflag:s8], $0x8000  }
0xe6: {  	[sflag:s8] =	ssyncset.done $0x0  }
0xe7: {  	s13 =	simm.s32 $0x0;
	[sflag:s8] =	ssyncadd.s32 $0xFFFF8000  }
0xe8: {  	v4 =	vld [tilespmem:s13+$0x0]  }
0xe9: {  	s14 =	simm.s32 $0x200;
	v3 =	vld [tilespmem:s13+$0x10]  }
.LBB2_18:
0xea: {  	p0 =	sne.s32 s14, $0x1FE00;
	v5 =	vld [tilespmem:s13+$0x20];
	_ =	sdelay $0x1  }
.Ltmp8:
0xeb: {  	(pc) =	sbr.rel @p0 .LBB2_18-.Ltmp8, $4  }
0xec: {  	v4 =	vmax.f32 v4, v0  }
0xed: {  	s15 =	sshra.s32 s14, $0x2;
	[tilespmem:s13+$0x0] =	vst v4;
	v3 =	vmax.f32 v3, v1  }
0xee: {  	v4 =	vld [tilespmem:s15+$0x0];
	[tilespmem:s13+$0x10] =	vst v3;
	v5 =	vmax.f32 v5, v2  }
0xef: {  	s14 =	sadd.s32 $0x200, s14;
	v3 =	vld [tilespmem:s15+$0x10];
	[tilespmem:s13+$0x20] =	vst v5;
	s13 =	smov.u32 s15  }
0xf0: {  	v5 =	vld [tilespmem:s13+$0x20];
	_ =	sdelay $0x2  }
0xf1: {  	v4 =	vmax.f32 v4, v0  }
0xf2: {  	[tilespmem:s13+$0x0] =	vst v4;
	v3 =	vmax.f32 v3, v1  }
0xf3: {  	[tilespmem:s13+$0x10] =	vst v3;
	v3 =	vmax.f32 v5, v2  }
0xf4: {  	s14 =	rddreg [dreg:$0x13];
	[tilespmem:s13+$0x20] =	vst v3;
	s13 =	simm.s32 $0x0  }
0xf5: {  	[hbm4b:s14+s13] =	stream.linear.scatter [tilespmem:s13], [sflag:$0x3], $0x8000, $0x38;
	[tilespmem:$0x10000] =	vst v63  }
0xf6: {  	_ =	swait.ge [sflag:s9], $0x8000  }
0xf7: {  	[sflag:s9] =	ssyncset.done $0x0  }
0xf8: {  	s15 =	rddreg [dreg:$0x15];
	[sflag:s9] =	ssyncadd.s32 $0xFFFF8000  }
0xf9: {  	[tilespmem:s13], [sflag:$0x1] =	stream.linear.gather [hbm4b:s15+s13], $0x8000, $0x38;
	[tilespmem:$0x10000] =	vst v63  }
0xfa: {  	_ =	swait.ge [sflag:s10], $0x8000  }
0xfb: {  	[sflag:s10] =	ssyncset.done $0x0  }
0xfc: {  	s13 =	simm.s32 $0x0;
	[sflag:s10] =	ssyncadd.s32 $0xFFFF8000  }
0xfd: {  	v4 =	vld [tilespmem:s13+$0x8000]  }
0xfe: {  	s14 =	simm.s32 $0x200;
	v3 =	vld [tilespmem:s13+$0x8010]  }
.LBB2_20:
0xff: {  	p0 =	sne.s32 s14, $0x1FE00;
	v5 =	vld [tilespmem:s13+$0x8020];
	_ =	sdelay $0x1  }
.Ltmp9:
0x100: {  	(pc) =	sbr.rel @p0 .LBB2_20-.Ltmp9, $4  }
0x101: {  	v4 =	vmax.f32 v4, v0  }
0x102: {  	s15 =	sshra.s32 s14, $0x2;
	[tilespmem:s13+$0x8000] =	vst v4;
	v3 =	vmax.f32 v3, v1  }
0x103: {  	v4 =	vld [tilespmem:s15+$0x8000];
	[tilespmem:s13+$0x8010] =	vst v3;
	v5 =	vmax.f32 v5, v2  }
0x104: {  	s14 =	sadd.s32 $0x200, s14;
	v3 =	vld [tilespmem:s15+$0x8010];
	[tilespmem:s13+$0x8020] =	vst v5;
	s13 =	smov.u32 s15  }
0x105: {  	v5 =	vld [tilespmem:s13+$0x8020];
	_ =	sdelay $0x2  }
0x106: {  	v4 =	vmax.f32 v4, v0  }
0x107: {  	[tilespmem:s13+$0x8000] =	vst v4;
	v3 =	vmax.f32 v3, v1  }
0x108: {  	[tilespmem:s13+$0x8010] =	vst v3;
	v3 =	vmax.f32 v5, v2  }
0x109: {  	s14 =	rddreg [dreg:$0x14];
	[tilespmem:s13+$0x8020] =	vst v3;
	s13 =	simm.s32 $0x0  }
0x10a: {  	[hbm4b:s14+s13] =	stream.linear.scatter [tilespmem:s7], [sflag:$0x4], $0x8000, $0x38;
	[tilespmem:$0x10000] =	vst v63  }
0x10b: {  	_ =	swait.ge [sflag:s11], $0x8000  }
0x10c: {  	[sflag:s11] =	ssyncset.done $0x0  }
0x10d: {  	s15 =	rddreg [dreg:$0x17];
	[sflag:s11] =	ssyncadd.s32 $0xFFFF8000  }
0x10e: {  	[tilespmem:s7], [sflag:$0x2] =	stream.linear.gather [hbm4b:s15+s13], $0x8000, $0x38;
	[tilespmem:$0x10000] =	vst v63  }
0x10f: {  	_ =	swait.ge [sflag:s8], $0x8000  }
0x110: {  	[sflag:s8] =	ssyncset.done $0x0  }
0x111: {  	s13 =	simm.s32 $0x0;
	[sflag:s8] =	ssyncadd.s32 $0xFFFF8000  }
0x112: {  	v4 =	vld [tilespmem:s13+$0x0]  }
0x113: {  	s14 =	simm.s32 $0x200;
	v3 =	vld [tilespmem:s13+$0x10]  }
.LBB2_22:
0x114: {  	p0 =	sne.s32 s14, $0x1FE00;
	v5 =	vld [tilespmem:s13+$0x20];
	_ =	sdelay $0x1  }
.Ltmp10:
0x115: {  	(pc) =	sbr.rel @p0 .LBB2_22-.Ltmp10, $4  }
0x116: {  	v4 =	vmax.f32 v4, v0  }
0x117: {  	s15 =	sshra.s32 s14, $0x2;
	[tilespmem:s13+$0x0] =	vst v4;
	v3 =	vmax.f32 v3, v1  }
0x118: {  	v4 =	vld [tilespmem:s15+$0x0];
	[tilespmem:s13+$0x10] =	vst v3;
	v5 =	vmax.f32 v5, v2  }
0x119: {  	s14 =	sadd.s32 $0x200, s14;
	v3 =	vld [tilespmem:s15+$0x10];
	[tilespmem:s13+$0x20] =	vst v5;
	s13 =	smov.u32 s15  }
0x11a: {  	v5 =	vld [tilespmem:s13+$0x20];
	_ =	sdelay $0x2  }
0x11b: {  	v4 =	vmax.f32 v4, v0  }
0x11c: {  	[tilespmem:s13+$0x0] =	vst v4;
	v3 =	vmax.f32 v3, v1  }
0x11d: {  	[tilespmem:s13+$0x10] =	vst v3;
	v3 =	vmax.f32 v5, v2  }
0x11e: {  	s14 =	rddreg [dreg:$0x16];
	[tilespmem:s13+$0x20] =	vst v3;
	s13 =	simm.s32 $0x0  }
0x11f: {  	[hbm4b:s14+s13] =	stream.linear.scatter [tilespmem:s13], [sflag:$0x3], $0x8000, $0x38;
	[tilespmem:$0x10000] =	vst v63  }
0x120: {  	_ =	swait.ge [sflag:s9], $0x8000  }
0x121: {  	[sflag:s9] =	ssyncset.done $0x0  }
0x122: {  	s15 =	rddreg [dreg:$0x19];
	[sflag:s9] =	ssyncadd.s32 $0xFFFF8000  }
0x123: {  	[tilespmem:s13], [sflag:$0x1] =	stream.linear.gather [hbm4b:s15+s13], $0x8000, $0x38;
	[tilespmem:$0x10000] =	vst v63  }
0x124: {  	_ =	swait.ge [sflag:s10], $0x8000  }
0x125: {  	[sflag:s10] =	ssyncset.done $0x0  }
0x126: {  	s13 =	simm.s32 $0x0;
	[sflag:s10] =	ssyncadd.s32 $0xFFFF8000  }
0x127: {  	v4 =	vld [tilespmem:s13+$0x8000]  }
0x128: {  	s14 =	simm.s32 $0x200;
	v3 =	vld [tilespmem:s13+$0x8010]  }
.LBB2_24:
0x129: {  	p0 =	sne.s32 s14, $0x1FE00;
	v5 =	vld [tilespmem:s13+$0x8020];
	_ =	sdelay $0x1  }
.Ltmp11:
0x12a: {  	(pc) =	sbr.rel @p0 .LBB2_24-.Ltmp11, $4  }
0x12b: {  	v4 =	vmax.f32 v4, v0  }
0x12c: {  	s15 =	sshra.s32 s14, $0x2;
	[tilespmem:s13+$0x8000] =	vst v4;
	v3 =	vmax.f32 v3, v1  }
0x12d: {  	v4 =	vld [tilespmem:s15+$0x8000];
	[tilespmem:s13+$0x8010] =	vst v3;
	v5 =	vmax.f32 v5, v2  }
0x12e: {  	s14 =	sadd.s32 $0x200, s14;
	v3 =	vld [tilespmem:s15+$0x8010];
	[tilespmem:s13+$0x8020] =	vst v5;
	s13 =	smov.u32 s15  }
0x12f: {  	v5 =	vld [tilespmem:s13+$0x8020];
	_ =	sdelay $0x2  }
0x130: {  	v4 =	vmax.f32 v4, v0  }
0x131: {  	[tilespmem:s13+$0x8000] =	vst v4;
	v3 =	vmax.f32 v3, v1  }
0x132: {  	[tilespmem:s13+$0x8010] =	vst v3;
	v3 =	vmax.f32 v5, v2  }
0x133: {  	s14 =	rddreg [dreg:$0x18];
	[tilespmem:s13+$0x8020] =	vst v3;
	s13 =	simm.s32 $0x0  }
0x134: {  	[hbm4b:s14+s13] =	stream.linear.scatter [tilespmem:s7], [sflag:$0x4], $0x8000, $0x38;
	[tilespmem:$0x10000] =	vst v63  }
0x135: {  	_ =	swait.ge [sflag:s11], $0x8000  }
0x136: {  	[sflag:s11] =	ssyncset.done $0x0  }
0x137: {  	s15 =	rddreg [dreg:$0x1b];
	[sflag:s11] =	ssyncadd.s32 $0xFFFF8000  }
0x138: {  	[tilespmem:s7], [sflag:$0x2] =	stream.linear.gather [hbm4b:s15+s13], $0x8000, $0x38;
	[tilespmem:$0x10000] =	vst v63  }
0x139: {  	_ =	swait.ge [sflag:s8], $0x8000  }
0x13a: {  	[sflag:s8] =	ssyncset.done $0x0  }
0x13b: {  	s13 =	simm.s32 $0x0;
	[sflag:s8] =	ssyncadd.s32 $0xFFFF8000  }
0x13c: {  	v4 =	vld [tilespmem:s13+$0x0]  }
0x13d: {  	s14 =	simm.s32 $0x200;
	v3 =	vld [tilespmem:s13+$0x10]  }
.LBB2_26:
0x13e: {  	p0 =	sne.s32 s14, $0x1FE00;
	v5 =	vld [tilespmem:s13+$0x20];
	_ =	sdelay $0x1  }
.Ltmp12:
0x13f: {  	(pc) =	sbr.rel @p0 .LBB2_26-.Ltmp12, $4  }
0x140: {  	v4 =	vmax.f32 v4, v0  }
0x141: {  	s15 =	sshra.s32 s14, $0x2;
	[tilespmem:s13+$0x0] =	vst v4;
	v3 =	vmax.f32 v3, v1  }
0x142: {  	v4 =	vld [tilespmem:s15+$0x0];
	[tilespmem:s13+$0x10] =	vst v3;
	v5 =	vmax.f32 v5, v2  }
0x143: {  	s14 =	sadd.s32 $0x200, s14;
	v3 =	vld [tilespmem:s15+$0x10];
	[tilespmem:s13+$0x20] =	vst v5;
	s13 =	smov.u32 s15  }
0x144: {  	v5 =	vld [tilespmem:s13+$0x20];
	_ =	sdelay $0x2  }
0x145: {  	v4 =	vmax.f32 v4, v0  }
0x146: {  	[tilespmem:s13+$0x0] =	vst v4;
	v3 =	vmax.f32 v3, v1  }
0x147: {  	[tilespmem:s13+$0x10] =	vst v3;
	v3 =	vmax.f32 v5, v2  }
0x148: {  	s14 =	rddreg [dreg:$0x1a];
	[tilespmem:s13+$0x20] =	vst v3;
	s13 =	simm.s32 $0x0  }
0x149: {  	[hbm4b:s14+s13] =	stream.linear.scatter [tilespmem:s13], [sflag:$0x3], $0x8000, $0x38;
	[tilespmem:$0x10000] =	vst v63  }
0x14a: {  	_ =	swait.ge [sflag:s9], $0x8000  }
0x14b: {  	[sflag:s9] =	ssyncset.done $0x0  }
0x14c: {  	s15 =	rddreg [dreg:$0x1d];
	[sflag:s9] =	ssyncadd.s32 $0xFFFF8000  }
0x14d: {  	[tilespmem:s13], [sflag:$0x1] =	stream.linear.gather [hbm4b:s15+s13], $0x8000, $0x38;
	[tilespmem:$0x10000] =	vst v63  }
0x14e: {  	_ =	swait.ge [sflag:s10], $0x8000  }
0x14f: {  	[sflag:s10] =	ssyncset.done $0x0  }
0x150: {  	s13 =	simm.s32 $0x0;
	[sflag:s10] =	ssyncadd.s32 $0xFFFF8000  }
0x151: {  	v4 =	vld [tilespmem:s13+$0x8000]  }
0x152: {  	s14 =	simm.s32 $0x200;
	v3 =	vld [tilespmem:s13+$0x8010]  }
.LBB2_28:
0x153: {  	p0 =	sne.s32 s14, $0x1FE00;
	v5 =	vld [tilespmem:s13+$0x8020];
	_ =	sdelay $0x1  }
.Ltmp13:
0x154: {  	(pc) =	sbr.rel @p0 .LBB2_28-.Ltmp13, $4  }
0x155: {  	v4 =	vmax.f32 v4, v0  }
0x156: {  	s15 =	sshra.s32 s14, $0x2;
	[tilespmem:s13+$0x8000] =	vst v4;
	v3 =	vmax.f32 v3, v1  }
0x157: {  	v4 =	vld [tilespmem:s15+$0x8000];
	[tilespmem:s13+$0x8010] =	vst v3;
	v5 =	vmax.f32 v5, v2  }
0x158: {  	s14 =	sadd.s32 $0x200, s14;
	v3 =	vld [tilespmem:s15+$0x8010];
	[tilespmem:s13+$0x8020] =	vst v5;
	s13 =	smov.u32 s15  }
0x159: {  	v5 =	vld [tilespmem:s13+$0x8020];
	_ =	sdelay $0x2  }
0x15a: {  	v4 =	vmax.f32 v4, v0  }
0x15b: {  	[tilespmem:s13+$0x8000] =	vst v4;
	v3 =	vmax.f32 v3, v1  }
0x15c: {  	[tilespmem:s13+$0x8010] =	vst v3;
	v3 =	vmax.f32 v5, v2  }
0x15d: {  	s14 =	rddreg [dreg:$0x1c];
	[tilespmem:s13+$0x8020] =	vst v3;
	s13 =	simm.s32 $0x0  }
0x15e: {  	[hbm4b:s14+s13] =	stream.linear.scatter [tilespmem:s7], [sflag:$0x4], $0x8000, $0x38;
	[tilespmem:$0x10000] =	vst v63  }
0x15f: {  	_ =	swait.ge [sflag:s11], $0x8000  }
0x160: {  	[sflag:s11] =	ssyncset.done $0x0  }
0x161: {  	s15 =	rddreg [dreg:$0x1f];
	[sflag:s11] =	ssyncadd.s32 $0xFFFF8000  }
0x162: {  	[tilespmem:s7], [sflag:$0x2] =	stream.linear.gather [hbm4b:s15+s13], $0x8000, $0x38;
	[tilespmem:$0x10000] =	vst v63  }
0x163: {  	_ =	swait.ge [sflag:s8], $0x8000  }
0x164: {  	[sflag:s8] =	ssyncset.done $0x0  }
0x165: {  	s13 =	simm.s32 $0x0;
	[sflag:s8] =	ssyncadd.s32 $0xFFFF8000  }
0x166: {  	v4 =	vld [tilespmem:s13+$0x0]  }
0x167: {  	s14 =	simm.s32 $0x200;
	v3 =	vld [tilespmem:s13+$0x10]  }
.LBB2_30:
0x168: {  	p0 =	sne.s32 s14, $0x1FE00;
	v5 =	vld [tilespmem:s13+$0x20];
	_ =	sdelay $0x1  }
.Ltmp14:
0x169: {  	(pc) =	sbr.rel @p0 .LBB2_30-.Ltmp14, $4  }
0x16a: {  	v4 =	vmax.f32 v4, v0  }
0x16b: {  	s15 =	sshra.s32 s14, $0x2;
	[tilespmem:s13+$0x0] =	vst v4;
	v3 =	vmax.f32 v3, v1  }
0x16c: {  	v4 =	vld [tilespmem:s15+$0x0];
	[tilespmem:s13+$0x10] =	vst v3;
	v5 =	vmax.f32 v5, v2  }
0x16d: {  	s14 =	sadd.s32 $0x200, s14;
	v3 =	vld [tilespmem:s15+$0x10];
	[tilespmem:s13+$0x20] =	vst v5;
	s13 =	smov.u32 s15  }
0x16e: {  	v5 =	vld [tilespmem:s13+$0x20];
	_ =	sdelay $0x2  }
0x16f: {  	v4 =	vmax.f32 v4, v0  }
0x170: {  	[tilespmem:s13+$0x0] =	vst v4;
	v3 =	vmax.f32 v3, v1  }
0x171: {  	[tilespmem:s13+$0x10] =	vst v3;
	v3 =	vmax.f32 v5, v2  }
0x172: {  	s14 =	rddreg [dreg:$0x1e];
	[tilespmem:s13+$0x20] =	vst v3;
	s13 =	simm.s32 $0x0  }
0x173: {  	[hbm4b:s14+s13] =	stream.linear.scatter [tilespmem:s13], [sflag:$0x3], $0x8000, $0x38;
	[tilespmem:$0x10000] =	vst v63  }
0x174: {  	_ =	swait.ge [sflag:s9], $0x8000  }
0x175: {  	s15 =	sld [smem:$0x7F0]  }
0x176: {  	[sflag:s9] =	ssyncset.done $0x0  }
0x177: {  	[sflag:s9] =	ssyncadd.s32 $0xFFFF8000  }
0x178: {  	[tilespmem:s13], [sflag:$0x1] =	stream.linear.gather [hbm4b:s15+s13], $0x8000, $0x38;
	[tilespmem:$0x10000] =	vst v63  }
0x179: {  	_ =	swait.ge [sflag:s10], $0x8000  }
0x17a: {  	[sflag:s10] =	ssyncset.done $0x0  }
0x17b: {  	s13 =	simm.s32 $0x0;
	[sflag:s10] =	ssyncadd.s32 $0xFFFF8000  }
0x17c: {  	v4 =	vld [tilespmem:s13+$0x8000]  }
0x17d: {  	s14 =	simm.s32 $0x200;
	v3 =	vld [tilespmem:s13+$0x8010]  }
.LBB2_32:
0x17e: {  	p0 =	sne.s32 s14, $0x1FE00;
	v5 =	vld [tilespmem:s13+$0x8020];
	_ =	sdelay $0x1  }
.Ltmp15:
0x17f: {  	(pc) =	sbr.rel @p0 .LBB2_32-.Ltmp15, $4  }
0x180: {  	v4 =	vmax.f32 v4, v0  }
0x181: {  	s15 =	sshra.s32 s14, $0x2;
	[tilespmem:s13+$0x8000] =	vst v4;
	v3 =	vmax.f32 v3, v1  }
0x182: {  	v4 =	vld [tilespmem:s15+$0x8000];
	[tilespmem:s13+$0x8010] =	vst v3;
	v5 =	vmax.f32 v5, v2  }
0x183: {  	s14 =	sadd.s32 $0x200, s14;
	v3 =	vld [tilespmem:s15+$0x8010];
	[tilespmem:s13+$0x8020] =	vst v5;
	s13 =	smov.u32 s15  }
0x184: {  	v5 =	vld [tilespmem:s13+$0x8020];
	_ =	sdelay $0x2  }
0x185: {  	v4 =	vmax.f32 v4, v0  }
0x186: {  	s14 =	sld [smem:$0x7EF];
	[tilespmem:s13+$0x8000] =	vst v4;
	v3 =	vmax.f32 v3, v1  }
0x187: {  	[tilespmem:s13+$0x8010] =	vst v3;
	v3 =	vmax.f32 v5, v2  }
0x188: {  	[tilespmem:s13+$0x8020] =	vst v3;
	s13 =	simm.s32 $0x0  }
0x189: {  	[hbm4b:s14+s13] =	stream.linear.scatter [tilespmem:s7], [sflag:$0x4], $0x8000, $0x38;
	[tilespmem:$0x10000] =	vst v63  }
0x18a: {  	_ =	swait.ge [sflag:s11], $0x8000  }
0x18b: {  	s15 =	sld [smem:$0x7F2]  }
0x18c: {  	[sflag:s11] =	ssyncset.done $0x0  }
0x18d: {  	[sflag:s11] =	ssyncadd.s32 $0xFFFF8000  }
0x18e: {  	[tilespmem:s7], [sflag:$0x2] =	stream.linear.gather [hbm4b:s15+s13], $0x8000, $0x38;
	[tilespmem:$0x10000] =	vst v63  }
0x18f: {  	_ =	swait.ge [sflag:s8], $0x8000  }
0x190: {  	[sflag:s8] =	ssyncset.done $0x0  }
0x191: {  	s13 =	simm.s32 $0x0;
	[sflag:s8] =	ssyncadd.s32 $0xFFFF8000  }
0x192: {  	v4 =	vld [tilespmem:s13+$0x0]  }
0x193: {  	s14 =	simm.s32 $0x200;
	v3 =	vld [tilespmem:s13+$0x10]  }
.LBB2_34:
0x194: {  	p0 =	sne.s32 s14, $0x1FE00;
	v5 =	vld [tilespmem:s13+$0x20];
	_ =	sdelay $0x1  }
.Ltmp16:
0x195: {  	(pc) =	sbr.rel @p0 .LBB2_34-.Ltmp16, $4  }
0x196: {  	v4 =	vmax.f32 v4, v0  }
0x197: {  	s15 =	sshra.s32 s14, $0x2;
	[tilespmem:s13+$0x0] =	vst v4;
	v3 =	vmax.f32 v3, v1  }
0x198: {  	v4 =	vld [tilespmem:s15+$0x0];
	[tilespmem:s13+$0x10] =	vst v3;
	v5 =	vmax.f32 v5, v2  }
0x199: {  	s14 =	sadd.s32 $0x200, s14;
	v3 =	vld [tilespmem:s15+$0x10];
	[tilespmem:s13+$0x20] =	vst v5;
	s13 =	smov.u32 s15  }
0x19a: {  	v5 =	vld [tilespmem:s13+$0x20];
	_ =	sdelay $0x2  }
0x19b: {  	v4 =	vmax.f32 v4, v0  }
0x19c: {  	s14 =	sld [smem:$0x7F1];
	[tilespmem:s13+$0x0] =	vst v4;
	v3 =	vmax.f32 v3, v1  }
0x19d: {  	[tilespmem:s13+$0x10] =	vst v3;
	v3 =	vmax.f32 v5, v2  }
0x19e: {  	[tilespmem:s13+$0x20] =	vst v3;
	s13 =	simm.s32 $0x0  }
0x19f: {  	[hbm4b:s14+s13] =	stream.linear.scatter [tilespmem:s13], [sflag:$0x3], $0x8000, $0x38;
	[tilespmem:$0x10000] =	vst v63  }
0x1a0: {  	_ =	swait.ge [sflag:s9], $0x8000  }
0x1a1: {  	s15 =	sld [smem:$0x7F4]  }
0x1a2: {  	[sflag:s9] =	ssyncset.done $0x0  }
0x1a3: {  	[sflag:s9] =	ssyncadd.s32 $0xFFFF8000  }
0x1a4: {  	[tilespmem:s13], [sflag:$0x1] =	stream.linear.gather [hbm4b:s15+s13], $0x8000, $0x38;
	[tilespmem:$0x10000] =	vst v63  }
0x1a5: {  	_ =	swait.ge [sflag:s10], $0x8000  }
0x1a6: {  	[sflag:s10] =	ssyncset.done $0x0  }
0x1a7: {  	s13 =	simm.s32 $0x0;
	[sflag:s10] =	ssyncadd.s32 $0xFFFF8000  }
0x1a8: {  	v4 =	vld [tilespmem:s13+$0x8000]  }
0x1a9: {  	s14 =	simm.s32 $0x200;
	v3 =	vld [tilespmem:s13+$0x8010]  }
.LBB2_36:
0x1aa: {  	p0 =	sne.s32 s14, $0x1FE00;
	v5 =	vld [tilespmem:s13+$0x8020];
	_ =	sdelay $0x1  }
.Ltmp17:
0x1ab: {  	(pc) =	sbr.rel @p0 .LBB2_36-.Ltmp17, $4  }
0x1ac: {  	v4 =	vmax.f32 v4, v0  }
0x1ad: {  	s15 =	sshra.s32 s14, $0x2;
	[tilespmem:s13+$0x8000] =	vst v4;
	v3 =	vmax.f32 v3, v1  }
0x1ae: {  	v4 =	vld [tilespmem:s15+$0x8000];
	[tilespmem:s13+$0x8010] =	vst v3;
	v5 =	vmax.f32 v5, v2  }
0x1af: {  	s14 =	sadd.s32 $0x200, s14;
	v3 =	vld [tilespmem:s15+$0x8010];
	[tilespmem:s13+$0x8020] =	vst v5;
	s13 =	smov.u32 s15  }
0x1b0: {  	v5 =	vld [tilespmem:s13+$0x8020];
	_ =	sdelay $0x2  }
0x1b1: {  	v4 =	vmax.f32 v4, v0  }
0x1b2: {  	s14 =	sld [smem:$0x7F3];
	[tilespmem:s13+$0x8000] =	vst v4;
	v3 =	vmax.f32 v3, v1  }
0x1b3: {  	[tilespmem:s13+$0x8010] =	vst v3;
	v3 =	vmax.f32 v5, v2  }
0x1b4: {  	[tilespmem:s13+$0x8020] =	vst v3;
	s13 =	simm.s32 $0x0  }
0x1b5: {  	[hbm4b:s14+s13] =	stream.linear.scatter [tilespmem:s7], [sflag:$0x4], $0x8000, $0x38;
	[tilespmem:$0x10000] =	vst v63  }
0x1b6: {  	_ =	swait.ge [sflag:s11], $0x8000  }
0x1b7: {  	s15 =	sld [smem:$0x7F6]  }
0x1b8: {  	[sflag:s11] =	ssyncset.done $0x0  }
0x1b9: {  	[sflag:s11] =	ssyncadd.s32 $0xFFFF8000  }
0x1ba: {  	[tilespmem:s7], [sflag:$0x2] =	stream.linear.gather [hbm4b:s15+s13], $0x8000, $0x38;
	[tilespmem:$0x10000] =	vst v63  }
0x1bb: {  	_ =	swait.ge [sflag:s8], $0x8000  }
0x1bc: {  	[sflag:s8] =	ssyncset.done $0x0  }
0x1bd: {  	s13 =	simm.s32 $0x0;
	[sflag:s8] =	ssyncadd.s32 $0xFFFF8000  }
0x1be: {  	v4 =	vld [tilespmem:s13+$0x0]  }
0x1bf: {  	s14 =	simm.s32 $0x200;
	v3 =	vld [tilespmem:s13+$0x10]  }
.LBB2_38:
0x1c0: {  	p0 =	sne.s32 s14, $0x1FE00;
	v5 =	vld [tilespmem:s13+$0x20];
	_ =	sdelay $0x1  }
.Ltmp18:
0x1c1: {  	(pc) =	sbr.rel @p0 .LBB2_38-.Ltmp18, $4  }
0x1c2: {  	v4 =	vmax.f32 v4, v0  }
0x1c3: {  	s15 =	sshra.s32 s14, $0x2;
	[tilespmem:s13+$0x0] =	vst v4;
	v3 =	vmax.f32 v3, v1  }
0x1c4: {  	v4 =	vld [tilespmem:s15+$0x0];
	[tilespmem:s13+$0x10] =	vst v3;
	v5 =	vmax.f32 v5, v2  }
0x1c5: {  	s14 =	sadd.s32 $0x200, s14;
	v3 =	vld [tilespmem:s15+$0x10];
	[tilespmem:s13+$0x20] =	vst v5;
	s13 =	smov.u32 s15  }
0x1c6: {  	v5 =	vld [tilespmem:s13+$0x20];
	_ =	sdelay $0x2  }
0x1c7: {  	v4 =	vmax.f32 v4, v0  }
0x1c8: {  	s14 =	sld [smem:$0x7F5];
	[tilespmem:s13+$0x0] =	vst v4;
	v3 =	vmax.f32 v3, v1  }
0x1c9: {  	[tilespmem:s13+$0x10] =	vst v3;
	v3 =	vmax.f32 v5, v2  }
0x1ca: {  	[tilespmem:s13+$0x20] =	vst v3;
	s13 =	simm.s32 $0x0  }
0x1cb: {  	[hbm4b:s14+s13] =	stream.linear.scatter [tilespmem:s13], [sflag:$0x3], $0x8000, $0x38;
	[tilespmem:$0x10000] =	vst v63  }
0x1cc: {  	_ =	swait.ge [sflag:s9], $0x8000  }
0x1cd: {  	s15 =	sld [smem:$0x7F8]  }
0x1ce: {  	[sflag:s9] =	ssyncset.done $0x0  }
0x1cf: {  	[sflag:s9] =	ssyncadd.s32 $0xFFFF8000  }
0x1d0: {  	[tilespmem:s13], [sflag:$0x1] =	stream.linear.gather [hbm4b:s15+s13], $0x8000, $0x38;
	[tilespmem:$0x10000] =	vst v63  }
0x1d1: {  	_ =	swait.ge [sflag:s10], $0x8000  }
0x1d2: {  	[sflag:s10] =	ssyncset.done $0x0  }
0x1d3: {  	s13 =	simm.s32 $0x0;
	[sflag:s10] =	ssyncadd.s32 $0xFFFF8000  }
0x1d4: {  	v4 =	vld [tilespmem:s13+$0x8000]  }
0x1d5: {  	s14 =	simm.s32 $0x200;
	v3 =	vld [tilespmem:s13+$0x8010]  }
.LBB2_40:
0x1d6: {  	p0 =	sne.s32 s14, $0x1FE00;
	v5 =	vld [tilespmem:s13+$0x8020];
	_ =	sdelay $0x1  }
.Ltmp19:
0x1d7: {  	(pc) =	sbr.rel @p0 .LBB2_40-.Ltmp19, $4  }
0x1d8: {  	v4 =	vmax.f32 v4, v0  }
0x1d9: {  	s15 =	sshra.s32 s14, $0x2;
	[tilespmem:s13+$0x8000] =	vst v4;
	v3 =	vmax.f32 v3, v1  }
0x1da: {  	v4 =	vld [tilespmem:s15+$0x8000];
	[tilespmem:s13+$0x8010] =	vst v3;
	v5 =	vmax.f32 v5, v2  }
0x1db: {  	s14 =	sadd.s32 $0x200, s14;
	v3 =	vld [tilespmem:s15+$0x8010];
	[tilespmem:s13+$0x8020] =	vst v5;
	s13 =	smov.u32 s15  }
0x1dc: {  	v5 =	vld [tilespmem:s13+$0x8020];
	_ =	sdelay $0x2  }
0x1dd: {  	v4 =	vmax.f32 v4, v0  }
0x1de: {  	s14 =	sld [smem:$0x7F7];
	[tilespmem:s13+$0x8000] =	vst v4;
	v3 =	vmax.f32 v3, v1  }
0x1df: {  	[tilespmem:s13+$0x8010] =	vst v3;
	v3 =	vmax.f32 v5, v2  }
0x1e0: {  	[tilespmem:s13+$0x8020] =	vst v3;
	s13 =	simm.s32 $0x0  }
0x1e1: {  	[hbm4b:s14+s13] =	stream.linear.scatter [tilespmem:s7], [sflag:$0x4], $0x8000, $0x38;
	[tilespmem:$0x10000] =	vst v63  }
0x1e2: {  	_ =	swait.ge [sflag:s11], $0x8000  }
0x1e3: {  	s15 =	sld [smem:$0x7FA]  }
0x1e4: {  	[sflag:s11] =	ssyncset.done $0x0  }
0x1e5: {  	[sflag:s11] =	ssyncadd.s32 $0xFFFF8000  }
0x1e6: {  	[tilespmem:s7], [sflag:$0x2] =	stream.linear.gather [hbm4b:s15+s13], $0x8000, $0x38;
	[tilespmem:$0x10000] =	vst v63  }
0x1e7: {  	_ =	swait.ge [sflag:s8], $0x8000  }
0x1e8: {  	[sflag:s8] =	ssyncset.done $0x0  }
0x1e9: {  	s13 =	simm.s32 $0x0;
	[sflag:s8] =	ssyncadd.s32 $0xFFFF8000  }
0x1ea: {  	v4 =	vld [tilespmem:s13+$0x0]  }
0x1eb: {  	s14 =	simm.s32 $0x200;
	v3 =	vld [tilespmem:s13+$0x10]  }
.LBB2_42:
0x1ec: {  	p0 =	sne.s32 s14, $0x1FE00;
	v5 =	vld [tilespmem:s13+$0x20];
	_ =	sdelay $0x1  }
.Ltmp20:
0x1ed: {  	(pc) =	sbr.rel @p0 .LBB2_42-.Ltmp20, $4  }
0x1ee: {  	v4 =	vmax.f32 v4, v0  }
0x1ef: {  	s15 =	sshra.s32 s14, $0x2;
	[tilespmem:s13+$0x0] =	vst v4;
	v3 =	vmax.f32 v3, v1  }
0x1f0: {  	v4 =	vld [tilespmem:s15+$0x0];
	[tilespmem:s13+$0x10] =	vst v3;
	v5 =	vmax.f32 v5, v2  }
0x1f1: {  	s14 =	sadd.s32 $0x200, s14;
	v3 =	vld [tilespmem:s15+$0x10];
	[tilespmem:s13+$0x20] =	vst v5;
	s13 =	smov.u32 s15  }
0x1f2: {  	v5 =	vld [tilespmem:s13+$0x20];
	_ =	sdelay $0x2  }
0x1f3: {  	v4 =	vmax.f32 v4, v0  }
0x1f4: {  	s14 =	sld [smem:$0x7F9];
	[tilespmem:s13+$0x0] =	vst v4;
	v3 =	vmax.f32 v3, v1  }
0x1f5: {  	[tilespmem:s13+$0x10] =	vst v3;
	v3 =	vmax.f32 v5, v2  }
0x1f6: {  	[tilespmem:s13+$0x20] =	vst v3;
	s13 =	simm.s32 $0x0  }
0x1f7: {  	[hbm4b:s14+s13] =	stream.linear.scatter [tilespmem:s13], [sflag:$0x3], $0x8000, $0x38;
	[tilespmem:$0x10000] =	vst v63  }
0x1f8: {  	_ =	swait.ge [sflag:s9], $0x8000  }
0x1f9: {  	s15 =	sld [smem:$0x7FC]  }
0x1fa: {  	[sflag:s9] =	ssyncset.done $0x0  }
0x1fb: {  	[sflag:s9] =	ssyncadd.s32 $0xFFFF8000  }
0x1fc: {  	[tilespmem:s13], [sflag:$0x1] =	stream.linear.gather [hbm4b:s15+s13], $0x8000, $0x38;
	[tilespmem:$0x10000] =	vst v63  }
0x1fd: {  	_ =	swait.ge [sflag:s10], $0x8000  }
0x1fe: {  	[sflag:s10] =	ssyncset.done $0x0  }
0x1ff: {  	s13 =	simm.s32 $0x0;
	[sflag:s10] =	ssyncadd.s32 $0xFFFF8000  }
0x200: {  	v4 =	vld [tilespmem:s13+$0x8000]  }
0x201: {  	s14 =	simm.s32 $0x200;
	v3 =	vld [tilespmem:s13+$0x8010]  }
.LBB2_44:
0x202: {  	p0 =	sne.s32 s14, $0x1FE00;
	v5 =	vld [tilespmem:s13+$0x8020];
	_ =	sdelay $0x1  }
.Ltmp21:
0x203: {  	(pc) =	sbr.rel @p0 .LBB2_44-.Ltmp21, $4  }
0x204: {  	v4 =	vmax.f32 v4, v0  }
0x205: {  	s15 =	sshra.s32 s14, $0x2;
	[tilespmem:s13+$0x8000] =	vst v4;
	v3 =	vmax.f32 v3, v1  }
0x206: {  	v4 =	vld [tilespmem:s15+$0x8000];
	[tilespmem:s13+$0x8010] =	vst v3;
	v5 =	vmax.f32 v5, v2  }
0x207: {  	s14 =	sadd.s32 $0x200, s14;
	v3 =	vld [tilespmem:s15+$0x8010];
	[tilespmem:s13+$0x8020] =	vst v5;
	s13 =	smov.u32 s15  }
0x208: {  	v5 =	vld [tilespmem:s13+$0x8020];
	_ =	sdelay $0x2  }
0x209: {  	v4 =	vmax.f32 v4, v0  }
0x20a: {  	s14 =	sld [smem:$0x7FB];
	[tilespmem:s13+$0x8000] =	vst v4;
	v3 =	vmax.f32 v3, v1  }
0x20b: {  	[tilespmem:s13+$0x8010] =	vst v3;
	v3 =	vmax.f32 v5, v2  }
0x20c: {  	s15 =	simm.s32 $0x0;
	[tilespmem:s13+$0x8020] =	vst v3  }
0x20d: {  	[hbm4b:s14+s15] =	stream.linear.scatter [tilespmem:s7], [sflag:$0x4], $0x8000, $0x38;
	[tilespmem:$0x10000] =	vst v63  }
0x20e: {  	_ =	swait.ge [sflag:s11], $0x8000  }
0x20f: {  	[sflag:s11] =	ssyncset.done $0x0  }
0x210: {  	[sflag:s11] =	ssyncadd.s32 $0xFFFF8000  }
0x211: {  	[tilespmem:s7], [sflag:$0x2] =	stream.linear.gather [hbm4b:s16+s15], $0x8000, $0x38;
	[tilespmem:$0x10000] =	vst v63  }
0x212: {  	_ =	swait.ge [sflag:s8], $0x8000  }
0x213: {  	[sflag:s8] =	ssyncset.done $0x0  }
0x214: {  	s13 =	simm.s32 $0x0;
	[sflag:s8] =	ssyncadd.s32 $0xFFFF8000  }
0x215: {  	v4 =	vld [tilespmem:s13+$0x0]  }
0x216: {  	s14 =	simm.s32 $0x200;
	v3 =	vld [tilespmem:s13+$0x10]  }
.LBB2_46:
0x217: {  	p0 =	sne.s32 s14, $0x1FE00;
	v5 =	vld [tilespmem:s13+$0x20];
	_ =	sdelay $0x1  }
.Ltmp22:
0x218: {  	(pc) =	sbr.rel @p0 .LBB2_46-.Ltmp22, $4  }
0x219: {  	v4 =	vmax.f32 v4, v0  }
0x21a: {  	s15 =	sshra.s32 s14, $0x2;
	[tilespmem:s13+$0x0] =	vst v4;
	v3 =	vmax.f32 v3, v1  }
0x21b: {  	v4 =	vld [tilespmem:s15+$0x0];
	[tilespmem:s13+$0x10] =	vst v3;
	v5 =	vmax.f32 v5, v2  }
0x21c: {  	s14 =	sadd.s32 $0x200, s14;
	v3 =	vld [tilespmem:s15+$0x10];
	[tilespmem:s13+$0x20] =	vst v5;
	s13 =	smov.u32 s15  }
0x21d: {  	v5 =	vld [tilespmem:s13+$0x20];
	_ =	sdelay $0x2  }
0x21e: {  	v4 =	vmax.f32 v4, v0  }
0x21f: {  	s14 =	sld [smem:$0x7FD];
	[tilespmem:s13+$0x0] =	vst v4;
	v3 =	vmax.f32 v3, v1  }
0x220: {  	[tilespmem:s13+$0x10] =	vst v3;
	v3 =	vmax.f32 v5, v2  }
0x221: {  	s15 =	simm.s32 $0x0;
	[tilespmem:s13+$0x20] =	vst v3  }
0x222: {  	[hbm4b:s14+s15] =	stream.linear.scatter [tilespmem:s15], [sflag:$0x3], $0x8000, $0x38;
	[tilespmem:$0x10000] =	vst v63  }
0x223: {  	_ =	swait.ge [sflag:s9], $0x8000  }
0x224: {  	[sflag:s9] =	ssyncset.done $0x0  }
0x225: {  	[sflag:s9] =	ssyncadd.s32 $0xFFFF8000  }
0x226: {  	[tilespmem:s15], [sflag:$0x1] =	stream.linear.gather [hbm4b:s18+s15], $0x8000, $0x38;
	[tilespmem:$0x10000] =	vst v63  }
0x227: {  	_ =	swait.ge [sflag:s10], $0x8000  }
0x228: {  	[sflag:s10] =	ssyncset.done $0x0  }
0x229: {  	s13 =	simm.s32 $0x0;
	[sflag:s10] =	ssyncadd.s32 $0xFFFF8000  }
0x22a: {  	v4 =	vld [tilespmem:s13+$0x8000]  }
0x22b: {  	s14 =	simm.s32 $0x200;
	v3 =	vld [tilespmem:s13+$0x8010]  }
.LBB2_48:
0x22c: {  	p0 =	sne.s32 s14, $0x1FE00;
	v5 =	vld [tilespmem:s13+$0x8020];
	_ =	sdelay $0x1  }
.Ltmp23:
0x22d: {  	(pc) =	sbr.rel @p0 .LBB2_48-.Ltmp23, $4  }
0x22e: {  	v4 =	vmax.f32 v4, v0  }
0x22f: {  	s15 =	sshra.s32 s14, $0x2;
	[tilespmem:s13+$0x8000] =	vst v4;
	v3 =	vmax.f32 v3, v1  }
0x230: {  	v4 =	vld [tilespmem:s15+$0x8000];
	[tilespmem:s13+$0x8010] =	vst v3;
	v5 =	vmax.f32 v5, v2  }
0x231: {  	s14 =	sadd.s32 $0x200, s14;
	v3 =	vld [tilespmem:s15+$0x8010];
	[tilespmem:s13+$0x8020] =	vst v5;
	s13 =	smov.u32 s15  }
0x232: {  	v5 =	vld [tilespmem:s13+$0x8020];
	_ =	sdelay $0x2  }
0x233: {  	v4 =	vmax.f32 v4, v0  }
0x234: {  	[tilespmem:s13+$0x8000] =	vst v4;
	v3 =	vmax.f32 v3, v1  }
0x235: {  	[tilespmem:s13+$0x8010] =	vst v3;
	v3 =	vmax.f32 v5, v2  }
0x236: {  	s15 =	simm.s32 $0x0;
	[tilespmem:s13+$0x8020] =	vst v3  }
0x237: {  	[hbm4b:s17+s15] =	stream.linear.scatter [tilespmem:s7], [sflag:$0x4], $0x8000, $0x38;
	[tilespmem:$0x10000] =	vst v63  }
0x238: {  	_ =	swait.ge [sflag:s11], $0x8000  }
0x239: {  	[sflag:s11] =	ssyncset.done $0x0  }
0x23a: {  	[sflag:s11] =	ssyncadd.s32 $0xFFFF8000  }
0x23b: {  	[tilespmem:s7], [sflag:$0x2] =	stream.linear.gather [hbm4b:s20+s15], $0x8000, $0x38;
	[tilespmem:$0x10000] =	vst v63  }
0x23c: {  	_ =	swait.ge [sflag:s8], $0x8000  }
0x23d: {  	[sflag:s8] =	ssyncset.done $0x0  }
0x23e: {  	s13 =	simm.s32 $0x0;
	[sflag:s8] =	ssyncadd.s32 $0xFFFF8000  }
0x23f: {  	v4 =	vld [tilespmem:s13+$0x0]  }
0x240: {  	s14 =	simm.s32 $0x200;
	v3 =	vld [tilespmem:s13+$0x10]  }
.LBB2_50:
0x241: {  	p0 =	sne.s32 s14, $0x1FE00;
	v5 =	vld [tilespmem:s13+$0x20];
	_ =	sdelay $0x1  }
.Ltmp24:
0x242: {  	(pc) =	sbr.rel @p0 .LBB2_50-.Ltmp24, $4  }
0x243: {  	v4 =	vmax.f32 v4, v0  }
0x244: {  	s15 =	sshra.s32 s14, $0x2;
	[tilespmem:s13+$0x0] =	vst v4;
	v3 =	vmax.f32 v3, v1  }
0x245: {  	v4 =	vld [tilespmem:s15+$0x0];
	[tilespmem:s13+$0x10] =	vst v3;
	v5 =	vmax.f32 v5, v2  }
0x246: {  	s14 =	sadd.s32 $0x200, s14;
	v3 =	vld [tilespmem:s15+$0x10];
	[tilespmem:s13+$0x20] =	vst v5;
	s13 =	smov.u32 s15  }
0x247: {  	v5 =	vld [tilespmem:s13+$0x20];
	_ =	sdelay $0x2  }
0x248: {  	v4 =	vmax.f32 v4, v0  }
0x249: {  	[tilespmem:s13+$0x0] =	vst v4;
	v3 =	vmax.f32 v3, v1  }
0x24a: {  	[tilespmem:s13+$0x10] =	vst v3;
	v3 =	vmax.f32 v5, v2  }
0x24b: {  	s15 =	simm.s32 $0x0;
	[tilespmem:s13+$0x20] =	vst v3  }
0x24c: {  	[hbm4b:s19+s15] =	stream.linear.scatter [tilespmem:s15], [sflag:$0x3], $0x8000, $0x38;
	[tilespmem:$0x10000] =	vst v63  }
0x24d: {  	_ =	swait.ge [sflag:s9], $0x8000  }
0x24e: {  	[sflag:s9] =	ssyncset.done $0x0  }
0x24f: {  	[sflag:s9] =	ssyncadd.s32 $0xFFFF8000  }
0x250: {  	[tilespmem:s15], [sflag:$0x1] =	stream.linear.gather [hbm4b:s22+s15], $0x8000, $0x38;
	[tilespmem:$0x10000] =	vst v63  }
0x251: {  	_ =	swait.ge [sflag:s10], $0x8000  }
0x252: {  	[sflag:s10] =	ssyncset.done $0x0  }
0x253: {  	s13 =	simm.s32 $0x0;
	[sflag:s10] =	ssyncadd.s32 $0xFFFF8000  }
0x254: {  	v4 =	vld [tilespmem:s13+$0x8000]  }
0x255: {  	s14 =	simm.s32 $0x200;
	v3 =	vld [tilespmem:s13+$0x8010]  }
.LBB2_52:
0x256: {  	p0 =	sne.s32 s14, $0x1FE00;
	v5 =	vld [tilespmem:s13+$0x8020];
	_ =	sdelay $0x1  }
.Ltmp25:
0x257: {  	(pc) =	sbr.rel @p0 .LBB2_52-.Ltmp25, $4  }
0x258: {  	v4 =	vmax.f32 v4, v0  }
0x259: {  	s15 =	sshra.s32 s14, $0x2;
	[tilespmem:s13+$0x8000] =	vst v4;
	v3 =	vmax.f32 v3, v1  }
0x25a: {  	v4 =	vld [tilespmem:s15+$0x8000];
	[tilespmem:s13+$0x8010] =	vst v3;
	v5 =	vmax.f32 v5, v2  }
0x25b: {  	s14 =	sadd.s32 $0x200, s14;
	v3 =	vld [tilespmem:s15+$0x8010];
	[tilespmem:s13+$0x8020] =	vst v5;
	s13 =	smov.u32 s15  }
0x25c: {  	v5 =	vld [tilespmem:s13+$0x8020];
	_ =	sdelay $0x2  }
0x25d: {  	v4 =	vmax.f32 v4, v0  }
0x25e: {  	[tilespmem:s13+$0x8000] =	vst v4;
	v3 =	vmax.f32 v3, v1  }
0x25f: {  	[tilespmem:s13+$0x8010] =	vst v3;
	v3 =	vmax.f32 v5, v2  }
0x260: {  	s15 =	simm.s32 $0x0;
	[tilespmem:s13+$0x8020] =	vst v3  }
0x261: {  	[hbm4b:s21+s15] =	stream.linear.scatter [tilespmem:s7], [sflag:$0x4], $0x8000, $0x38;
	[tilespmem:$0x10000] =	vst v63  }
0x262: {  	_ =	swait.ge [sflag:s11], $0x8000  }
0x263: {  	[sflag:s11] =	ssyncset.done $0x0  }
0x264: {  	[sflag:s11] =	ssyncadd.s32 $0xFFFF8000  }
0x265: {  	[tilespmem:s7], [sflag:$0x2] =	stream.linear.gather [hbm4b:s24+s15], $0x8000, $0x38;
	[tilespmem:$0x10000] =	vst v63  }
0x266: {  	_ =	swait.ge [sflag:s8], $0x8000  }
0x267: {  	[sflag:s8] =	ssyncset.done $0x0  }
0x268: {  	s13 =	simm.s32 $0x0;
	[sflag:s8] =	ssyncadd.s32 $0xFFFF8000  }
0x269: {  	v4 =	vld [tilespmem:s13+$0x0]  }
0x26a: {  	s14 =	simm.s32 $0x200;
	v3 =	vld [tilespmem:s13+$0x10]  }
.LBB2_54:
0x26b: {  	p0 =	sne.s32 s14, $0x1FE00;
	v5 =	vld [tilespmem:s13+$0x20];
	_ =	sdelay $0x1  }
.Ltmp26:
0x26c: {  	(pc) =	sbr.rel @p0 .LBB2_54-.Ltmp26, $4  }
0x26d: {  	v4 =	vmax.f32 v4, v0  }
0x26e: {  	s15 =	sshra.s32 s14, $0x2;
	[tilespmem:s13+$0x0] =	vst v4;
	v3 =	vmax.f32 v3, v1  }
0x26f: {  	v4 =	vld [tilespmem:s15+$0x0];
	[tilespmem:s13+$0x10] =	vst v3;
	v5 =	vmax.f32 v5, v2  }
0x270: {  	s14 =	sadd.s32 $0x200, s14;
	v3 =	vld [tilespmem:s15+$0x10];
	[tilespmem:s13+$0x20] =	vst v5;
	s13 =	smov.u32 s15  }
0x271: {  	v5 =	vld [tilespmem:s13+$0x20];
	_ =	sdelay $0x2  }
0x272: {  	v4 =	vmax.f32 v4, v0  }
0x273: {  	[tilespmem:s13+$0x0] =	vst v4;
	v3 =	vmax.f32 v3, v1  }
0x274: {  	[tilespmem:s13+$0x10] =	vst v3;
	v3 =	vmax.f32 v5, v2  }
0x275: {  	s15 =	simm.s32 $0x0;
	[tilespmem:s13+$0x20] =	vst v3  }
0x276: {  	[hbm4b:s23+s15] =	stream.linear.scatter [tilespmem:s15], [sflag:$0x3], $0x8000, $0x38;
	[tilespmem:$0x10000] =	vst v63  }
0x277: {  	_ =	swait.ge [sflag:s9], $0x8000  }
0x278: {  	[sflag:s9] =	ssyncset.done $0x0  }
0x279: {  	[sflag:s9] =	ssyncadd.s32 $0xFFFF8000  }
0x27a: {  	[tilespmem:s15], [sflag:$0x1] =	stream.linear.gather [hbm4b:s26+s15], $0x8000, $0x38;
	[tilespmem:$0x10000] =	vst v63  }
0x27b: {  	_ =	swait.ge [sflag:s10], $0x8000  }
0x27c: {  	[sflag:s10] =	ssyncset.done $0x0  }
0x27d: {  	s13 =	simm.s32 $0x0;
	[sflag:s10] =	ssyncadd.s32 $0xFFFF8000  }
0x27e: {  	v4 =	vld [tilespmem:s13+$0x8000]  }
0x27f: {  	s14 =	simm.s32 $0x200;
	v3 =	vld [tilespmem:s13+$0x8010]  }
.LBB2_56:
0x280: {  	p0 =	sne.s32 s14, $0x1FE00;
	v5 =	vld [tilespmem:s13+$0x8020];
	_ =	sdelay $0x1  }
.Ltmp27:
0x281: {  	(pc) =	sbr.rel @p0 .LBB2_56-.Ltmp27, $4  }
0x282: {  	v4 =	vmax.f32 v4, v0  }
0x283: {  	s15 =	sshra.s32 s14, $0x2;
	[tilespmem:s13+$0x8000] =	vst v4;
	v3 =	vmax.f32 v3, v1  }
0x284: {  	v4 =	vld [tilespmem:s15+$0x8000];
	[tilespmem:s13+$0x8010] =	vst v3;
	v5 =	vmax.f32 v5, v2  }
0x285: {  	s14 =	sadd.s32 $0x200, s14;
	v3 =	vld [tilespmem:s15+$0x8010];
	[tilespmem:s13+$0x8020] =	vst v5;
	s13 =	smov.u32 s15  }
0x286: {  	v5 =	vld [tilespmem:s13+$0x8020];
	_ =	sdelay $0x2  }
0x287: {  	v4 =	vmax.f32 v4, v0  }
0x288: {  	[tilespmem:s13+$0x8000] =	vst v4;
	v3 =	vmax.f32 v3, v1  }
0x289: {  	[tilespmem:s13+$0x8010] =	vst v3;
	v3 =	vmax.f32 v5, v2  }
0x28a: {  	s15 =	simm.s32 $0x0;
	[tilespmem:s13+$0x8020] =	vst v3  }
0x28b: {  	[hbm4b:s25+s15] =	stream.linear.scatter [tilespmem:s7], [sflag:$0x4], $0x8000, $0x38;
	[tilespmem:$0x10000] =	vst v63  }
0x28c: {  	_ =	swait.ge [sflag:s11], $0x8000  }
0x28d: {  	[sflag:s11] =	ssyncset.done $0x0  }
0x28e: {  	[sflag:s11] =	ssyncadd.s32 $0xFFFF8000  }
0x28f: {  	[tilespmem:s7], [sflag:$0x2] =	stream.linear.gather [hbm4b:s29+s15], $0x8000, $0x38;
	[tilespmem:$0x10000] =	vst v63  }
0x290: {  	_ =	swait.ge [sflag:s8], $0x8000  }
0x291: {  	[sflag:s8] =	ssyncset.done $0x0  }
0x292: {  	s13 =	simm.s32 $0x0;
	[sflag:s8] =	ssyncadd.s32 $0xFFFF8000  }
0x293: {  	v4 =	vld [tilespmem:s13+$0x0]  }
0x294: {  	s14 =	simm.s32 $0x200;
	v3 =	vld [tilespmem:s13+$0x10]  }
.LBB2_58:
0x295: {  	p0 =	sne.s32 s14, $0x1FE00;
	v5 =	vld [tilespmem:s13+$0x20];
	_ =	sdelay $0x1  }
.Ltmp28:
0x296: {  	(pc) =	sbr.rel @p0 .LBB2_58-.Ltmp28, $4  }
0x297: {  	v4 =	vmax.f32 v4, v0  }
0x298: {  	s15 =	sshra.s32 s14, $0x2;
	[tilespmem:s13+$0x0] =	vst v4;
	v3 =	vmax.f32 v3, v1  }
0x299: {  	v4 =	vld [tilespmem:s15+$0x0];
	[tilespmem:s13+$0x10] =	vst v3;
	v5 =	vmax.f32 v5, v2  }
0x29a: {  	s14 =	sadd.s32 $0x200, s14;
	v3 =	vld [tilespmem:s15+$0x10];
	[tilespmem:s13+$0x20] =	vst v5;
	s13 =	smov.u32 s15  }
0x29b: {  	v5 =	vld [tilespmem:s13+$0x20];
	_ =	sdelay $0x2  }
0x29c: {  	v4 =	vmax.f32 v4, v0  }
0x29d: {  	[tilespmem:s13+$0x0] =	vst v4;
	v3 =	vmax.f32 v3, v1  }
0x29e: {  	[tilespmem:s13+$0x10] =	vst v3;
	v3 =	vmax.f32 v5, v2  }
0x29f: {  	s15 =	simm.s32 $0x0;
	[tilespmem:s13+$0x20] =	vst v3  }
0x2a0: {  	[hbm4b:s28+s15] =	stream.linear.scatter [tilespmem:s15], [sflag:$0x3], $0x8000, $0x38;
	[tilespmem:$0x10000] =	vst v63  }
0x2a1: {  	_ =	swait.ge [sflag:s9], $0x8000  }
0x2a2: {  	[sflag:s9] =	ssyncset.done $0x0  }
0x2a3: {  	[sflag:s9] =	ssyncadd.s32 $0xFFFF8000  }
0x2a4: {  	[tilespmem:s15], [sflag:$0x1] =	stream.linear.gather [hbm4b:s2+s15], $0x8000, $0x38;
	[tilespmem:$0x10000] =	vst v63  }
0x2a5: {  	_ =	swait.ge [sflag:s10], $0x8000  }
0x2a6: {  	[sflag:s10] =	ssyncset.done $0x0  }
0x2a7: {  	s13 =	simm.s32 $0x0;
	[sflag:s10] =	ssyncadd.s32 $0xFFFF8000  }
0x2a8: {  	v4 =	vld [tilespmem:s13+$0x8000]  }
0x2a9: {  	s14 =	simm.s32 $0x200;
	v3 =	vld [tilespmem:s13+$0x8010]  }
.LBB2_60:
0x2aa: {  	p0 =	sne.s32 s14, $0x1FE00;
	v5 =	vld [tilespmem:s13+$0x8020];
	_ =	sdelay $0x1  }
.Ltmp29:
0x2ab: {  	(pc) =	sbr.rel @p0 .LBB2_60-.Ltmp29, $4  }
0x2ac: {  	v4 =	vmax.f32 v4, v0  }
0x2ad: {  	s15 =	sshra.s32 s14, $0x2;
	[tilespmem:s13+$0x8000] =	vst v4;
	v3 =	vmax.f32 v3, v1  }
0x2ae: {  	v4 =	vld [tilespmem:s15+$0x8000];
	[tilespmem:s13+$0x8010] =	vst v3;
	v5 =	vmax.f32 v5, v2  }
0x2af: {  	s14 =	sadd.s32 $0x200, s14;
	v3 =	vld [tilespmem:s15+$0x8010];
	[tilespmem:s13+$0x8020] =	vst v5;
	s13 =	smov.u32 s15  }
0x2b0: {  	v5 =	vld [tilespmem:s13+$0x8020];
	_ =	sdelay $0x2  }
0x2b1: {  	v4 =	vmax.f32 v4, v0  }
0x2b2: {  	[tilespmem:s13+$0x8000] =	vst v4;
	v3 =	vmax.f32 v3, v1  }
0x2b3: {  	[tilespmem:s13+$0x8010] =	vst v3;
	v3 =	vmax.f32 v5, v2  }
0x2b4: {  	s15 =	simm.s32 $0x0;
	[tilespmem:s13+$0x8020] =	vst v3  }
0x2b5: {  	[hbm4b:s30+s15] =	stream.linear.scatter [tilespmem:s7], [sflag:$0x4], $0x8000, $0x38;
	[tilespmem:$0x10000] =	vst v63  }
0x2b6: {  	_ =	swait.ge [sflag:s11], $0x8000  }
0x2b7: {  	[sflag:s11] =	ssyncset.done $0x0  }
0x2b8: {  	[sflag:s11] =	ssyncadd.s32 $0xFFFF8000  }
0x2b9: {  	[tilespmem:s7], [sflag:$0x2] =	stream.linear.gather [hbm4b:s3+s15], $0x8000, $0x38;
	[tilespmem:$0x10000] =	vst v63  }
0x2ba: {  	_ =	swait.ge [sflag:s8], $0x8000  }
0x2bb: {  	[sflag:s8] =	ssyncset.done $0x0  }
0x2bc: {  	s13 =	simm.s32 $0x0;
	[sflag:s8] =	ssyncadd.s32 $0xFFFF8000  }
0x2bd: {  	v4 =	vld [tilespmem:s13+$0x0]  }
0x2be: {  	s14 =	simm.s32 $0x200;
	v3 =	vld [tilespmem:s13+$0x10]  }
.LBB2_62:
0x2bf: {  	p0 =	sne.s32 s14, $0x1FE00;
	v5 =	vld [tilespmem:s13+$0x20];
	_ =	sdelay $0x1  }
.Ltmp30:
0x2c0: {  	(pc) =	sbr.rel @p0 .LBB2_62-.Ltmp30, $4  }
0x2c1: {  	v4 =	vmax.f32 v4, v0  }
0x2c2: {  	s15 =	sshra.s32 s14, $0x2;
	[tilespmem:s13+$0x0] =	vst v4;
	v3 =	vmax.f32 v3, v1  }
0x2c3: {  	v4 =	vld [tilespmem:s15+$0x0];
	[tilespmem:s13+$0x10] =	vst v3;
	v5 =	vmax.f32 v5, v2  }
0x2c4: {  	s14 =	sadd.s32 $0x200, s14;
	v3 =	vld [tilespmem:s15+$0x10];
	[tilespmem:s13+$0x20] =	vst v5;
	s13 =	smov.u32 s15  }
0x2c5: {  	v5 =	vld [tilespmem:s13+$0x20];
	_ =	sdelay $0x2  }
0x2c6: {  	v4 =	vmax.f32 v4, v0  }
0x2c7: {  	[tilespmem:s13+$0x0] =	vst v4;
	v3 =	vmax.f32 v3, v1  }
0x2c8: {  	[tilespmem:s13+$0x10] =	vst v3;
	v3 =	vmax.f32 v5, v2  }
0x2c9: {  	s15 =	simm.s32 $0x0;
	[tilespmem:s13+$0x20] =	vst v3  }
0x2ca: {  	[hbm4b:s4+s15] =	stream.linear.scatter [tilespmem:s15], [sflag:$0x3], $0x8000, $0x38;
	[tilespmem:$0x10000] =	vst v63  }
0x2cb: {  	_ =	swait.ge [sflag:s10], $0x8000  }
0x2cc: {  	[sflag:s10] =	ssyncset.done $0x0  }
0x2cd: {  	s13 =	simm.s32 $0x0;
	[sflag:s10] =	ssyncadd.s32 $0xFFFF8000  }
0x2ce: {  	v4 =	vld [tilespmem:s13+$0x8000]  }
0x2cf: {  	s14 =	simm.s32 $0x200;
	v3 =	vld [tilespmem:s13+$0x8010]  }
.LBB2_64:
0x2d0: {  	p0 =	sne.s32 s14, $0x1FE00;
	v5 =	vld [tilespmem:s13+$0x8020];
	_ =	sdelay $0x1  }
.Ltmp31:
0x2d1: {  	(pc) =	sbr.rel @p0 .LBB2_64-.Ltmp31, $4  }
0x2d2: {  	v4 =	vmax.f32 v4, v0  }
0x2d3: {  	s15 =	sshra.s32 s14, $0x2;
	[tilespmem:s13+$0x8000] =	vst v4;
	v3 =	vmax.f32 v3, v1  }
0x2d4: {  	v4 =	vld [tilespmem:s15+$0x8000];
	[tilespmem:s13+$0x8010] =	vst v3;
	v5 =	vmax.f32 v5, v2  }
0x2d5: {  	s14 =	sadd.s32 $0x200, s14;
	v3 =	vld [tilespmem:s15+$0x8010];
	[tilespmem:s13+$0x8020] =	vst v5;
	s13 =	smov.u32 s15  }
0x2d6: {  	v5 =	vld [tilespmem:s13+$0x8020];
	_ =	sdelay $0x2  }
0x2d7: {  	v4 =	vmax.f32 v4, v0  }
0x2d8: {  	[tilespmem:s13+$0x8000] =	vst v4;
	v3 =	vmax.f32 v3, v1  }
0x2d9: {  	[tilespmem:s13+$0x8010] =	vst v3;
	v3 =	vmax.f32 v5, v2  }
0x2da: {  	s12 =	sadd.s32 $0x1, s12;
	[tilespmem:s13+$0x8020] =	vst v3  }
0x2db: {  	[hbm4b:s5+s1] =	stream.linear.scatter [tilespmem:s7], [sflag:$0x4], $0x8000, $0x38;
	[tilespmem:$0x10000] =	vst v63  }
0x2dc: {  	p0 =	sne.s32 s12, s6;
	_ =	swait.ge [sflag:s9], $0x8000  }
.Ltmp32:
0x2dd: {  	[sflag:s9] =	ssyncset.done $0x0;
	(pc) =	sbr.rel @p0 .LBB2_1-.Ltmp32, $4  }
0x2de: {  	[sflag:s9] =	ssyncadd.s32 $0xFFFF8000  }
0x2df: {  	_ =	swait.ge [sflag:s11], $0x8000  }
0x2e0: {  	[sflag:s11] =	ssyncset.done $0x0  }
0x2e1: {  	[sflag:s11] =	ssyncadd.s32 $0xFFFF8000  }
0x2e2: {  	_ =	sfence.sel $0x180000  }
0x2e3: {  	[bflag:$0x0] =	sbarrier.arrive $0xFFFF  }
0x2e4: {  	_ =	strace $0x90000047  }
0x2e5: {  	s0 =	stileid.u32;
	[bflag:$0x2] =	sbarrier.arrive $0xFFFF  }
0x2e6: {  	p0 =	sne.s32 s0, $0x0;
	s0 =	rddreg [dreg:$0x2]  }
0x2e7: {  	s0 =	sadd.s32 @!p0 $0x100000, s0  }
0x2e8: {  	[sflag:s0] =	ssyncadd.tile.s32 @!p0 $0x1;
	_ =	shalt  }
.Lfunc_end2:
_tile_overlayer_lowered:
.L_overlay_start_2:
0x2e9: {  	(tag) =	ssettag $0x2  }
0x2ea: {  	s0 =	rddreg [dreg:$0x0];
	s2 =	stileid.u32  }
0x2eb: {  	s1 =	rddreg [dreg:$0x1];
	p0 =	sne.s32 s2, $0x0  }
0x2ec: {  	s3 =	rddreg [dreg:$0x2];
	[bflag:$0x3] =	sbarrier.arrive $0xFFFF;
	s2 =	simm.s32 @!p0 $0x1C05  }
0x2ed: {  	[timem:s3], [sflag:s2] =	dma.local @!p0 [hbm:s0], s1  }
0x2ee: {  	s0 =	simm.s32 @!p0 $0x5  }
0x2ef: {  	_ =	swait.ge @!p0 [sflag:s0], s1  }
0x2f0: {  	s1 =	ssub.s32 @!p0 $0x0, s1;
	[sflag:s0] =	ssyncset.done @!p0 $0x0  }
0x2f1: {  	[sflag:s0] =	ssyncadd.s32 @!p0 s1  }
0x2f2: {  	[bflag:$0x3] =	sbarrier.arrive $0xFFFF  }
0x2f3: {  	_ =	shalt  }

</sc_bundles>
